<compile_context>
chip_gen: v7x
topology: tpu7x:2x2x1
jax: 0.10.2.dev20260603
libtpu: 0.0.44.dev20260713+nightly
codegen_flags: <defaults>
</compile_context>

<pallas_src>
import jax
import jax.numpy as jnp
from jax import lax
from jax.experimental import pallas as pl
from jax.experimental.pallas import tpu as pltpu
from jax.experimental.pallas import tpu_sc as plsc

N_FIELDS = 22
VOCAB = 12
EMB_DIM = 64
BATCH = 16384

N_PAIRS = N_FIELDS // 2
PAIR_DIM = 2 * EMB_DIM
PAIR_VOCAB = VOCAB * VOCAB
TOTAL_PROWS = BATCH * N_PAIRS
NUM_WORKERS = 32
PROWS_PER_WORKER = TOTAL_PROWS // NUM_WORKERS
ROWS_PER_WORKER = BATCH // NUM_WORKERS
STRIPE = 88
NCHUNKS = PROWS_PER_WORKER // STRIPE
LANES = 16
NBUF = 8
NITER = NCHUNKS // NBUF


def _body(xflat_hbm, ptable_hbm, out_hbm, xbuf, idxbuf, rowsbuf, *sems):
    gsem = sems[:NBUF]
    wsem = sems[NBUF:]
    wid = lax.axis_index("s") * 2 + lax.axis_index("c")
    lane = lax.iota(jnp.int32, LANES)
    pbase = wid * PROWS_PER_WORKER
    row0 = wid * ROWS_PER_WORKER

    pltpu.sync_copy(
        xflat_hbm.at[pl.ds(row0 * N_FIELDS, ROWS_PER_WORKER * N_FIELDS)],
        xbuf)

    TV = []
    PK = []
    for j in range(11):
        q = j * LANES + lane
        t = q % N_PAIRS
        b = q // N_PAIRS
        TV.append(t * PAIR_VOCAB)
        PK.append((b // 8) * STRIPE + t * 8 + (b % 8))

    def id_body(r, c):
        for j in range(11):
            v = plsc.bitcast(xbuf[pl.ds((r * 11 + j) * 2 * LANES, 2 * LANES)],
                             jnp.int32)
            ev = v & 0xFFFF
            od = v >> 16
            plsc.store_scatter(
                idxbuf,
                [jnp.full((LANES,), 176 * r, jnp.int32) + PK[j]],
                ev * VOCAB + od + TV[j])
        return c

    lax.fori_loop(0, PROWS_PER_WORKER // 176, id_body, 0)

    def g_start(slot, g):
        pltpu.async_copy(
            ptable_hbm.at[idxbuf.at[pl.ds(g * STRIPE, STRIPE)]],
            rowsbuf.at[slot], gsem[slot])

    def g_wait(slot, g):
        pltpu.make_async_copy(
            ptable_hbm.at[idxbuf.at[pl.ds(g * STRIPE, STRIPE)]],
            rowsbuf.at[slot], gsem[slot]).wait()

    def w_start(slot, g):
        pltpu.async_copy(
            rowsbuf.at[slot],
            out_hbm.at[pl.ds(pbase + g * STRIPE, STRIPE)], wsem[slot])

    def w_wait(slot, g):
        pltpu.make_async_copy(
            rowsbuf.at[slot],
            out_hbm.at[pl.ds(pbase + g * STRIPE, STRIPE)], wsem[slot]).wait()

    for b in range(NBUF):
        g_start(b, b)

    def block(k, c):
        for b in range(NBUF):
            g_wait(b, k * NBUF + b)
            w_start(b, k * NBUF + b)

        @pl.when(k < NITER - 1)
        def _():
            for b in range(NBUF):
                w_wait(b, k * NBUF + b)
                g_start(b, (k + 1) * NBUF + b)

        return c

    lax.fori_loop(0, NITER, block, 0)

    for b in range(NBUF):
        w_wait(b, (NITER - 1) * NBUF + b)


@jax.jit
def _gather(xflat, ptable):
    mesh = plsc.VectorSubcoreMesh(core_axis_name="c", subcore_axis_name="s")
    return pl.kernel(
        _body,
        out_type=jax.ShapeDtypeStruct((TOTAL_PROWS, PAIR_DIM), jnp.float32),
        mesh=mesh,
        scratch_types=[
            pltpu.VMEM((ROWS_PER_WORKER * N_FIELDS,), jnp.int16),
            pltpu.VMEM((PROWS_PER_WORKER,), jnp.int32),
            pltpu.VMEM((NBUF, STRIPE, PAIR_DIM), jnp.float32),
        ] + [pltpu.SemaphoreType.DMA] * (2 * NBUF),
        compiler_params=pltpu.CompilerParams(
            use_tc_tiling_on_sc=False, needs_layout_passes=False),
    )(xflat, ptable)


def kernel(x, W):
    xflat = x.astype(jnp.int16).reshape(-1)
    We = jnp.broadcast_to(W[0::2][:, :, None, :], (N_PAIRS, VOCAB, VOCAB, EMB_DIM))
    Wo = jnp.broadcast_to(W[1::2][:, None, :, :], (N_PAIRS, VOCAB, VOCAB, EMB_DIM))
    ptable = jnp.concatenate([We, Wo], axis=-1).reshape(N_PAIRS * PAIR_VOCAB, PAIR_DIM)
    out = _gather(xflat, ptable)
    return (out.reshape(BATCH // 8, N_PAIRS, 8, PAIR_DIM)
            .transpose(0, 2, 1, 3)
            .reshape(BATCH, N_FIELDS * EMB_DIM))

# --- scband reference (transcript-rebuilt; emitter-appended) ---
"""Pipeline reference for scband-virtue2-11579231830852 (READ-ONLY COPY).

The authoritative reference and input builder live on the scoring server;
editing this copy changes nothing except your own understanding.
"""

import jax, jax.numpy as jnp
import numpy as np

N_FIELDS = 22
VOCAB = 12
EMB_DIM = 64
BATCH = 16384

def setup_inputs(seed: int = 0) -> dict:
    key = jax.random.key(seed)
    k1, k2 = jax.random.split(key)
    # int64 in spec; jax default config uses int32 unless x64 enabled
    x = jax.random.randint(k1, (BATCH, N_FIELDS), 0, VOCAB)
    # stacked per-field embedding tables: one [VOCAB, EMB_DIM] table per column
    W = 0.02 * jax.random.normal(k2, (N_FIELDS, VOCAB, EMB_DIM), dtype=jnp.float32)
    return {"x": x, "W": W}

def reference(x, W):
    # Per-field embedding lookup: out[b, c, :] = W[c, x[b, c], :]
    cols = jnp.arange(N_FIELDS)[None, :]  # [1, 22]
    emb = W[cols, x]                      # [B, 22, 64] via broadcasted gather
    # concatenate all field embeddings (standard tabular embedding layer output)
    out = emb.reshape(emb.shape[0], N_FIELDS * EMB_DIM)
    return out

if __name__ == "__main__":
    import jax
    _d = setup_inputs()
    print(jax.jit(kernel)(*tuple(_d.values())))

</pallas_src>

<mosaic_0001>
#map = affine_map<(d0, d1) -> (0)>
#map1 = affine_map<(d0, d1) -> (0, 0)>
module attributes {stable_mosaic.version = 14 : i64} {
  func.func @_body(%arg0: i32, %arg1: i32, %arg2: memref<360448xi16, #tpu.memory_space<hbm>>, %arg3: memref<1584x128xf32, #tpu.memory_space<hbm>>, %arg4: memref<180224x128xf32, #tpu.memory_space<hbm>>, %arg5: memref<11264xi16, #tpu.memory_space<vmem>>, %arg6: memref<5632xi32, #tpu.memory_space<vmem>>, %arg7: memref<8x88x128xf32, #tpu.memory_space<vmem>>, %arg8: memref<!tpu.dma_semaphore, #tpu.memory_space<semaphore_mem>>, %arg9: memref<!tpu.dma_semaphore, #tpu.memory_space<semaphore_mem>>, %arg10: memref<!tpu.dma_semaphore, #tpu.memory_space<semaphore_mem>>, %arg11: memref<!tpu.dma_semaphore, #tpu.memory_space<semaphore_mem>>, %arg12: memref<!tpu.dma_semaphore, #tpu.memory_space<semaphore_mem>>, %arg13: memref<!tpu.dma_semaphore, #tpu.memory_space<semaphore_mem>>, %arg14: memref<!tpu.dma_semaphore, #tpu.memory_space<semaphore_mem>>, %arg15: memref<!tpu.dma_semaphore, #tpu.memory_space<semaphore_mem>>, %arg16: memref<!tpu.dma_semaphore, #tpu.memory_space<semaphore_mem>>, %arg17: memref<!tpu.dma_semaphore, #tpu.memory_space<semaphore_mem>>, %arg18: memref<!tpu.dma_semaphore, #tpu.memory_space<semaphore_mem>>, %arg19: memref<!tpu.dma_semaphore, #tpu.memory_space<semaphore_mem>>, %arg20: memref<!tpu.dma_semaphore, #tpu.memory_space<semaphore_mem>>, %arg21: memref<!tpu.dma_semaphore, #tpu.memory_space<semaphore_mem>>, %arg22: memref<!tpu.dma_semaphore, #tpu.memory_space<semaphore_mem>>, %arg23: memref<!tpu.dma_semaphore, #tpu.memory_space<semaphore_mem>>) attributes {dimension_semantics = [#tpu.dimension_semantics<core_parallel>, #tpu.dimension_semantics<subcore_parallel>], iteration_bounds = array<i64: 2, 16>, scalar_prefetch = 0 : i64, scratch_operands = 19 : i64, tpu.core_type = #tpu.core_type<sc_vector_subcore>, window_params = [{transform_indices = #map}, {transform_indices = #map1}, {transform_indices = #map1}]} {
    %mul3A = arith.constant 2 : i32
    %mul3A_0 = arith.muli %arg1, %mul3A : i32
    %add3A = arith.addi %mul3A_0, %arg0 : i32
    %iota3A = tpu.iota {dimensions = array<i32: 0>} : vector<16xi32>
    %mul3A_1 = arith.constant 5632 : i32
    %mul3A_2 = arith.muli %add3A, %mul3A_1 : i32
    %mul3A_3 = arith.constant 512 : i32
    %mul3A_4 = arith.muli %add3A, %mul3A_3 : i32
    %mul3A_5 = arith.constant 22 : i32
    %mul3A_6 = arith.muli %mul3A_4, %mul3A_5 : i32
    "tpu.region"() ({
      %run_scoped3A = tpu.sem_alloc : memref<!tpu.dma_semaphore, #tpu.memory_space<semaphore_mem>>
      %dma_start3A_1526 = tpu.memref_slice %arg2[%mul3A_6] : memref<360448xi16, #tpu.memory_space<hbm>> -> memref<11264xi16, #tpu.memory_space<hbm>>
      %dma_start3A_1527 = tpu.memref_slice %arg2[%mul3A_6] : memref<360448xi16, #tpu.memory_space<hbm>> -> memref<11264xi16, #tpu.memory_space<hbm>>
      tpu.enqueue_dma source(%dma_start3A_1527 : memref<11264xi16, #tpu.memory_space<hbm>>) target(%arg5 : memref<11264xi16, #tpu.memory_space<vmem>>) target_semaphore(%run_scoped3A : memref<!tpu.dma_semaphore, #tpu.memory_space<semaphore_mem>>)
      %dma_wait3A_1528 = tpu.memref_slice %arg2[%mul3A_6] : memref<360448xi16, #tpu.memory_space<hbm>> -> memref<11264xi16, #tpu.memory_space<hbm>>
      %dma_wait3A_1529 = tpu.memref_slice %arg2[%mul3A_6] : memref<360448xi16, #tpu.memory_space<hbm>> -> memref<11264xi16, #tpu.memory_space<hbm>>
      tpu.wait_dma2 semaphore(%run_scoped3A : memref<!tpu.dma_semaphore, #tpu.memory_space<semaphore_mem>>) src(%dma_wait3A_1529 : memref<11264xi16, #tpu.memory_space<hbm>>) dst(%arg5 : memref<11264xi16, #tpu.memory_space<vmem>>)
      tpu.yield
    }) : () -> ()
    %add3A_7 = arith.constant 0 : i32
    %add3A_8 = vector.broadcast %add3A_7 : i32 to vector<16xi32>
    %add3A_9 = arith.addi %add3A_8, %iota3A : vector<16xi32>
    %jit3A = arith.constant 11 : i32
    %eq3A = arith.constant 0 : i32
    %eq3A_10 = arith.cmpi eq, %jit3A, %eq3A : i32
    %jit3A_11 = arith.constant 1 : i32
    %select_n3A = arith.select %eq3A_10, %jit3A_11, %jit3A : i32
    %rem3A = vector.broadcast %select_n3A : i32 to vector<16xi32>
    %rem3A_12 = arith.remsi %add3A_9, %rem3A : vector<16xi32>
    %ne3A = arith.constant 0 : i32
    %ne3A_13 = vector.broadcast %ne3A : i32 to vector<16xi32>
    %ne3A_14 = arith.cmpi ne, %rem3A_12, %ne3A_13 : vector<16xi32>
    %lt3A = arith.constant 0 : i32
    %lt3A_15 = vector.broadcast %lt3A : i32 to vector<16xi32>
    %lt3A_16 = arith.cmpi slt, %rem3A_12, %lt3A_15 : vector<16xi32>
    %lt3A_17 = arith.constant 0 : i32
    %lt3A_18 = arith.cmpi slt, %select_n3A, %lt3A_17 : i32
    %ne3A_19 = vector.broadcast %lt3A_18 : i1 to vector<16xi1>
    %ne3A_20 = vector.broadcast %ne3A_19 : vector<16xi1> to vector<16xi1>
    %ne3A_21 = arith.xori %lt3A_16, %ne3A_20 : vector<16xi1>
    %and3A = arith.andi %ne3A_21, %ne3A_14 : vector<16xi1>
    %add3A_22 = vector.broadcast %select_n3A : i32 to vector<16xi32>
    %add3A_23 = arith.addi %rem3A_12, %add3A_22 : vector<16xi32>
    %select_n3A_24 = arith.select %and3A, %add3A_23, %rem3A_12 : vector<16xi1>, vector<16xi32>
    %jit3A_25 = arith.constant 11 : i32
    %div3A = vector.broadcast %jit3A_25 : i32 to vector<16xi32>
    %div3A_26 = arith.divsi %add3A_9, %div3A : vector<16xi32>
    %sign3A = arith.constant 0 : i32
    %sign3A_27 = vector.broadcast %sign3A : i32 to vector<16xi32>
    %sign3A_28 = arith.cmpi sgt, %add3A_9, %sign3A_27 : vector<16xi32>
    %sign3A_29 = arith.extui %sign3A_28 : vector<16xi1> to vector<16xi32>
    %sign3A_30 = arith.constant 0 : i32
    %sign3A_31 = vector.broadcast %sign3A_30 : i32 to vector<16xi32>
    %sign3A_32 = arith.cmpi slt, %add3A_9, %sign3A_31 : vector<16xi32>
    %sign3A_33 = arith.extui %sign3A_32 : vector<16xi1> to vector<16xi32>
    %sign3A_34 = arith.subi %sign3A_29, %sign3A_33 : vector<16xi32>
    %sign3A_35 = arith.constant 0 : i32
    %sign3A_36 = arith.cmpi sgt, %jit3A_25, %sign3A_35 : i32
    %sign3A_37 = arith.extui %sign3A_36 : i1 to i32
    %sign3A_38 = arith.constant 0 : i32
    %sign3A_39 = arith.cmpi slt, %jit3A_25, %sign3A_38 : i32
    %sign3A_40 = arith.extui %sign3A_39 : i1 to i32
    %sign3A_41 = arith.subi %sign3A_37, %sign3A_40 : i32
    %ne3A_42 = vector.broadcast %sign3A_41 : i32 to vector<16xi32>
    %ne3A_43 = arith.cmpi ne, %sign3A_34, %ne3A_42 : vector<16xi32>
    %rem3A_44 = vector.broadcast %jit3A_25 : i32 to vector<16xi32>
    %rem3A_45 = arith.remsi %add3A_9, %rem3A_44 : vector<16xi32>
    %ne3A_46 = arith.constant 0 : i32
    %ne3A_47 = vector.broadcast %ne3A_46 : i32 to vector<16xi32>
    %ne3A_48 = arith.cmpi ne, %rem3A_45, %ne3A_47 : vector<16xi32>
    %and3A_49 = arith.andi %ne3A_43, %ne3A_48 : vector<16xi1>
    %sub3A = arith.constant 1 : i32
    %sub3A_50 = vector.broadcast %sub3A : i32 to vector<16xi32>
    %sub3A_51 = arith.subi %div3A_26, %sub3A_50 : vector<16xi32>
    %select_n3A_52 = arith.select %and3A_49, %sub3A_51, %div3A_26 : vector<16xi1>, vector<16xi32>
    %mul3A_53 = arith.constant 144 : i32
    %mul3A_54 = vector.broadcast %mul3A_53 : i32 to vector<16xi32>
    %mul3A_55 = arith.muli %select_n3A_24, %mul3A_54 : vector<16xi32>
    %jit3A_56 = arith.constant 8 : i32
    %div3A_57 = vector.broadcast %jit3A_56 : i32 to vector<16xi32>
    %div3A_58 = arith.divsi %select_n3A_52, %div3A_57 : vector<16xi32>
    %sign3A_59 = arith.constant 0 : i32
    %sign3A_60 = vector.broadcast %sign3A_59 : i32 to vector<16xi32>
    %sign3A_61 = arith.cmpi sgt, %select_n3A_52, %sign3A_60 : vector<16xi32>
    %sign3A_62 = arith.extui %sign3A_61 : vector<16xi1> to vector<16xi32>
    %sign3A_63 = arith.constant 0 : i32
    %sign3A_64 = vector.broadcast %sign3A_63 : i32 to vector<16xi32>
    %sign3A_65 = arith.cmpi slt, %select_n3A_52, %sign3A_64 : vector<16xi32>
    %sign3A_66 = arith.extui %sign3A_65 : vector<16xi1> to vector<16xi32>
    %sign3A_67 = arith.subi %sign3A_62, %sign3A_66 : vector<16xi32>
    %sign3A_68 = arith.constant 0 : i32
    %sign3A_69 = arith.cmpi sgt, %jit3A_56, %sign3A_68 : i32
    %sign3A_70 = arith.extui %sign3A_69 : i1 to i32
    %sign3A_71 = arith.constant 0 : i32
    %sign3A_72 = arith.cmpi slt, %jit3A_56, %sign3A_71 : i32
    %sign3A_73 = arith.extui %sign3A_72 : i1 to i32
    %sign3A_74 = arith.subi %sign3A_70, %sign3A_73 : i32
    %ne3A_75 = vector.broadcast %sign3A_74 : i32 to vector<16xi32>
    %ne3A_76 = arith.cmpi ne, %sign3A_67, %ne3A_75 : vector<16xi32>
    %rem3A_77 = vector.broadcast %jit3A_56 : i32 to vector<16xi32>
    %rem3A_78 = arith.remsi %select_n3A_52, %rem3A_77 : vector<16xi32>
    %ne3A_79 = arith.constant 0 : i32
    %ne3A_80 = vector.broadcast %ne3A_79 : i32 to vector<16xi32>
    %ne3A_81 = arith.cmpi ne, %rem3A_78, %ne3A_80 : vector<16xi32>
    %and3A_82 = arith.andi %ne3A_76, %ne3A_81 : vector<16xi1>
    %sub3A_83 = arith.constant 1 : i32
    %sub3A_84 = vector.broadcast %sub3A_83 : i32 to vector<16xi32>
    %sub3A_85 = arith.subi %div3A_58, %sub3A_84 : vector<16xi32>
    %select_n3A_86 = arith.select %and3A_82, %sub3A_85, %div3A_58 : vector<16xi1>, vector<16xi32>
    %mul3A_87 = arith.constant 88 : i32
    %mul3A_88 = vector.broadcast %mul3A_87 : i32 to vector<16xi32>
    %mul3A_89 = arith.muli %select_n3A_86, %mul3A_88 : vector<16xi32>
    %mul3A_90 = arith.constant 8 : i32
    %mul3A_91 = vector.broadcast %mul3A_90 : i32 to vector<16xi32>
    %mul3A_92 = arith.muli %select_n3A_24, %mul3A_91 : vector<16xi32>
    %add3A_93 = arith.addi %mul3A_89, %mul3A_92 : vector<16xi32>
    %jit3A_94 = arith.constant 8 : i32
    %eq3A_95 = arith.constant 0 : i32
    %eq3A_96 = arith.cmpi eq, %jit3A_94, %eq3A_95 : i32
    %jit3A_97 = arith.constant 1 : i32
    %select_n3A_98 = arith.select %eq3A_96, %jit3A_97, %jit3A_94 : i32
    %rem3A_99 = vector.broadcast %select_n3A_98 : i32 to vector<16xi32>
    %rem3A_100 = arith.remsi %select_n3A_52, %rem3A_99 : vector<16xi32>
    %ne3A_101 = arith.constant 0 : i32
    %ne3A_102 = vector.broadcast %ne3A_101 : i32 to vector<16xi32>
    %ne3A_103 = arith.cmpi ne, %rem3A_100, %ne3A_102 : vector<16xi32>
    %lt3A_104 = arith.constant 0 : i32
    %lt3A_105 = vector.broadcast %lt3A_104 : i32 to vector<16xi32>
    %lt3A_106 = arith.cmpi slt, %rem3A_100, %lt3A_105 : vector<16xi32>
    %lt3A_107 = arith.constant 0 : i32
    %lt3A_108 = arith.cmpi slt, %select_n3A_98, %lt3A_107 : i32
    %ne3A_109 = vector.broadcast %lt3A_108 : i1 to vector<16xi1>
    %ne3A_110 = vector.broadcast %ne3A_109 : vector<16xi1> to vector<16xi1>
    %ne3A_111 = arith.xori %lt3A_106, %ne3A_110 : vector<16xi1>
    %and3A_112 = arith.andi %ne3A_111, %ne3A_103 : vector<16xi1>
    %add3A_113 = vector.broadcast %select_n3A_98 : i32 to vector<16xi32>
    %add3A_114 = arith.addi %rem3A_100, %add3A_113 : vector<16xi32>
    %select_n3A_115 = arith.select %and3A_112, %add3A_114, %rem3A_100 : vector<16xi1>, vector<16xi32>
    %add3A_116 = arith.addi %add3A_93, %select_n3A_115 : vector<16xi32>
    %add3A_117 = arith.constant 16 : i32
    %add3A_118 = vector.broadcast %add3A_117 : i32 to vector<16xi32>
    %add3A_119 = arith.addi %add3A_118, %iota3A : vector<16xi32>
    %jit3A_120 = arith.constant 11 : i32
    %eq3A_121 = arith.constant 0 : i32
    %eq3A_122 = arith.cmpi eq, %jit3A_120, %eq3A_121 : i32
    %jit3A_123 = arith.constant 1 : i32
    %select_n3A_124 = arith.select %eq3A_122, %jit3A_123, %jit3A_120 : i32
    %rem3A_125 = vector.broadcast %select_n3A_124 : i32 to vector<16xi32>
    %rem3A_126 = arith.remsi %add3A_119, %rem3A_125 : vector<16xi32>
    %ne3A_127 = arith.constant 0 : i32
    %ne3A_128 = vector.broadcast %ne3A_127 : i32 to vector<16xi32>
    %ne3A_129 = arith.cmpi ne, %rem3A_126, %ne3A_128 : vector<16xi32>
    %lt3A_130 = arith.constant 0 : i32
    %lt3A_131 = vector.broadcast %lt3A_130 : i32 to vector<16xi32>
    %lt3A_132 = arith.cmpi slt, %rem3A_126, %lt3A_131 : vector<16xi32>
    %lt3A_133 = arith.constant 0 : i32
    %lt3A_134 = arith.cmpi slt, %select_n3A_124, %lt3A_133 : i32
    %ne3A_135 = vector.broadcast %lt3A_134 : i1 to vector<16xi1>
    %ne3A_136 = vector.broadcast %ne3A_135 : vector<16xi1> to vector<16xi1>
    %ne3A_137 = arith.xori %lt3A_132, %ne3A_136 : vector<16xi1>
    %and3A_138 = arith.andi %ne3A_137, %ne3A_129 : vector<16xi1>
    %add3A_139 = vector.broadcast %select_n3A_124 : i32 to vector<16xi32>
    %add3A_140 = arith.addi %rem3A_126, %add3A_139 : vector<16xi32>
    %select_n3A_141 = arith.select %and3A_138, %add3A_140, %rem3A_126 : vector<16xi1>, vector<16xi32>
    %jit3A_142 = arith.constant 11 : i32
    %div3A_143 = vector.broadcast %jit3A_142 : i32 to vector<16xi32>
    %div3A_144 = arith.divsi %add3A_119, %div3A_143 : vector<16xi32>
    %sign3A_145 = arith.constant 0 : i32
    %sign3A_146 = vector.broadcast %sign3A_145 : i32 to vector<16xi32>
    %sign3A_147 = arith.cmpi sgt, %add3A_119, %sign3A_146 : vector<16xi32>
    %sign3A_148 = arith.extui %sign3A_147 : vector<16xi1> to vector<16xi32>
    %sign3A_149 = arith.constant 0 : i32
    %sign3A_150 = vector.broadcast %sign3A_149 : i32 to vector<16xi32>
    %sign3A_151 = arith.cmpi slt, %add3A_119, %sign3A_150 : vector<16xi32>
    %sign3A_152 = arith.extui %sign3A_151 : vector<16xi1> to vector<16xi32>
    %sign3A_153 = arith.subi %sign3A_148, %sign3A_152 : vector<16xi32>
    %sign3A_154 = arith.constant 0 : i32
    %sign3A_155 = arith.cmpi sgt, %jit3A_142, %sign3A_154 : i32
    %sign3A_156 = arith.extui %sign3A_155 : i1 to i32
    %sign3A_157 = arith.constant 0 : i32
    %sign3A_158 = arith.cmpi slt, %jit3A_142, %sign3A_157 : i32
    %sign3A_159 = arith.extui %sign3A_158 : i1 to i32
    %sign3A_160 = arith.subi %sign3A_156, %sign3A_159 : i32
    %ne3A_161 = vector.broadcast %sign3A_160 : i32 to vector<16xi32>
    %ne3A_162 = arith.cmpi ne, %sign3A_153, %ne3A_161 : vector<16xi32>
    %rem3A_163 = vector.broadcast %jit3A_142 : i32 to vector<16xi32>
    %rem3A_164 = arith.remsi %add3A_119, %rem3A_163 : vector<16xi32>
    %ne3A_165 = arith.constant 0 : i32
    %ne3A_166 = vector.broadcast %ne3A_165 : i32 to vector<16xi32>
    %ne3A_167 = arith.cmpi ne, %rem3A_164, %ne3A_166 : vector<16xi32>
    %and3A_168 = arith.andi %ne3A_162, %ne3A_167 : vector<16xi1>
    %sub3A_169 = arith.constant 1 : i32
    %sub3A_170 = vector.broadcast %sub3A_169 : i32 to vector<16xi32>
    %sub3A_171 = arith.subi %div3A_144, %sub3A_170 : vector<16xi32>
    %select_n3A_172 = arith.select %and3A_168, %sub3A_171, %div3A_144 : vector<16xi1>, vector<16xi32>
    %mul3A_173 = arith.constant 144 : i32
    %mul3A_174 = vector.broadcast %mul3A_173 : i32 to vector<16xi32>
    %mul3A_175 = arith.muli %select_n3A_141, %mul3A_174 : vector<16xi32>
    %jit3A_176 = arith.constant 8 : i32
    %div3A_177 = vector.broadcast %jit3A_176 : i32 to vector<16xi32>
    %div3A_178 = arith.divsi %select_n3A_172, %div3A_177 : vector<16xi32>
    %sign3A_179 = arith.constant 0 : i32
    %sign3A_180 = vector.broadcast %sign3A_179 : i32 to vector<16xi32>
    %sign3A_181 = arith.cmpi sgt, %select_n3A_172, %sign3A_180 : vector<16xi32>
    %sign3A_182 = arith.extui %sign3A_181 : vector<16xi1> to vector<16xi32>
    %sign3A_183 = arith.constant 0 : i32
    %sign3A_184 = vector.broadcast %sign3A_183 : i32 to vector<16xi32>
    %sign3A_185 = arith.cmpi slt, %select_n3A_172, %sign3A_184 : vector<16xi32>
    %sign3A_186 = arith.extui %sign3A_185 : vector<16xi1> to vector<16xi32>
    %sign3A_187 = arith.subi %sign3A_182, %sign3A_186 : vector<16xi32>
    %sign3A_188 = arith.constant 0 : i32
    %sign3A_189 = arith.cmpi sgt, %jit3A_176, %sign3A_188 : i32
    %sign3A_190 = arith.extui %sign3A_189 : i1 to i32
    %sign3A_191 = arith.constant 0 : i32
    %sign3A_192 = arith.cmpi slt, %jit3A_176, %sign3A_191 : i32
    %sign3A_193 = arith.extui %sign3A_192 : i1 to i32
    %sign3A_194 = arith.subi %sign3A_190, %sign3A_193 : i32
    %ne3A_195 = vector.broadcast %sign3A_194 : i32 to vector<16xi32>
    %ne3A_196 = arith.cmpi ne, %sign3A_187, %ne3A_195 : vector<16xi32>
    %rem3A_197 = vector.broadcast %jit3A_176 : i32 to vector<16xi32>
    %rem3A_198 = arith.remsi %select_n3A_172, %rem3A_197 : vector<16xi32>
    %ne3A_199 = arith.constant 0 : i32
    %ne3A_200 = vector.broadcast %ne3A_199 : i32 to vector<16xi32>
    %ne3A_201 = arith.cmpi ne, %rem3A_198, %ne3A_200 : vector<16xi32>
    %and3A_202 = arith.andi %ne3A_196, %ne3A_201 : vector<16xi1>
    %sub3A_203 = arith.constant 1 : i32
    %sub3A_204 = vector.broadcast %sub3A_203 : i32 to vector<16xi32>
    %sub3A_205 = arith.subi %div3A_178, %sub3A_204 : vector<16xi32>
    %select_n3A_206 = arith.select %and3A_202, %sub3A_205, %div3A_178 : vector<16xi1>, vector<16xi32>
    %mul3A_207 = arith.constant 88 : i32
    %mul3A_208 = vector.broadcast %mul3A_207 : i32 to vector<16xi32>
    %mul3A_209 = arith.muli %select_n3A_206, %mul3A_208 : vector<16xi32>
    %mul3A_210 = arith.constant 8 : i32
    %mul3A_211 = vector.broadcast %mul3A_210 : i32 to vector<16xi32>
    %mul3A_212 = arith.muli %select_n3A_141, %mul3A_211 : vector<16xi32>
    %add3A_213 = arith.addi %mul3A_209, %mul3A_212 : vector<16xi32>
    %jit3A_214 = arith.constant 8 : i32
    %eq3A_215 = arith.constant 0 : i32
    %eq3A_216 = arith.cmpi eq, %jit3A_214, %eq3A_215 : i32
    %jit3A_217 = arith.constant 1 : i32
    %select_n3A_218 = arith.select %eq3A_216, %jit3A_217, %jit3A_214 : i32
    %rem3A_219 = vector.broadcast %select_n3A_218 : i32 to vector<16xi32>
    %rem3A_220 = arith.remsi %select_n3A_172, %rem3A_219 : vector<16xi32>
    %ne3A_221 = arith.constant 0 : i32
    %ne3A_222 = vector.broadcast %ne3A_221 : i32 to vector<16xi32>
    %ne3A_223 = arith.cmpi ne, %rem3A_220, %ne3A_222 : vector<16xi32>
    %lt3A_224 = arith.constant 0 : i32
    %lt3A_225 = vector.broadcast %lt3A_224 : i32 to vector<16xi32>
    %lt3A_226 = arith.cmpi slt, %rem3A_220, %lt3A_225 : vector<16xi32>
    %lt3A_227 = arith.constant 0 : i32
    %lt3A_228 = arith.cmpi slt, %select_n3A_218, %lt3A_227 : i32
    %ne3A_229 = vector.broadcast %lt3A_228 : i1 to vector<16xi1>
    %ne3A_230 = vector.broadcast %ne3A_229 : vector<16xi1> to vector<16xi1>
    %ne3A_231 = arith.xori %lt3A_226, %ne3A_230 : vector<16xi1>
    %and3A_232 = arith.andi %ne3A_231, %ne3A_223 : vector<16xi1>
    %add3A_233 = vector.broadcast %select_n3A_218 : i32 to vector<16xi32>
    %add3A_234 = arith.addi %rem3A_220, %add3A_233 : vector<16xi32>
    %select_n3A_235 = arith.select %and3A_232, %add3A_234, %rem3A_220 : vector<16xi1>, vector<16xi32>
    %add3A_236 = arith.addi %add3A_213, %select_n3A_235 : vector<16xi32>
    %add3A_237 = arith.constant 32 : i32
    %add3A_238 = vector.broadcast %add3A_237 : i32 to vector<16xi32>
    %add3A_239 = arith.addi %add3A_238, %iota3A : vector<16xi32>
    %jit3A_240 = arith.constant 11 : i32
    %eq3A_241 = arith.constant 0 : i32
    %eq3A_242 = arith.cmpi eq, %jit3A_240, %eq3A_241 : i32
    %jit3A_243 = arith.constant 1 : i32
    %select_n3A_244 = arith.select %eq3A_242, %jit3A_243, %jit3A_240 : i32
    %rem3A_245 = vector.broadcast %select_n3A_244 : i32 to vector<16xi32>
    %rem3A_246 = arith.remsi %add3A_239, %rem3A_245 : vector<16xi32>
    %ne3A_247 = arith.constant 0 : i32
    %ne3A_248 = vector.broadcast %ne3A_247 : i32 to vector<16xi32>
    %ne3A_249 = arith.cmpi ne, %rem3A_246, %ne3A_248 : vector<16xi32>
    %lt3A_250 = arith.constant 0 : i32
    %lt3A_251 = vector.broadcast %lt3A_250 : i32 to vector<16xi32>
    %lt3A_252 = arith.cmpi slt, %rem3A_246, %lt3A_251 : vector<16xi32>
    %lt3A_253 = arith.constant 0 : i32
    %lt3A_254 = arith.cmpi slt, %select_n3A_244, %lt3A_253 : i32
    %ne3A_255 = vector.broadcast %lt3A_254 : i1 to vector<16xi1>
    %ne3A_256 = vector.broadcast %ne3A_255 : vector<16xi1> to vector<16xi1>
    %ne3A_257 = arith.xori %lt3A_252, %ne3A_256 : vector<16xi1>
    %and3A_258 = arith.andi %ne3A_257, %ne3A_249 : vector<16xi1>
    %add3A_259 = vector.broadcast %select_n3A_244 : i32 to vector<16xi32>
    %add3A_260 = arith.addi %rem3A_246, %add3A_259 : vector<16xi32>
    %select_n3A_261 = arith.select %and3A_258, %add3A_260, %rem3A_246 : vector<16xi1>, vector<16xi32>
    %jit3A_262 = arith.constant 11 : i32
    %div3A_263 = vector.broadcast %jit3A_262 : i32 to vector<16xi32>
    %div3A_264 = arith.divsi %add3A_239, %div3A_263 : vector<16xi32>
    %sign3A_265 = arith.constant 0 : i32
    %sign3A_266 = vector.broadcast %sign3A_265 : i32 to vector<16xi32>
    %sign3A_267 = arith.cmpi sgt, %add3A_239, %sign3A_266 : vector<16xi32>
    %sign3A_268 = arith.extui %sign3A_267 : vector<16xi1> to vector<16xi32>
    %sign3A_269 = arith.constant 0 : i32
    %sign3A_270 = vector.broadcast %sign3A_269 : i32 to vector<16xi32>
    %sign3A_271 = arith.cmpi slt, %add3A_239, %sign3A_270 : vector<16xi32>
    %sign3A_272 = arith.extui %sign3A_271 : vector<16xi1> to vector<16xi32>
    %sign3A_273 = arith.subi %sign3A_268, %sign3A_272 : vector<16xi32>
    %sign3A_274 = arith.constant 0 : i32
    %sign3A_275 = arith.cmpi sgt, %jit3A_262, %sign3A_274 : i32
    %sign3A_276 = arith.extui %sign3A_275 : i1 to i32
    %sign3A_277 = arith.constant 0 : i32
    %sign3A_278 = arith.cmpi slt, %jit3A_262, %sign3A_277 : i32
    %sign3A_279 = arith.extui %sign3A_278 : i1 to i32
    %sign3A_280 = arith.subi %sign3A_276, %sign3A_279 : i32
    %ne3A_281 = vector.broadcast %sign3A_280 : i32 to vector<16xi32>
    %ne3A_282 = arith.cmpi ne, %sign3A_273, %ne3A_281 : vector<16xi32>
    %rem3A_283 = vector.broadcast %jit3A_262 : i32 to vector<16xi32>
    %rem3A_284 = arith.remsi %add3A_239, %rem3A_283 : vector<16xi32>
    %ne3A_285 = arith.constant 0 : i32
    %ne3A_286 = vector.broadcast %ne3A_285 : i32 to vector<16xi32>
    %ne3A_287 = arith.cmpi ne, %rem3A_284, %ne3A_286 : vector<16xi32>
    %and3A_288 = arith.andi %ne3A_282, %ne3A_287 : vector<16xi1>
    %sub3A_289 = arith.constant 1 : i32
    %sub3A_290 = vector.broadcast %sub3A_289 : i32 to vector<16xi32>
    %sub3A_291 = arith.subi %div3A_264, %sub3A_290 : vector<16xi32>
    %select_n3A_292 = arith.select %and3A_288, %sub3A_291, %div3A_264 : vector<16xi1>, vector<16xi32>
    %mul3A_293 = arith.constant 144 : i32
    %mul3A_294 = vector.broadcast %mul3A_293 : i32 to vector<16xi32>
    %mul3A_295 = arith.muli %select_n3A_261, %mul3A_294 : vector<16xi32>
    %jit3A_296 = arith.constant 8 : i32
    %div3A_297 = vector.broadcast %jit3A_296 : i32 to vector<16xi32>
    %div3A_298 = arith.divsi %select_n3A_292, %div3A_297 : vector<16xi32>
    %sign3A_299 = arith.constant 0 : i32
    %sign3A_300 = vector.broadcast %sign3A_299 : i32 to vector<16xi32>
    %sign3A_301 = arith.cmpi sgt, %select_n3A_292, %sign3A_300 : vector<16xi32>
    %sign3A_302 = arith.extui %sign3A_301 : vector<16xi1> to vector<16xi32>
    %sign3A_303 = arith.constant 0 : i32
    %sign3A_304 = vector.broadcast %sign3A_303 : i32 to vector<16xi32>
    %sign3A_305 = arith.cmpi slt, %select_n3A_292, %sign3A_304 : vector<16xi32>
    %sign3A_306 = arith.extui %sign3A_305 : vector<16xi1> to vector<16xi32>
    %sign3A_307 = arith.subi %sign3A_302, %sign3A_306 : vector<16xi32>
    %sign3A_308 = arith.constant 0 : i32
    %sign3A_309 = arith.cmpi sgt, %jit3A_296, %sign3A_308 : i32
    %sign3A_310 = arith.extui %sign3A_309 : i1 to i32
    %sign3A_311 = arith.constant 0 : i32
    %sign3A_312 = arith.cmpi slt, %jit3A_296, %sign3A_311 : i32
    %sign3A_313 = arith.extui %sign3A_312 : i1 to i32
    %sign3A_314 = arith.subi %sign3A_310, %sign3A_313 : i32
    %ne3A_315 = vector.broadcast %sign3A_314 : i32 to vector<16xi32>
    %ne3A_316 = arith.cmpi ne, %sign3A_307, %ne3A_315 : vector<16xi32>
    %rem3A_317 = vector.broadcast %jit3A_296 : i32 to vector<16xi32>
    %rem3A_318 = arith.remsi %select_n3A_292, %rem3A_317 : vector<16xi32>
    %ne3A_319 = arith.constant 0 : i32
    %ne3A_320 = vector.broadcast %ne3A_319 : i32 to vector<16xi32>
    %ne3A_321 = arith.cmpi ne, %rem3A_318, %ne3A_320 : vector<16xi32>
    %and3A_322 = arith.andi %ne3A_316, %ne3A_321 : vector<16xi1>
    %sub3A_323 = arith.constant 1 : i32
    %sub3A_324 = vector.broadcast %sub3A_323 : i32 to vector<16xi32>
    %sub3A_325 = arith.subi %div3A_298, %sub3A_324 : vector<16xi32>
    %select_n3A_326 = arith.select %and3A_322, %sub3A_325, %div3A_298 : vector<16xi1>, vector<16xi32>
    %mul3A_327 = arith.constant 88 : i32
    %mul3A_328 = vector.broadcast %mul3A_327 : i32 to vector<16xi32>
    %mul3A_329 = arith.muli %select_n3A_326, %mul3A_328 : vector<16xi32>
    %mul3A_330 = arith.constant 8 : i32
    %mul3A_331 = vector.broadcast %mul3A_330 : i32 to vector<16xi32>
    %mul3A_332 = arith.muli %select_n3A_261, %mul3A_331 : vector<16xi32>
    %add3A_333 = arith.addi %mul3A_329, %mul3A_332 : vector<16xi32>
    %jit3A_334 = arith.constant 8 : i32
    %eq3A_335 = arith.constant 0 : i32
    %eq3A_336 = arith.cmpi eq, %jit3A_334, %eq3A_335 : i32
    %jit3A_337 = arith.constant 1 : i32
    %select_n3A_338 = arith.select %eq3A_336, %jit3A_337, %jit3A_334 : i32
    %rem3A_339 = vector.broadcast %select_n3A_338 : i32 to vector<16xi32>
    %rem3A_340 = arith.remsi %select_n3A_292, %rem3A_339 : vector<16xi32>
    %ne3A_341 = arith.constant 0 : i32
    %ne3A_342 = vector.broadcast %ne3A_341 : i32 to vector<16xi32>
    %ne3A_343 = arith.cmpi ne, %rem3A_340, %ne3A_342 : vector<16xi32>
    %lt3A_344 = arith.constant 0 : i32
    %lt3A_345 = vector.broadcast %lt3A_344 : i32 to vector<16xi32>
    %lt3A_346 = arith.cmpi slt, %rem3A_340, %lt3A_345 : vector<16xi32>
    %lt3A_347 = arith.constant 0 : i32
    %lt3A_348 = arith.cmpi slt, %select_n3A_338, %lt3A_347 : i32
    %ne3A_349 = vector.broadcast %lt3A_348 : i1 to vector<16xi1>
    %ne3A_350 = vector.broadcast %ne3A_349 : vector<16xi1> to vector<16xi1>
    %ne3A_351 = arith.xori %lt3A_346, %ne3A_350 : vector<16xi1>
    %and3A_352 = arith.andi %ne3A_351, %ne3A_343 : vector<16xi1>
    %add3A_353 = vector.broadcast %select_n3A_338 : i32 to vector<16xi32>
    %add3A_354 = arith.addi %rem3A_340, %add3A_353 : vector<16xi32>
    %select_n3A_355 = arith.select %and3A_352, %add3A_354, %rem3A_340 : vector<16xi1>, vector<16xi32>
    %add3A_356 = arith.addi %add3A_333, %select_n3A_355 : vector<16xi32>
    %add3A_357 = arith.constant 48 : i32
    %add3A_358 = vector.broadcast %add3A_357 : i32 to vector<16xi32>
    %add3A_359 = arith.addi %add3A_358, %iota3A : vector<16xi32>
    %jit3A_360 = arith.constant 11 : i32
    %eq3A_361 = arith.constant 0 : i32
    %eq3A_362 = arith.cmpi eq, %jit3A_360, %eq3A_361 : i32
    %jit3A_363 = arith.constant 1 : i32
    %select_n3A_364 = arith.select %eq3A_362, %jit3A_363, %jit3A_360 : i32
    %rem3A_365 = vector.broadcast %select_n3A_364 : i32 to vector<16xi32>
    %rem3A_366 = arith.remsi %add3A_359, %rem3A_365 : vector<16xi32>
    %ne3A_367 = arith.constant 0 : i32
    %ne3A_368 = vector.broadcast %ne3A_367 : i32 to vector<16xi32>
    %ne3A_369 = arith.cmpi ne, %rem3A_366, %ne3A_368 : vector<16xi32>
    %lt3A_370 = arith.constant 0 : i32
    %lt3A_371 = vector.broadcast %lt3A_370 : i32 to vector<16xi32>
    %lt3A_372 = arith.cmpi slt, %rem3A_366, %lt3A_371 : vector<16xi32>
    %lt3A_373 = arith.constant 0 : i32
    %lt3A_374 = arith.cmpi slt, %select_n3A_364, %lt3A_373 : i32
    %ne3A_375 = vector.broadcast %lt3A_374 : i1 to vector<16xi1>
    %ne3A_376 = vector.broadcast %ne3A_375 : vector<16xi1> to vector<16xi1>
    %ne3A_377 = arith.xori %lt3A_372, %ne3A_376 : vector<16xi1>
    %and3A_378 = arith.andi %ne3A_377, %ne3A_369 : vector<16xi1>
    %add3A_379 = vector.broadcast %select_n3A_364 : i32 to vector<16xi32>
    %add3A_380 = arith.addi %rem3A_366, %add3A_379 : vector<16xi32>
    %select_n3A_381 = arith.select %and3A_378, %add3A_380, %rem3A_366 : vector<16xi1>, vector<16xi32>
    %jit3A_382 = arith.constant 11 : i32
    %div3A_383 = vector.broadcast %jit3A_382 : i32 to vector<16xi32>
    %div3A_384 = arith.divsi %add3A_359, %div3A_383 : vector<16xi32>
    %sign3A_385 = arith.constant 0 : i32
    %sign3A_386 = vector.broadcast %sign3A_385 : i32 to vector<16xi32>
    %sign3A_387 = arith.cmpi sgt, %add3A_359, %sign3A_386 : vector<16xi32>
    %sign3A_388 = arith.extui %sign3A_387 : vector<16xi1> to vector<16xi32>
    %sign3A_389 = arith.constant 0 : i32
    %sign3A_390 = vector.broadcast %sign3A_389 : i32 to vector<16xi32>
    %sign3A_391 = arith.cmpi slt, %add3A_359, %sign3A_390 : vector<16xi32>
    %sign3A_392 = arith.extui %sign3A_391 : vector<16xi1> to vector<16xi32>
    %sign3A_393 = arith.subi %sign3A_388, %sign3A_392 : vector<16xi32>
    %sign3A_394 = arith.constant 0 : i32
    %sign3A_395 = arith.cmpi sgt, %jit3A_382, %sign3A_394 : i32
    %sign3A_396 = arith.extui %sign3A_395 : i1 to i32
    %sign3A_397 = arith.constant 0 : i32
    %sign3A_398 = arith.cmpi slt, %jit3A_382, %sign3A_397 : i32
    %sign3A_399 = arith.extui %sign3A_398 : i1 to i32
    %sign3A_400 = arith.subi %sign3A_396, %sign3A_399 : i32
    %ne3A_401 = vector.broadcast %sign3A_400 : i32 to vector<16xi32>
    %ne3A_402 = arith.cmpi ne, %sign3A_393, %ne3A_401 : vector<16xi32>
    %rem3A_403 = vector.broadcast %jit3A_382 : i32 to vector<16xi32>
    %rem3A_404 = arith.remsi %add3A_359, %rem3A_403 : vector<16xi32>
    %ne3A_405 = arith.constant 0 : i32
    %ne3A_406 = vector.broadcast %ne3A_405 : i32 to vector<16xi32>
    %ne3A_407 = arith.cmpi ne, %rem3A_404, %ne3A_406 : vector<16xi32>
    %and3A_408 = arith.andi %ne3A_402, %ne3A_407 : vector<16xi1>
    %sub3A_409 = arith.constant 1 : i32
    %sub3A_410 = vector.broadcast %sub3A_409 : i32 to vector<16xi32>
    %sub3A_411 = arith.subi %div3A_384, %sub3A_410 : vector<16xi32>
    %select_n3A_412 = arith.select %and3A_408, %sub3A_411, %div3A_384 : vector<16xi1>, vector<16xi32>
    %mul3A_413 = arith.constant 144 : i32
    %mul3A_414 = vector.broadcast %mul3A_413 : i32 to vector<16xi32>
    %mul3A_415 = arith.muli %select_n3A_381, %mul3A_414 : vector<16xi32>
    %jit3A_416 = arith.constant 8 : i32
    %div3A_417 = vector.broadcast %jit3A_416 : i32 to vector<16xi32>
    %div3A_418 = arith.divsi %select_n3A_412, %div3A_417 : vector<16xi32>
    %sign3A_419 = arith.constant 0 : i32
    %sign3A_420 = vector.broadcast %sign3A_419 : i32 to vector<16xi32>
    %sign3A_421 = arith.cmpi sgt, %select_n3A_412, %sign3A_420 : vector<16xi32>
    %sign3A_422 = arith.extui %sign3A_421 : vector<16xi1> to vector<16xi32>
    %sign3A_423 = arith.constant 0 : i32
    %sign3A_424 = vector.broadcast %sign3A_423 : i32 to vector<16xi32>
    %sign3A_425 = arith.cmpi slt, %select_n3A_412, %sign3A_424 : vector<16xi32>
    %sign3A_426 = arith.extui %sign3A_425 : vector<16xi1> to vector<16xi32>
    %sign3A_427 = arith.subi %sign3A_422, %sign3A_426 : vector<16xi32>
    %sign3A_428 = arith.constant 0 : i32
    %sign3A_429 = arith.cmpi sgt, %jit3A_416, %sign3A_428 : i32
    %sign3A_430 = arith.extui %sign3A_429 : i1 to i32
    %sign3A_431 = arith.constant 0 : i32
    %sign3A_432 = arith.cmpi slt, %jit3A_416, %sign3A_431 : i32
    %sign3A_433 = arith.extui %sign3A_432 : i1 to i32
    %sign3A_434 = arith.subi %sign3A_430, %sign3A_433 : i32
    %ne3A_435 = vector.broadcast %sign3A_434 : i32 to vector<16xi32>
    %ne3A_436 = arith.cmpi ne, %sign3A_427, %ne3A_435 : vector<16xi32>
    %rem3A_437 = vector.broadcast %jit3A_416 : i32 to vector<16xi32>
    %rem3A_438 = arith.remsi %select_n3A_412, %rem3A_437 : vector<16xi32>
    %ne3A_439 = arith.constant 0 : i32
    %ne3A_440 = vector.broadcast %ne3A_439 : i32 to vector<16xi32>
    %ne3A_441 = arith.cmpi ne, %rem3A_438, %ne3A_440 : vector<16xi32>
    %and3A_442 = arith.andi %ne3A_436, %ne3A_441 : vector<16xi1>
    %sub3A_443 = arith.constant 1 : i32
    %sub3A_444 = vector.broadcast %sub3A_443 : i32 to vector<16xi32>
    %sub3A_445 = arith.subi %div3A_418, %sub3A_444 : vector<16xi32>
    %select_n3A_446 = arith.select %and3A_442, %sub3A_445, %div3A_418 : vector<16xi1>, vector<16xi32>
    %mul3A_447 = arith.constant 88 : i32
    %mul3A_448 = vector.broadcast %mul3A_447 : i32 to vector<16xi32>
    %mul3A_449 = arith.muli %select_n3A_446, %mul3A_448 : vector<16xi32>
    %mul3A_450 = arith.constant 8 : i32
    %mul3A_451 = vector.broadcast %mul3A_450 : i32 to vector<16xi32>
    %mul3A_452 = arith.muli %select_n3A_381, %mul3A_451 : vector<16xi32>
    %add3A_453 = arith.addi %mul3A_449, %mul3A_452 : vector<16xi32>
    %jit3A_454 = arith.constant 8 : i32
    %eq3A_455 = arith.constant 0 : i32
    %eq3A_456 = arith.cmpi eq, %jit3A_454, %eq3A_455 : i32
    %jit3A_457 = arith.constant 1 : i32
    %select_n3A_458 = arith.select %eq3A_456, %jit3A_457, %jit3A_454 : i32
    %rem3A_459 = vector.broadcast %select_n3A_458 : i32 to vector<16xi32>
    %rem3A_460 = arith.remsi %select_n3A_412, %rem3A_459 : vector<16xi32>
    %ne3A_461 = arith.constant 0 : i32
    %ne3A_462 = vector.broadcast %ne3A_461 : i32 to vector<16xi32>
    %ne3A_463 = arith.cmpi ne, %rem3A_460, %ne3A_462 : vector<16xi32>
    %lt3A_464 = arith.constant 0 : i32
    %lt3A_465 = vector.broadcast %lt3A_464 : i32 to vector<16xi32>
    %lt3A_466 = arith.cmpi slt, %rem3A_460, %lt3A_465 : vector<16xi32>
    %lt3A_467 = arith.constant 0 : i32
    %lt3A_468 = arith.cmpi slt, %select_n3A_458, %lt3A_467 : i32
    %ne3A_469 = vector.broadcast %lt3A_468 : i1 to vector<16xi1>
    %ne3A_470 = vector.broadcast %ne3A_469 : vector<16xi1> to vector<16xi1>
    %ne3A_471 = arith.xori %lt3A_466, %ne3A_470 : vector<16xi1>
    %and3A_472 = arith.andi %ne3A_471, %ne3A_463 : vector<16xi1>
    %add3A_473 = vector.broadcast %select_n3A_458 : i32 to vector<16xi32>
    %add3A_474 = arith.addi %rem3A_460, %add3A_473 : vector<16xi32>
    %select_n3A_475 = arith.select %and3A_472, %add3A_474, %rem3A_460 : vector<16xi1>, vector<16xi32>
    %add3A_476 = arith.addi %add3A_453, %select_n3A_475 : vector<16xi32>
    %add3A_477 = arith.constant 64 : i32
    %add3A_478 = vector.broadcast %add3A_477 : i32 to vector<16xi32>
    %add3A_479 = arith.addi %add3A_478, %iota3A : vector<16xi32>
    %jit3A_480 = arith.constant 11 : i32
    %eq3A_481 = arith.constant 0 : i32
    %eq3A_482 = arith.cmpi eq, %jit3A_480, %eq3A_481 : i32
    %jit3A_483 = arith.constant 1 : i32
    %select_n3A_484 = arith.select %eq3A_482, %jit3A_483, %jit3A_480 : i32
    %rem3A_485 = vector.broadcast %select_n3A_484 : i32 to vector<16xi32>
    %rem3A_486 = arith.remsi %add3A_479, %rem3A_485 : vector<16xi32>
    %ne3A_487 = arith.constant 0 : i32
    %ne3A_488 = vector.broadcast %ne3A_487 : i32 to vector<16xi32>
    %ne3A_489 = arith.cmpi ne, %rem3A_486, %ne3A_488 : vector<16xi32>
    %lt3A_490 = arith.constant 0 : i32
    %lt3A_491 = vector.broadcast %lt3A_490 : i32 to vector<16xi32>
    %lt3A_492 = arith.cmpi slt, %rem3A_486, %lt3A_491 : vector<16xi32>
    %lt3A_493 = arith.constant 0 : i32
    %lt3A_494 = arith.cmpi slt, %select_n3A_484, %lt3A_493 : i32
    %ne3A_495 = vector.broadcast %lt3A_494 : i1 to vector<16xi1>
    %ne3A_496 = vector.broadcast %ne3A_495 : vector<16xi1> to vector<16xi1>
    %ne3A_497 = arith.xori %lt3A_492, %ne3A_496 : vector<16xi1>
    %and3A_498 = arith.andi %ne3A_497, %ne3A_489 : vector<16xi1>
    %add3A_499 = vector.broadcast %select_n3A_484 : i32 to vector<16xi32>
    %add3A_500 = arith.addi %rem3A_486, %add3A_499 : vector<16xi32>
    %select_n3A_501 = arith.select %and3A_498, %add3A_500, %rem3A_486 : vector<16xi1>, vector<16xi32>
    %jit3A_502 = arith.constant 11 : i32
    %div3A_503 = vector.broadcast %jit3A_502 : i32 to vector<16xi32>
    %div3A_504 = arith.divsi %add3A_479, %div3A_503 : vector<16xi32>
    %sign3A_505 = arith.constant 0 : i32
    %sign3A_506 = vector.broadcast %sign3A_505 : i32 to vector<16xi32>
    %sign3A_507 = arith.cmpi sgt, %add3A_479, %sign3A_506 : vector<16xi32>
    %sign3A_508 = arith.extui %sign3A_507 : vector<16xi1> to vector<16xi32>
    %sign3A_509 = arith.constant 0 : i32
    %sign3A_510 = vector.broadcast %sign3A_509 : i32 to vector<16xi32>
    %sign3A_511 = arith.cmpi slt, %add3A_479, %sign3A_510 : vector<16xi32>
    %sign3A_512 = arith.extui %sign3A_511 : vector<16xi1> to vector<16xi32>
    %sign3A_513 = arith.subi %sign3A_508, %sign3A_512 : vector<16xi32>
    %sign3A_514 = arith.constant 0 : i32
    %sign3A_515 = arith.cmpi sgt, %jit3A_502, %sign3A_514 : i32
    %sign3A_516 = arith.extui %sign3A_515 : i1 to i32
    %sign3A_517 = arith.constant 0 : i32
    %sign3A_518 = arith.cmpi slt, %jit3A_502, %sign3A_517 : i32
    %sign3A_519 = arith.extui %sign3A_518 : i1 to i32
    %sign3A_520 = arith.subi %sign3A_516, %sign3A_519 : i32
    %ne3A_521 = vector.broadcast %sign3A_520 : i32 to vector<16xi32>
    %ne3A_522 = arith.cmpi ne, %sign3A_513, %ne3A_521 : vector<16xi32>
    %rem3A_523 = vector.broadcast %jit3A_502 : i32 to vector<16xi32>
    %rem3A_524 = arith.remsi %add3A_479, %rem3A_523 : vector<16xi32>
    %ne3A_525 = arith.constant 0 : i32
    %ne3A_526 = vector.broadcast %ne3A_525 : i32 to vector<16xi32>
    %ne3A_527 = arith.cmpi ne, %rem3A_524, %ne3A_526 : vector<16xi32>
    %and3A_528 = arith.andi %ne3A_522, %ne3A_527 : vector<16xi1>
    %sub3A_529 = arith.constant 1 : i32
    %sub3A_530 = vector.broadcast %sub3A_529 : i32 to vector<16xi32>
    %sub3A_531 = arith.subi %div3A_504, %sub3A_530 : vector<16xi32>
    %select_n3A_532 = arith.select %and3A_528, %sub3A_531, %div3A_504 : vector<16xi1>, vector<16xi32>
    %mul3A_533 = arith.constant 144 : i32
    %mul3A_534 = vector.broadcast %mul3A_533 : i32 to vector<16xi32>
    %mul3A_535 = arith.muli %select_n3A_501, %mul3A_534 : vector<16xi32>
    %jit3A_536 = arith.constant 8 : i32
    %div3A_537 = vector.broadcast %jit3A_536 : i32 to vector<16xi32>
    %div3A_538 = arith.divsi %select_n3A_532, %div3A_537 : vector<16xi32>
    %sign3A_539 = arith.constant 0 : i32
    %sign3A_540 = vector.broadcast %sign3A_539 : i32 to vector<16xi32>
    %sign3A_541 = arith.cmpi sgt, %select_n3A_532, %sign3A_540 : vector<16xi32>
    %sign3A_542 = arith.extui %sign3A_541 : vector<16xi1> to vector<16xi32>
    %sign3A_543 = arith.constant 0 : i32
    %sign3A_544 = vector.broadcast %sign3A_543 : i32 to vector<16xi32>
    %sign3A_545 = arith.cmpi slt, %select_n3A_532, %sign3A_544 : vector<16xi32>
    %sign3A_546 = arith.extui %sign3A_545 : vector<16xi1> to vector<16xi32>
    %sign3A_547 = arith.subi %sign3A_542, %sign3A_546 : vector<16xi32>
    %sign3A_548 = arith.constant 0 : i32
    %sign3A_549 = arith.cmpi sgt, %jit3A_536, %sign3A_548 : i32
    %sign3A_550 = arith.extui %sign3A_549 : i1 to i32
    %sign3A_551 = arith.constant 0 : i32
    %sign3A_552 = arith.cmpi slt, %jit3A_536, %sign3A_551 : i32
    %sign3A_553 = arith.extui %sign3A_552 : i1 to i32
    %sign3A_554 = arith.subi %sign3A_550, %sign3A_553 : i32
    %ne3A_555 = vector.broadcast %sign3A_554 : i32 to vector<16xi32>
    %ne3A_556 = arith.cmpi ne, %sign3A_547, %ne3A_555 : vector<16xi32>
    %rem3A_557 = vector.broadcast %jit3A_536 : i32 to vector<16xi32>
    %rem3A_558 = arith.remsi %select_n3A_532, %rem3A_557 : vector<16xi32>
    %ne3A_559 = arith.constant 0 : i32
    %ne3A_560 = vector.broadcast %ne3A_559 : i32 to vector<16xi32>
    %ne3A_561 = arith.cmpi ne, %rem3A_558, %ne3A_560 : vector<16xi32>
    %and3A_562 = arith.andi %ne3A_556, %ne3A_561 : vector<16xi1>
    %sub3A_563 = arith.constant 1 : i32
    %sub3A_564 = vector.broadcast %sub3A_563 : i32 to vector<16xi32>
    %sub3A_565 = arith.subi %div3A_538, %sub3A_564 : vector<16xi32>
    %select_n3A_566 = arith.select %and3A_562, %sub3A_565, %div3A_538 : vector<16xi1>, vector<16xi32>
    %mul3A_567 = arith.constant 88 : i32
    %mul3A_568 = vector.broadcast %mul3A_567 : i32 to vector<16xi32>
    %mul3A_569 = arith.muli %select_n3A_566, %mul3A_568 : vector<16xi32>
    %mul3A_570 = arith.constant 8 : i32
    %mul3A_571 = vector.broadcast %mul3A_570 : i32 to vector<16xi32>
    %mul3A_572 = arith.muli %select_n3A_501, %mul3A_571 : vector<16xi32>
    %add3A_573 = arith.addi %mul3A_569, %mul3A_572 : vector<16xi32>
    %jit3A_574 = arith.constant 8 : i32
    %eq3A_575 = arith.constant 0 : i32
    %eq3A_576 = arith.cmpi eq, %jit3A_574, %eq3A_575 : i32
    %jit3A_577 = arith.constant 1 : i32
    %select_n3A_578 = arith.select %eq3A_576, %jit3A_577, %jit3A_574 : i32
    %rem3A_579 = vector.broadcast %select_n3A_578 : i32 to vector<16xi32>
    %rem3A_580 = arith.remsi %select_n3A_532, %rem3A_579 : vector<16xi32>
    %ne3A_581 = arith.constant 0 : i32
    %ne3A_582 = vector.broadcast %ne3A_581 : i32 to vector<16xi32>
    %ne3A_583 = arith.cmpi ne, %rem3A_580, %ne3A_582 : vector<16xi32>
    %lt3A_584 = arith.constant 0 : i32
    %lt3A_585 = vector.broadcast %lt3A_584 : i32 to vector<16xi32>
    %lt3A_586 = arith.cmpi slt, %rem3A_580, %lt3A_585 : vector<16xi32>
    %lt3A_587 = arith.constant 0 : i32
    %lt3A_588 = arith.cmpi slt, %select_n3A_578, %lt3A_587 : i32
    %ne3A_589 = vector.broadcast %lt3A_588 : i1 to vector<16xi1>
    %ne3A_590 = vector.broadcast %ne3A_589 : vector<16xi1> to vector<16xi1>
    %ne3A_591 = arith.xori %lt3A_586, %ne3A_590 : vector<16xi1>
    %and3A_592 = arith.andi %ne3A_591, %ne3A_583 : vector<16xi1>
    %add3A_593 = vector.broadcast %select_n3A_578 : i32 to vector<16xi32>
    %add3A_594 = arith.addi %rem3A_580, %add3A_593 : vector<16xi32>
    %select_n3A_595 = arith.select %and3A_592, %add3A_594, %rem3A_580 : vector<16xi1>, vector<16xi32>
    %add3A_596 = arith.addi %add3A_573, %select_n3A_595 : vector<16xi32>
    %add3A_597 = arith.constant 80 : i32
    %add3A_598 = vector.broadcast %add3A_597 : i32 to vector<16xi32>
    %add3A_599 = arith.addi %add3A_598, %iota3A : vector<16xi32>
    %jit3A_600 = arith.constant 11 : i32
    %eq3A_601 = arith.constant 0 : i32
    %eq3A_602 = arith.cmpi eq, %jit3A_600, %eq3A_601 : i32
    %jit3A_603 = arith.constant 1 : i32
    %select_n3A_604 = arith.select %eq3A_602, %jit3A_603, %jit3A_600 : i32
    %rem3A_605 = vector.broadcast %select_n3A_604 : i32 to vector<16xi32>
    %rem3A_606 = arith.remsi %add3A_599, %rem3A_605 : vector<16xi32>
    %ne3A_607 = arith.constant 0 : i32
    %ne3A_608 = vector.broadcast %ne3A_607 : i32 to vector<16xi32>
    %ne3A_609 = arith.cmpi ne, %rem3A_606, %ne3A_608 : vector<16xi32>
    %lt3A_610 = arith.constant 0 : i32
    %lt3A_611 = vector.broadcast %lt3A_610 : i32 to vector<16xi32>
    %lt3A_612 = arith.cmpi slt, %rem3A_606, %lt3A_611 : vector<16xi32>
    %lt3A_613 = arith.constant 0 : i32
    %lt3A_614 = arith.cmpi slt, %select_n3A_604, %lt3A_613 : i32
    %ne3A_615 = vector.broadcast %lt3A_614 : i1 to vector<16xi1>
    %ne3A_616 = vector.broadcast %ne3A_615 : vector<16xi1> to vector<16xi1>
    %ne3A_617 = arith.xori %lt3A_612, %ne3A_616 : vector<16xi1>
    %and3A_618 = arith.andi %ne3A_617, %ne3A_609 : vector<16xi1>
    %add3A_619 = vector.broadcast %select_n3A_604 : i32 to vector<16xi32>
    %add3A_620 = arith.addi %rem3A_606, %add3A_619 : vector<16xi32>
    %select_n3A_621 = arith.select %and3A_618, %add3A_620, %rem3A_606 : vector<16xi1>, vector<16xi32>
    %jit3A_622 = arith.constant 11 : i32
    %div3A_623 = vector.broadcast %jit3A_622 : i32 to vector<16xi32>
    %div3A_624 = arith.divsi %add3A_599, %div3A_623 : vector<16xi32>
    %sign3A_625 = arith.constant 0 : i32
    %sign3A_626 = vector.broadcast %sign3A_625 : i32 to vector<16xi32>
    %sign3A_627 = arith.cmpi sgt, %add3A_599, %sign3A_626 : vector<16xi32>
    %sign3A_628 = arith.extui %sign3A_627 : vector<16xi1> to vector<16xi32>
    %sign3A_629 = arith.constant 0 : i32
    %sign3A_630 = vector.broadcast %sign3A_629 : i32 to vector<16xi32>
    %sign3A_631 = arith.cmpi slt, %add3A_599, %sign3A_630 : vector<16xi32>
    %sign3A_632 = arith.extui %sign3A_631 : vector<16xi1> to vector<16xi32>
    %sign3A_633 = arith.subi %sign3A_628, %sign3A_632 : vector<16xi32>
    %sign3A_634 = arith.constant 0 : i32
    %sign3A_635 = arith.cmpi sgt, %jit3A_622, %sign3A_634 : i32
    %sign3A_636 = arith.extui %sign3A_635 : i1 to i32
    %sign3A_637 = arith.constant 0 : i32
    %sign3A_638 = arith.cmpi slt, %jit3A_622, %sign3A_637 : i32
    %sign3A_639 = arith.extui %sign3A_638 : i1 to i32
    %sign3A_640 = arith.subi %sign3A_636, %sign3A_639 : i32
    %ne3A_641 = vector.broadcast %sign3A_640 : i32 to vector<16xi32>
    %ne3A_642 = arith.cmpi ne, %sign3A_633, %ne3A_641 : vector<16xi32>
    %rem3A_643 = vector.broadcast %jit3A_622 : i32 to vector<16xi32>
    %rem3A_644 = arith.remsi %add3A_599, %rem3A_643 : vector<16xi32>
    %ne3A_645 = arith.constant 0 : i32
    %ne3A_646 = vector.broadcast %ne3A_645 : i32 to vector<16xi32>
    %ne3A_647 = arith.cmpi ne, %rem3A_644, %ne3A_646 : vector<16xi32>
    %and3A_648 = arith.andi %ne3A_642, %ne3A_647 : vector<16xi1>
    %sub3A_649 = arith.constant 1 : i32
    %sub3A_650 = vector.broadcast %sub3A_649 : i32 to vector<16xi32>
    %sub3A_651 = arith.subi %div3A_624, %sub3A_650 : vector<16xi32>
    %select_n3A_652 = arith.select %and3A_648, %sub3A_651, %div3A_624 : vector<16xi1>, vector<16xi32>
    %mul3A_653 = arith.constant 144 : i32
    %mul3A_654 = vector.broadcast %mul3A_653 : i32 to vector<16xi32>
    %mul3A_655 = arith.muli %select_n3A_621, %mul3A_654 : vector<16xi32>
    %jit3A_656 = arith.constant 8 : i32
    %div3A_657 = vector.broadcast %jit3A_656 : i32 to vector<16xi32>
    %div3A_658 = arith.divsi %select_n3A_652, %div3A_657 : vector<16xi32>
    %sign3A_659 = arith.constant 0 : i32
    %sign3A_660 = vector.broadcast %sign3A_659 : i32 to vector<16xi32>
    %sign3A_661 = arith.cmpi sgt, %select_n3A_652, %sign3A_660 : vector<16xi32>
    %sign3A_662 = arith.extui %sign3A_661 : vector<16xi1> to vector<16xi32>
    %sign3A_663 = arith.constant 0 : i32
    %sign3A_664 = vector.broadcast %sign3A_663 : i32 to vector<16xi32>
    %sign3A_665 = arith.cmpi slt, %select_n3A_652, %sign3A_664 : vector<16xi32>
    %sign3A_666 = arith.extui %sign3A_665 : vector<16xi1> to vector<16xi32>
    %sign3A_667 = arith.subi %sign3A_662, %sign3A_666 : vector<16xi32>
    %sign3A_668 = arith.constant 0 : i32
    %sign3A_669 = arith.cmpi sgt, %jit3A_656, %sign3A_668 : i32
    %sign3A_670 = arith.extui %sign3A_669 : i1 to i32
    %sign3A_671 = arith.constant 0 : i32
    %sign3A_672 = arith.cmpi slt, %jit3A_656, %sign3A_671 : i32
    %sign3A_673 = arith.extui %sign3A_672 : i1 to i32
    %sign3A_674 = arith.subi %sign3A_670, %sign3A_673 : i32
    %ne3A_675 = vector.broadcast %sign3A_674 : i32 to vector<16xi32>
    %ne3A_676 = arith.cmpi ne, %sign3A_667, %ne3A_675 : vector<16xi32>
    %rem3A_677 = vector.broadcast %jit3A_656 : i32 to vector<16xi32>
    %rem3A_678 = arith.remsi %select_n3A_652, %rem3A_677 : vector<16xi32>
    %ne3A_679 = arith.constant 0 : i32
    %ne3A_680 = vector.broadcast %ne3A_679 : i32 to vector<16xi32>
    %ne3A_681 = arith.cmpi ne, %rem3A_678, %ne3A_680 : vector<16xi32>
    %and3A_682 = arith.andi %ne3A_676, %ne3A_681 : vector<16xi1>
    %sub3A_683 = arith.constant 1 : i32
    %sub3A_684 = vector.broadcast %sub3A_683 : i32 to vector<16xi32>
    %sub3A_685 = arith.subi %div3A_658, %sub3A_684 : vector<16xi32>
    %select_n3A_686 = arith.select %and3A_682, %sub3A_685, %div3A_658 : vector<16xi1>, vector<16xi32>
    %mul3A_687 = arith.constant 88 : i32
    %mul3A_688 = vector.broadcast %mul3A_687 : i32 to vector<16xi32>
    %mul3A_689 = arith.muli %select_n3A_686, %mul3A_688 : vector<16xi32>
    %mul3A_690 = arith.constant 8 : i32
    %mul3A_691 = vector.broadcast %mul3A_690 : i32 to vector<16xi32>
    %mul3A_692 = arith.muli %select_n3A_621, %mul3A_691 : vector<16xi32>
    %add3A_693 = arith.addi %mul3A_689, %mul3A_692 : vector<16xi32>
    %jit3A_694 = arith.constant 8 : i32
    %eq3A_695 = arith.constant 0 : i32
    %eq3A_696 = arith.cmpi eq, %jit3A_694, %eq3A_695 : i32
    %jit3A_697 = arith.constant 1 : i32
    %select_n3A_698 = arith.select %eq3A_696, %jit3A_697, %jit3A_694 : i32
    %rem3A_699 = vector.broadcast %select_n3A_698 : i32 to vector<16xi32>
    %rem3A_700 = arith.remsi %select_n3A_652, %rem3A_699 : vector<16xi32>
    %ne3A_701 = arith.constant 0 : i32
    %ne3A_702 = vector.broadcast %ne3A_701 : i32 to vector<16xi32>
    %ne3A_703 = arith.cmpi ne, %rem3A_700, %ne3A_702 : vector<16xi32>
    %lt3A_704 = arith.constant 0 : i32
    %lt3A_705 = vector.broadcast %lt3A_704 : i32 to vector<16xi32>
    %lt3A_706 = arith.cmpi slt, %rem3A_700, %lt3A_705 : vector<16xi32>
    %lt3A_707 = arith.constant 0 : i32
    %lt3A_708 = arith.cmpi slt, %select_n3A_698, %lt3A_707 : i32
    %ne3A_709 = vector.broadcast %lt3A_708 : i1 to vector<16xi1>
    %ne3A_710 = vector.broadcast %ne3A_709 : vector<16xi1> to vector<16xi1>
    %ne3A_711 = arith.xori %lt3A_706, %ne3A_710 : vector<16xi1>
    %and3A_712 = arith.andi %ne3A_711, %ne3A_703 : vector<16xi1>
    %add3A_713 = vector.broadcast %select_n3A_698 : i32 to vector<16xi32>
    %add3A_714 = arith.addi %rem3A_700, %add3A_713 : vector<16xi32>
    %select_n3A_715 = arith.select %and3A_712, %add3A_714, %rem3A_700 : vector<16xi1>, vector<16xi32>
    %add3A_716 = arith.addi %add3A_693, %select_n3A_715 : vector<16xi32>
    %add3A_717 = arith.constant 96 : i32
    %add3A_718 = vector.broadcast %add3A_717 : i32 to vector<16xi32>
    %add3A_719 = arith.addi %add3A_718, %iota3A : vector<16xi32>
    %jit3A_720 = arith.constant 11 : i32
    %eq3A_721 = arith.constant 0 : i32
    %eq3A_722 = arith.cmpi eq, %jit3A_720, %eq3A_721 : i32
    %jit3A_723 = arith.constant 1 : i32
    %select_n3A_724 = arith.select %eq3A_722, %jit3A_723, %jit3A_720 : i32
    %rem3A_725 = vector.broadcast %select_n3A_724 : i32 to vector<16xi32>
    %rem3A_726 = arith.remsi %add3A_719, %rem3A_725 : vector<16xi32>
    %ne3A_727 = arith.constant 0 : i32
    %ne3A_728 = vector.broadcast %ne3A_727 : i32 to vector<16xi32>
    %ne3A_729 = arith.cmpi ne, %rem3A_726, %ne3A_728 : vector<16xi32>
    %lt3A_730 = arith.constant 0 : i32
    %lt3A_731 = vector.broadcast %lt3A_730 : i32 to vector<16xi32>
    %lt3A_732 = arith.cmpi slt, %rem3A_726, %lt3A_731 : vector<16xi32>
    %lt3A_733 = arith.constant 0 : i32
    %lt3A_734 = arith.cmpi slt, %select_n3A_724, %lt3A_733 : i32
    %ne3A_735 = vector.broadcast %lt3A_734 : i1 to vector<16xi1>
    %ne3A_736 = vector.broadcast %ne3A_735 : vector<16xi1> to vector<16xi1>
    %ne3A_737 = arith.xori %lt3A_732, %ne3A_736 : vector<16xi1>
    %and3A_738 = arith.andi %ne3A_737, %ne3A_729 : vector<16xi1>
    %add3A_739 = vector.broadcast %select_n3A_724 : i32 to vector<16xi32>
    %add3A_740 = arith.addi %rem3A_726, %add3A_739 : vector<16xi32>
    %select_n3A_741 = arith.select %and3A_738, %add3A_740, %rem3A_726 : vector<16xi1>, vector<16xi32>
    %jit3A_742 = arith.constant 11 : i32
    %div3A_743 = vector.broadcast %jit3A_742 : i32 to vector<16xi32>
    %div3A_744 = arith.divsi %add3A_719, %div3A_743 : vector<16xi32>
    %sign3A_745 = arith.constant 0 : i32
    %sign3A_746 = vector.broadcast %sign3A_745 : i32 to vector<16xi32>
    %sign3A_747 = arith.cmpi sgt, %add3A_719, %sign3A_746 : vector<16xi32>
    %sign3A_748 = arith.extui %sign3A_747 : vector<16xi1> to vector<16xi32>
    %sign3A_749 = arith.constant 0 : i32
    %sign3A_750 = vector.broadcast %sign3A_749 : i32 to vector<16xi32>
    %sign3A_751 = arith.cmpi slt, %add3A_719, %sign3A_750 : vector<16xi32>
    %sign3A_752 = arith.extui %sign3A_751 : vector<16xi1> to vector<16xi32>
    %sign3A_753 = arith.subi %sign3A_748, %sign3A_752 : vector<16xi32>
    %sign3A_754 = arith.constant 0 : i32
    %sign3A_755 = arith.cmpi sgt, %jit3A_742, %sign3A_754 : i32
    %sign3A_756 = arith.extui %sign3A_755 : i1 to i32
    %sign3A_757 = arith.constant 0 : i32
    %sign3A_758 = arith.cmpi slt, %jit3A_742, %sign3A_757 : i32
    %sign3A_759 = arith.extui %sign3A_758 : i1 to i32
    %sign3A_760 = arith.subi %sign3A_756, %sign3A_759 : i32
    %ne3A_761 = vector.broadcast %sign3A_760 : i32 to vector<16xi32>
    %ne3A_762 = arith.cmpi ne, %sign3A_753, %ne3A_761 : vector<16xi32>
    %rem3A_763 = vector.broadcast %jit3A_742 : i32 to vector<16xi32>
    %rem3A_764 = arith.remsi %add3A_719, %rem3A_763 : vector<16xi32>
    %ne3A_765 = arith.constant 0 : i32
    %ne3A_766 = vector.broadcast %ne3A_765 : i32 to vector<16xi32>
    %ne3A_767 = arith.cmpi ne, %rem3A_764, %ne3A_766 : vector<16xi32>
    %and3A_768 = arith.andi %ne3A_762, %ne3A_767 : vector<16xi1>
    %sub3A_769 = arith.constant 1 : i32
    %sub3A_770 = vector.broadcast %sub3A_769 : i32 to vector<16xi32>
    %sub3A_771 = arith.subi %div3A_744, %sub3A_770 : vector<16xi32>
    %select_n3A_772 = arith.select %and3A_768, %sub3A_771, %div3A_744 : vector<16xi1>, vector<16xi32>
    %mul3A_773 = arith.constant 144 : i32
    %mul3A_774 = vector.broadcast %mul3A_773 : i32 to vector<16xi32>
    %mul3A_775 = arith.muli %select_n3A_741, %mul3A_774 : vector<16xi32>
    %jit3A_776 = arith.constant 8 : i32
    %div3A_777 = vector.broadcast %jit3A_776 : i32 to vector<16xi32>
    %div3A_778 = arith.divsi %select_n3A_772, %div3A_777 : vector<16xi32>
    %sign3A_779 = arith.constant 0 : i32
    %sign3A_780 = vector.broadcast %sign3A_779 : i32 to vector<16xi32>
    %sign3A_781 = arith.cmpi sgt, %select_n3A_772, %sign3A_780 : vector<16xi32>
    %sign3A_782 = arith.extui %sign3A_781 : vector<16xi1> to vector<16xi32>
    %sign3A_783 = arith.constant 0 : i32
    %sign3A_784 = vector.broadcast %sign3A_783 : i32 to vector<16xi32>
    %sign3A_785 = arith.cmpi slt, %select_n3A_772, %sign3A_784 : vector<16xi32>
    %sign3A_786 = arith.extui %sign3A_785 : vector<16xi1> to vector<16xi32>
    %sign3A_787 = arith.subi %sign3A_782, %sign3A_786 : vector<16xi32>
    %sign3A_788 = arith.constant 0 : i32
    %sign3A_789 = arith.cmpi sgt, %jit3A_776, %sign3A_788 : i32
    %sign3A_790 = arith.extui %sign3A_789 : i1 to i32
    %sign3A_791 = arith.constant 0 : i32
    %sign3A_792 = arith.cmpi slt, %jit3A_776, %sign3A_791 : i32
    %sign3A_793 = arith.extui %sign3A_792 : i1 to i32
    %sign3A_794 = arith.subi %sign3A_790, %sign3A_793 : i32
    %ne3A_795 = vector.broadcast %sign3A_794 : i32 to vector<16xi32>
    %ne3A_796 = arith.cmpi ne, %sign3A_787, %ne3A_795 : vector<16xi32>
    %rem3A_797 = vector.broadcast %jit3A_776 : i32 to vector<16xi32>
    %rem3A_798 = arith.remsi %select_n3A_772, %rem3A_797 : vector<16xi32>
    %ne3A_799 = arith.constant 0 : i32
    %ne3A_800 = vector.broadcast %ne3A_799 : i32 to vector<16xi32>
    %ne3A_801 = arith.cmpi ne, %rem3A_798, %ne3A_800 : vector<16xi32>
    %and3A_802 = arith.andi %ne3A_796, %ne3A_801 : vector<16xi1>
    %sub3A_803 = arith.constant 1 : i32
    %sub3A_804 = vector.broadcast %sub3A_803 : i32 to vector<16xi32>
    %sub3A_805 = arith.subi %div3A_778, %sub3A_804 : vector<16xi32>
    %select_n3A_806 = arith.select %and3A_802, %sub3A_805, %div3A_778 : vector<16xi1>, vector<16xi32>
    %mul3A_807 = arith.constant 88 : i32
    %mul3A_808 = vector.broadcast %mul3A_807 : i32 to vector<16xi32>
    %mul3A_809 = arith.muli %select_n3A_806, %mul3A_808 : vector<16xi32>
    %mul3A_810 = arith.constant 8 : i32
    %mul3A_811 = vector.broadcast %mul3A_810 : i32 to vector<16xi32>
    %mul3A_812 = arith.muli %select_n3A_741, %mul3A_811 : vector<16xi32>
    %add3A_813 = arith.addi %mul3A_809, %mul3A_812 : vector<16xi32>
    %jit3A_814 = arith.constant 8 : i32
    %eq3A_815 = arith.constant 0 : i32
    %eq3A_816 = arith.cmpi eq, %jit3A_814, %eq3A_815 : i32
    %jit3A_817 = arith.constant 1 : i32
    %select_n3A_818 = arith.select %eq3A_816, %jit3A_817, %jit3A_814 : i32
    %rem3A_819 = vector.broadcast %select_n3A_818 : i32 to vector<16xi32>
    %rem3A_820 = arith.remsi %select_n3A_772, %rem3A_819 : vector<16xi32>
    %ne3A_821 = arith.constant 0 : i32
    %ne3A_822 = vector.broadcast %ne3A_821 : i32 to vector<16xi32>
    %ne3A_823 = arith.cmpi ne, %rem3A_820, %ne3A_822 : vector<16xi32>
    %lt3A_824 = arith.constant 0 : i32
    %lt3A_825 = vector.broadcast %lt3A_824 : i32 to vector<16xi32>
    %lt3A_826 = arith.cmpi slt, %rem3A_820, %lt3A_825 : vector<16xi32>
    %lt3A_827 = arith.constant 0 : i32
    %lt3A_828 = arith.cmpi slt, %select_n3A_818, %lt3A_827 : i32
    %ne3A_829 = vector.broadcast %lt3A_828 : i1 to vector<16xi1>
    %ne3A_830 = vector.broadcast %ne3A_829 : vector<16xi1> to vector<16xi1>
    %ne3A_831 = arith.xori %lt3A_826, %ne3A_830 : vector<16xi1>
    %and3A_832 = arith.andi %ne3A_831, %ne3A_823 : vector<16xi1>
    %add3A_833 = vector.broadcast %select_n3A_818 : i32 to vector<16xi32>
    %add3A_834 = arith.addi %rem3A_820, %add3A_833 : vector<16xi32>
    %select_n3A_835 = arith.select %and3A_832, %add3A_834, %rem3A_820 : vector<16xi1>, vector<16xi32>
    %add3A_836 = arith.addi %add3A_813, %select_n3A_835 : vector<16xi32>
    %add3A_837 = arith.constant 112 : i32
    %add3A_838 = vector.broadcast %add3A_837 : i32 to vector<16xi32>
    %add3A_839 = arith.addi %add3A_838, %iota3A : vector<16xi32>
    %jit3A_840 = arith.constant 11 : i32
    %eq3A_841 = arith.constant 0 : i32
    %eq3A_842 = arith.cmpi eq, %jit3A_840, %eq3A_841 : i32
    %jit3A_843 = arith.constant 1 : i32
    %select_n3A_844 = arith.select %eq3A_842, %jit3A_843, %jit3A_840 : i32
    %rem3A_845 = vector.broadcast %select_n3A_844 : i32 to vector<16xi32>
    %rem3A_846 = arith.remsi %add3A_839, %rem3A_845 : vector<16xi32>
    %ne3A_847 = arith.constant 0 : i32
    %ne3A_848 = vector.broadcast %ne3A_847 : i32 to vector<16xi32>
    %ne3A_849 = arith.cmpi ne, %rem3A_846, %ne3A_848 : vector<16xi32>
    %lt3A_850 = arith.constant 0 : i32
    %lt3A_851 = vector.broadcast %lt3A_850 : i32 to vector<16xi32>
    %lt3A_852 = arith.cmpi slt, %rem3A_846, %lt3A_851 : vector<16xi32>
    %lt3A_853 = arith.constant 0 : i32
    %lt3A_854 = arith.cmpi slt, %select_n3A_844, %lt3A_853 : i32
    %ne3A_855 = vector.broadcast %lt3A_854 : i1 to vector<16xi1>
    %ne3A_856 = vector.broadcast %ne3A_855 : vector<16xi1> to vector<16xi1>
    %ne3A_857 = arith.xori %lt3A_852, %ne3A_856 : vector<16xi1>
    %and3A_858 = arith.andi %ne3A_857, %ne3A_849 : vector<16xi1>
    %add3A_859 = vector.broadcast %select_n3A_844 : i32 to vector<16xi32>
    %add3A_860 = arith.addi %rem3A_846, %add3A_859 : vector<16xi32>
    %select_n3A_861 = arith.select %and3A_858, %add3A_860, %rem3A_846 : vector<16xi1>, vector<16xi32>
    %jit3A_862 = arith.constant 11 : i32
    %div3A_863 = vector.broadcast %jit3A_862 : i32 to vector<16xi32>
    %div3A_864 = arith.divsi %add3A_839, %div3A_863 : vector<16xi32>
    %sign3A_865 = arith.constant 0 : i32
    %sign3A_866 = vector.broadcast %sign3A_865 : i32 to vector<16xi32>
    %sign3A_867 = arith.cmpi sgt, %add3A_839, %sign3A_866 : vector<16xi32>
    %sign3A_868 = arith.extui %sign3A_867 : vector<16xi1> to vector<16xi32>
    %sign3A_869 = arith.constant 0 : i32
    %sign3A_870 = vector.broadcast %sign3A_869 : i32 to vector<16xi32>
    %sign3A_871 = arith.cmpi slt, %add3A_839, %sign3A_870 : vector<16xi32>
    %sign3A_872 = arith.extui %sign3A_871 : vector<16xi1> to vector<16xi32>
    %sign3A_873 = arith.subi %sign3A_868, %sign3A_872 : vector<16xi32>
    %sign3A_874 = arith.constant 0 : i32
    %sign3A_875 = arith.cmpi sgt, %jit3A_862, %sign3A_874 : i32
    %sign3A_876 = arith.extui %sign3A_875 : i1 to i32
    %sign3A_877 = arith.constant 0 : i32
    %sign3A_878 = arith.cmpi slt, %jit3A_862, %sign3A_877 : i32
    %sign3A_879 = arith.extui %sign3A_878 : i1 to i32
    %sign3A_880 = arith.subi %sign3A_876, %sign3A_879 : i32
    %ne3A_881 = vector.broadcast %sign3A_880 : i32 to vector<16xi32>
    %ne3A_882 = arith.cmpi ne, %sign3A_873, %ne3A_881 : vector<16xi32>
    %rem3A_883 = vector.broadcast %jit3A_862 : i32 to vector<16xi32>
    %rem3A_884 = arith.remsi %add3A_839, %rem3A_883 : vector<16xi32>
    %ne3A_885 = arith.constant 0 : i32
    %ne3A_886 = vector.broadcast %ne3A_885 : i32 to vector<16xi32>
    %ne3A_887 = arith.cmpi ne, %rem3A_884, %ne3A_886 : vector<16xi32>
    %and3A_888 = arith.andi %ne3A_882, %ne3A_887 : vector<16xi1>
    %sub3A_889 = arith.constant 1 : i32
    %sub3A_890 = vector.broadcast %sub3A_889 : i32 to vector<16xi32>
    %sub3A_891 = arith.subi %div3A_864, %sub3A_890 : vector<16xi32>
    %select_n3A_892 = arith.select %and3A_888, %sub3A_891, %div3A_864 : vector<16xi1>, vector<16xi32>
    %mul3A_893 = arith.constant 144 : i32
    %mul3A_894 = vector.broadcast %mul3A_893 : i32 to vector<16xi32>
    %mul3A_895 = arith.muli %select_n3A_861, %mul3A_894 : vector<16xi32>
    %jit3A_896 = arith.constant 8 : i32
    %div3A_897 = vector.broadcast %jit3A_896 : i32 to vector<16xi32>
    %div3A_898 = arith.divsi %select_n3A_892, %div3A_897 : vector<16xi32>
    %sign3A_899 = arith.constant 0 : i32
    %sign3A_900 = vector.broadcast %sign3A_899 : i32 to vector<16xi32>
    %sign3A_901 = arith.cmpi sgt, %select_n3A_892, %sign3A_900 : vector<16xi32>
    %sign3A_902 = arith.extui %sign3A_901 : vector<16xi1> to vector<16xi32>
    %sign3A_903 = arith.constant 0 : i32
    %sign3A_904 = vector.broadcast %sign3A_903 : i32 to vector<16xi32>
    %sign3A_905 = arith.cmpi slt, %select_n3A_892, %sign3A_904 : vector<16xi32>
    %sign3A_906 = arith.extui %sign3A_905 : vector<16xi1> to vector<16xi32>
    %sign3A_907 = arith.subi %sign3A_902, %sign3A_906 : vector<16xi32>
    %sign3A_908 = arith.constant 0 : i32
    %sign3A_909 = arith.cmpi sgt, %jit3A_896, %sign3A_908 : i32
    %sign3A_910 = arith.extui %sign3A_909 : i1 to i32
    %sign3A_911 = arith.constant 0 : i32
    %sign3A_912 = arith.cmpi slt, %jit3A_896, %sign3A_911 : i32
    %sign3A_913 = arith.extui %sign3A_912 : i1 to i32
    %sign3A_914 = arith.subi %sign3A_910, %sign3A_913 : i32
    %ne3A_915 = vector.broadcast %sign3A_914 : i32 to vector<16xi32>
    %ne3A_916 = arith.cmpi ne, %sign3A_907, %ne3A_915 : vector<16xi32>
    %rem3A_917 = vector.broadcast %jit3A_896 : i32 to vector<16xi32>
    %rem3A_918 = arith.remsi %select_n3A_892, %rem3A_917 : vector<16xi32>
    %ne3A_919 = arith.constant 0 : i32
    %ne3A_920 = vector.broadcast %ne3A_919 : i32 to vector<16xi32>
    %ne3A_921 = arith.cmpi ne, %rem3A_918, %ne3A_920 : vector<16xi32>
    %and3A_922 = arith.andi %ne3A_916, %ne3A_921 : vector<16xi1>
    %sub3A_923 = arith.constant 1 : i32
    %sub3A_924 = vector.broadcast %sub3A_923 : i32 to vector<16xi32>
    %sub3A_925 = arith.subi %div3A_898, %sub3A_924 : vector<16xi32>
    %select_n3A_926 = arith.select %and3A_922, %sub3A_925, %div3A_898 : vector<16xi1>, vector<16xi32>
    %mul3A_927 = arith.constant 88 : i32
    %mul3A_928 = vector.broadcast %mul3A_927 : i32 to vector<16xi32>
    %mul3A_929 = arith.muli %select_n3A_926, %mul3A_928 : vector<16xi32>
    %mul3A_930 = arith.constant 8 : i32
    %mul3A_931 = vector.broadcast %mul3A_930 : i32 to vector<16xi32>
    %mul3A_932 = arith.muli %select_n3A_861, %mul3A_931 : vector<16xi32>
    %add3A_933 = arith.addi %mul3A_929, %mul3A_932 : vector<16xi32>
    %jit3A_934 = arith.constant 8 : i32
    %eq3A_935 = arith.constant 0 : i32
    %eq3A_936 = arith.cmpi eq, %jit3A_934, %eq3A_935 : i32
    %jit3A_937 = arith.constant 1 : i32
    %select_n3A_938 = arith.select %eq3A_936, %jit3A_937, %jit3A_934 : i32
    %rem3A_939 = vector.broadcast %select_n3A_938 : i32 to vector<16xi32>
    %rem3A_940 = arith.remsi %select_n3A_892, %rem3A_939 : vector<16xi32>
    %ne3A_941 = arith.constant 0 : i32
    %ne3A_942 = vector.broadcast %ne3A_941 : i32 to vector<16xi32>
    %ne3A_943 = arith.cmpi ne, %rem3A_940, %ne3A_942 : vector<16xi32>
    %lt3A_944 = arith.constant 0 : i32
    %lt3A_945 = vector.broadcast %lt3A_944 : i32 to vector<16xi32>
    %lt3A_946 = arith.cmpi slt, %rem3A_940, %lt3A_945 : vector<16xi32>
    %lt3A_947 = arith.constant 0 : i32
    %lt3A_948 = arith.cmpi slt, %select_n3A_938, %lt3A_947 : i32
    %ne3A_949 = vector.broadcast %lt3A_948 : i1 to vector<16xi1>
    %ne3A_950 = vector.broadcast %ne3A_949 : vector<16xi1> to vector<16xi1>
    %ne3A_951 = arith.xori %lt3A_946, %ne3A_950 : vector<16xi1>
    %and3A_952 = arith.andi %ne3A_951, %ne3A_943 : vector<16xi1>
    %add3A_953 = vector.broadcast %select_n3A_938 : i32 to vector<16xi32>
    %add3A_954 = arith.addi %rem3A_940, %add3A_953 : vector<16xi32>
    %select_n3A_955 = arith.select %and3A_952, %add3A_954, %rem3A_940 : vector<16xi1>, vector<16xi32>
    %add3A_956 = arith.addi %add3A_933, %select_n3A_955 : vector<16xi32>
    %add3A_957 = arith.constant 128 : i32
    %add3A_958 = vector.broadcast %add3A_957 : i32 to vector<16xi32>
    %add3A_959 = arith.addi %add3A_958, %iota3A : vector<16xi32>
    %jit3A_960 = arith.constant 11 : i32
    %eq3A_961 = arith.constant 0 : i32
    %eq3A_962 = arith.cmpi eq, %jit3A_960, %eq3A_961 : i32
    %jit3A_963 = arith.constant 1 : i32
    %select_n3A_964 = arith.select %eq3A_962, %jit3A_963, %jit3A_960 : i32
    %rem3A_965 = vector.broadcast %select_n3A_964 : i32 to vector<16xi32>
    %rem3A_966 = arith.remsi %add3A_959, %rem3A_965 : vector<16xi32>
    %ne3A_967 = arith.constant 0 : i32
    %ne3A_968 = vector.broadcast %ne3A_967 : i32 to vector<16xi32>
    %ne3A_969 = arith.cmpi ne, %rem3A_966, %ne3A_968 : vector<16xi32>
    %lt3A_970 = arith.constant 0 : i32
    %lt3A_971 = vector.broadcast %lt3A_970 : i32 to vector<16xi32>
    %lt3A_972 = arith.cmpi slt, %rem3A_966, %lt3A_971 : vector<16xi32>
    %lt3A_973 = arith.constant 0 : i32
    %lt3A_974 = arith.cmpi slt, %select_n3A_964, %lt3A_973 : i32
    %ne3A_975 = vector.broadcast %lt3A_974 : i1 to vector<16xi1>
    %ne3A_976 = vector.broadcast %ne3A_975 : vector<16xi1> to vector<16xi1>
    %ne3A_977 = arith.xori %lt3A_972, %ne3A_976 : vector<16xi1>
    %and3A_978 = arith.andi %ne3A_977, %ne3A_969 : vector<16xi1>
    %add3A_979 = vector.broadcast %select_n3A_964 : i32 to vector<16xi32>
    %add3A_980 = arith.addi %rem3A_966, %add3A_979 : vector<16xi32>
    %select_n3A_981 = arith.select %and3A_978, %add3A_980, %rem3A_966 : vector<16xi1>, vector<16xi32>
    %jit3A_982 = arith.constant 11 : i32
    %div3A_983 = vector.broadcast %jit3A_982 : i32 to vector<16xi32>
    %div3A_984 = arith.divsi %add3A_959, %div3A_983 : vector<16xi32>
    %sign3A_985 = arith.constant 0 : i32
    %sign3A_986 = vector.broadcast %sign3A_985 : i32 to vector<16xi32>
    %sign3A_987 = arith.cmpi sgt, %add3A_959, %sign3A_986 : vector<16xi32>
    %sign3A_988 = arith.extui %sign3A_987 : vector<16xi1> to vector<16xi32>
    %sign3A_989 = arith.constant 0 : i32
    %sign3A_990 = vector.broadcast %sign3A_989 : i32 to vector<16xi32>
    %sign3A_991 = arith.cmpi slt, %add3A_959, %sign3A_990 : vector<16xi32>
    %sign3A_992 = arith.extui %sign3A_991 : vector<16xi1> to vector<16xi32>
    %sign3A_993 = arith.subi %sign3A_988, %sign3A_992 : vector<16xi32>
    %sign3A_994 = arith.constant 0 : i32
    %sign3A_995 = arith.cmpi sgt, %jit3A_982, %sign3A_994 : i32
    %sign3A_996 = arith.extui %sign3A_995 : i1 to i32
    %sign3A_997 = arith.constant 0 : i32
    %sign3A_998 = arith.cmpi slt, %jit3A_982, %sign3A_997 : i32
    %sign3A_999 = arith.extui %sign3A_998 : i1 to i32
    %sign3A_1000 = arith.subi %sign3A_996, %sign3A_999 : i32
    %ne3A_1001 = vector.broadcast %sign3A_1000 : i32 to vector<16xi32>
    %ne3A_1002 = arith.cmpi ne, %sign3A_993, %ne3A_1001 : vector<16xi32>
    %rem3A_1003 = vector.broadcast %jit3A_982 : i32 to vector<16xi32>
    %rem3A_1004 = arith.remsi %add3A_959, %rem3A_1003 : vector<16xi32>
    %ne3A_1005 = arith.constant 0 : i32
    %ne3A_1006 = vector.broadcast %ne3A_1005 : i32 to vector<16xi32>
    %ne3A_1007 = arith.cmpi ne, %rem3A_1004, %ne3A_1006 : vector<16xi32>
    %and3A_1008 = arith.andi %ne3A_1002, %ne3A_1007 : vector<16xi1>
    %sub3A_1009 = arith.constant 1 : i32
    %sub3A_1010 = vector.broadcast %sub3A_1009 : i32 to vector<16xi32>
    %sub3A_1011 = arith.subi %div3A_984, %sub3A_1010 : vector<16xi32>
    %select_n3A_1012 = arith.select %and3A_1008, %sub3A_1011, %div3A_984 : vector<16xi1>, vector<16xi32>
    %mul3A_1013 = arith.constant 144 : i32
    %mul3A_1014 = vector.broadcast %mul3A_1013 : i32 to vector<16xi32>
    %mul3A_1015 = arith.muli %select_n3A_981, %mul3A_1014 : vector<16xi32>
    %jit3A_1016 = arith.constant 8 : i32
    %div3A_1017 = vector.broadcast %jit3A_1016 : i32 to vector<16xi32>
    %div3A_1018 = arith.divsi %select_n3A_1012, %div3A_1017 : vector<16xi32>
    %sign3A_1019 = arith.constant 0 : i32
    %sign3A_1020 = vector.broadcast %sign3A_1019 : i32 to vector<16xi32>
    %sign3A_1021 = arith.cmpi sgt, %select_n3A_1012, %sign3A_1020 : vector<16xi32>
    %sign3A_1022 = arith.extui %sign3A_1021 : vector<16xi1> to vector<16xi32>
    %sign3A_1023 = arith.constant 0 : i32
    %sign3A_1024 = vector.broadcast %sign3A_1023 : i32 to vector<16xi32>
    %sign3A_1025 = arith.cmpi slt, %select_n3A_1012, %sign3A_1024 : vector<16xi32>
    %sign3A_1026 = arith.extui %sign3A_1025 : vector<16xi1> to vector<16xi32>
    %sign3A_1027 = arith.subi %sign3A_1022, %sign3A_1026 : vector<16xi32>
    %sign3A_1028 = arith.constant 0 : i32
    %sign3A_1029 = arith.cmpi sgt, %jit3A_1016, %sign3A_1028 : i32
    %sign3A_1030 = arith.extui %sign3A_1029 : i1 to i32
    %sign3A_1031 = arith.constant 0 : i32
    %sign3A_1032 = arith.cmpi slt, %jit3A_1016, %sign3A_1031 : i32
    %sign3A_1033 = arith.extui %sign3A_1032 : i1 to i32
    %sign3A_1034 = arith.subi %sign3A_1030, %sign3A_1033 : i32
    %ne3A_1035 = vector.broadcast %sign3A_1034 : i32 to vector<16xi32>
    %ne3A_1036 = arith.cmpi ne, %sign3A_1027, %ne3A_1035 : vector<16xi32>
    %rem3A_1037 = vector.broadcast %jit3A_1016 : i32 to vector<16xi32>
    %rem3A_1038 = arith.remsi %select_n3A_1012, %rem3A_1037 : vector<16xi32>
    %ne3A_1039 = arith.constant 0 : i32
    %ne3A_1040 = vector.broadcast %ne3A_1039 : i32 to vector<16xi32>
    %ne3A_1041 = arith.cmpi ne, %rem3A_1038, %ne3A_1040 : vector<16xi32>
    %and3A_1042 = arith.andi %ne3A_1036, %ne3A_1041 : vector<16xi1>
    %sub3A_1043 = arith.constant 1 : i32
    %sub3A_1044 = vector.broadcast %sub3A_1043 : i32 to vector<16xi32>
    %sub3A_1045 = arith.subi %div3A_1018, %sub3A_1044 : vector<16xi32>
    %select_n3A_1046 = arith.select %and3A_1042, %sub3A_1045, %div3A_1018 : vector<16xi1>, vector<16xi32>
    %mul3A_1047 = arith.constant 88 : i32
    %mul3A_1048 = vector.broadcast %mul3A_1047 : i32 to vector<16xi32>
    %mul3A_1049 = arith.muli %select_n3A_1046, %mul3A_1048 : vector<16xi32>
    %mul3A_1050 = arith.constant 8 : i32
    %mul3A_1051 = vector.broadcast %mul3A_1050 : i32 to vector<16xi32>
    %mul3A_1052 = arith.muli %select_n3A_981, %mul3A_1051 : vector<16xi32>
    %add3A_1053 = arith.addi %mul3A_1049, %mul3A_1052 : vector<16xi32>
    %jit3A_1054 = arith.constant 8 : i32
    %eq3A_1055 = arith.constant 0 : i32
    %eq3A_1056 = arith.cmpi eq, %jit3A_1054, %eq3A_1055 : i32
    %jit3A_1057 = arith.constant 1 : i32
    %select_n3A_1058 = arith.select %eq3A_1056, %jit3A_1057, %jit3A_1054 : i32
    %rem3A_1059 = vector.broadcast %select_n3A_1058 : i32 to vector<16xi32>
    %rem3A_1060 = arith.remsi %select_n3A_1012, %rem3A_1059 : vector<16xi32>
    %ne3A_1061 = arith.constant 0 : i32
    %ne3A_1062 = vector.broadcast %ne3A_1061 : i32 to vector<16xi32>
    %ne3A_1063 = arith.cmpi ne, %rem3A_1060, %ne3A_1062 : vector<16xi32>
    %lt3A_1064 = arith.constant 0 : i32
    %lt3A_1065 = vector.broadcast %lt3A_1064 : i32 to vector<16xi32>
    %lt3A_1066 = arith.cmpi slt, %rem3A_1060, %lt3A_1065 : vector<16xi32>
    %lt3A_1067 = arith.constant 0 : i32
    %lt3A_1068 = arith.cmpi slt, %select_n3A_1058, %lt3A_1067 : i32
    %ne3A_1069 = vector.broadcast %lt3A_1068 : i1 to vector<16xi1>
    %ne3A_1070 = vector.broadcast %ne3A_1069 : vector<16xi1> to vector<16xi1>
    %ne3A_1071 = arith.xori %lt3A_1066, %ne3A_1070 : vector<16xi1>
    %and3A_1072 = arith.andi %ne3A_1071, %ne3A_1063 : vector<16xi1>
    %add3A_1073 = vector.broadcast %select_n3A_1058 : i32 to vector<16xi32>
    %add3A_1074 = arith.addi %rem3A_1060, %add3A_1073 : vector<16xi32>
    %select_n3A_1075 = arith.select %and3A_1072, %add3A_1074, %rem3A_1060 : vector<16xi1>, vector<16xi32>
    %add3A_1076 = arith.addi %add3A_1053, %select_n3A_1075 : vector<16xi32>
    %add3A_1077 = arith.constant 144 : i32
    %add3A_1078 = vector.broadcast %add3A_1077 : i32 to vector<16xi32>
    %add3A_1079 = arith.addi %add3A_1078, %iota3A : vector<16xi32>
    %jit3A_1080 = arith.constant 11 : i32
    %eq3A_1081 = arith.constant 0 : i32
    %eq3A_1082 = arith.cmpi eq, %jit3A_1080, %eq3A_1081 : i32
    %jit3A_1083 = arith.constant 1 : i32
    %select_n3A_1084 = arith.select %eq3A_1082, %jit3A_1083, %jit3A_1080 : i32
    %rem3A_1085 = vector.broadcast %select_n3A_1084 : i32 to vector<16xi32>
    %rem3A_1086 = arith.remsi %add3A_1079, %rem3A_1085 : vector<16xi32>
    %ne3A_1087 = arith.constant 0 : i32
    %ne3A_1088 = vector.broadcast %ne3A_1087 : i32 to vector<16xi32>
    %ne3A_1089 = arith.cmpi ne, %rem3A_1086, %ne3A_1088 : vector<16xi32>
    %lt3A_1090 = arith.constant 0 : i32
    %lt3A_1091 = vector.broadcast %lt3A_1090 : i32 to vector<16xi32>
    %lt3A_1092 = arith.cmpi slt, %rem3A_1086, %lt3A_1091 : vector<16xi32>
    %lt3A_1093 = arith.constant 0 : i32
    %lt3A_1094 = arith.cmpi slt, %select_n3A_1084, %lt3A_1093 : i32
    %ne3A_1095 = vector.broadcast %lt3A_1094 : i1 to vector<16xi1>
    %ne3A_1096 = vector.broadcast %ne3A_1095 : vector<16xi1> to vector<16xi1>
    %ne3A_1097 = arith.xori %lt3A_1092, %ne3A_1096 : vector<16xi1>
    %and3A_1098 = arith.andi %ne3A_1097, %ne3A_1089 : vector<16xi1>
    %add3A_1099 = vector.broadcast %select_n3A_1084 : i32 to vector<16xi32>
    %add3A_1100 = arith.addi %rem3A_1086, %add3A_1099 : vector<16xi32>
    %select_n3A_1101 = arith.select %and3A_1098, %add3A_1100, %rem3A_1086 : vector<16xi1>, vector<16xi32>
    %jit3A_1102 = arith.constant 11 : i32
    %div3A_1103 = vector.broadcast %jit3A_1102 : i32 to vector<16xi32>
    %div3A_1104 = arith.divsi %add3A_1079, %div3A_1103 : vector<16xi32>
    %sign3A_1105 = arith.constant 0 : i32
    %sign3A_1106 = vector.broadcast %sign3A_1105 : i32 to vector<16xi32>
    %sign3A_1107 = arith.cmpi sgt, %add3A_1079, %sign3A_1106 : vector<16xi32>
    %sign3A_1108 = arith.extui %sign3A_1107 : vector<16xi1> to vector<16xi32>
    %sign3A_1109 = arith.constant 0 : i32
    %sign3A_1110 = vector.broadcast %sign3A_1109 : i32 to vector<16xi32>
    %sign3A_1111 = arith.cmpi slt, %add3A_1079, %sign3A_1110 : vector<16xi32>
    %sign3A_1112 = arith.extui %sign3A_1111 : vector<16xi1> to vector<16xi32>
    %sign3A_1113 = arith.subi %sign3A_1108, %sign3A_1112 : vector<16xi32>
    %sign3A_1114 = arith.constant 0 : i32
    %sign3A_1115 = arith.cmpi sgt, %jit3A_1102, %sign3A_1114 : i32
    %sign3A_1116 = arith.extui %sign3A_1115 : i1 to i32
    %sign3A_1117 = arith.constant 0 : i32
    %sign3A_1118 = arith.cmpi slt, %jit3A_1102, %sign3A_1117 : i32
    %sign3A_1119 = arith.extui %sign3A_1118 : i1 to i32
    %sign3A_1120 = arith.subi %sign3A_1116, %sign3A_1119 : i32
    %ne3A_1121 = vector.broadcast %sign3A_1120 : i32 to vector<16xi32>
    %ne3A_1122 = arith.cmpi ne, %sign3A_1113, %ne3A_1121 : vector<16xi32>
    %rem3A_1123 = vector.broadcast %jit3A_1102 : i32 to vector<16xi32>
    %rem3A_1124 = arith.remsi %add3A_1079, %rem3A_1123 : vector<16xi32>
    %ne3A_1125 = arith.constant 0 : i32
    %ne3A_1126 = vector.broadcast %ne3A_1125 : i32 to vector<16xi32>
    %ne3A_1127 = arith.cmpi ne, %rem3A_1124, %ne3A_1126 : vector<16xi32>
    %and3A_1128 = arith.andi %ne3A_1122, %ne3A_1127 : vector<16xi1>
    %sub3A_1129 = arith.constant 1 : i32
    %sub3A_1130 = vector.broadcast %sub3A_1129 : i32 to vector<16xi32>
    %sub3A_1131 = arith.subi %div3A_1104, %sub3A_1130 : vector<16xi32>
    %select_n3A_1132 = arith.select %and3A_1128, %sub3A_1131, %div3A_1104 : vector<16xi1>, vector<16xi32>
    %mul3A_1133 = arith.constant 144 : i32
    %mul3A_1134 = vector.broadcast %mul3A_1133 : i32 to vector<16xi32>
    %mul3A_1135 = arith.muli %select_n3A_1101, %mul3A_1134 : vector<16xi32>
    %jit3A_1136 = arith.constant 8 : i32
    %div3A_1137 = vector.broadcast %jit3A_1136 : i32 to vector<16xi32>
    %div3A_1138 = arith.divsi %select_n3A_1132, %div3A_1137 : vector<16xi32>
    %sign3A_1139 = arith.constant 0 : i32
    %sign3A_1140 = vector.broadcast %sign3A_1139 : i32 to vector<16xi32>
    %sign3A_1141 = arith.cmpi sgt, %select_n3A_1132, %sign3A_1140 : vector<16xi32>
    %sign3A_1142 = arith.extui %sign3A_1141 : vector<16xi1> to vector<16xi32>
    %sign3A_1143 = arith.constant 0 : i32
    %sign3A_1144 = vector.broadcast %sign3A_1143 : i32 to vector<16xi32>
    %sign3A_1145 = arith.cmpi slt, %select_n3A_1132, %sign3A_1144 : vector<16xi32>
    %sign3A_1146 = arith.extui %sign3A_1145 : vector<16xi1> to vector<16xi32>
    %sign3A_1147 = arith.subi %sign3A_1142, %sign3A_1146 : vector<16xi32>
    %sign3A_1148 = arith.constant 0 : i32
    %sign3A_1149 = arith.cmpi sgt, %jit3A_1136, %sign3A_1148 : i32
    %sign3A_1150 = arith.extui %sign3A_1149 : i1 to i32
    %sign3A_1151 = arith.constant 0 : i32
    %sign3A_1152 = arith.cmpi slt, %jit3A_1136, %sign3A_1151 : i32
    %sign3A_1153 = arith.extui %sign3A_1152 : i1 to i32
    %sign3A_1154 = arith.subi %sign3A_1150, %sign3A_1153 : i32
    %ne3A_1155 = vector.broadcast %sign3A_1154 : i32 to vector<16xi32>
    %ne3A_1156 = arith.cmpi ne, %sign3A_1147, %ne3A_1155 : vector<16xi32>
    %rem3A_1157 = vector.broadcast %jit3A_1136 : i32 to vector<16xi32>
    %rem3A_1158 = arith.remsi %select_n3A_1132, %rem3A_1157 : vector<16xi32>
    %ne3A_1159 = arith.constant 0 : i32
    %ne3A_1160 = vector.broadcast %ne3A_1159 : i32 to vector<16xi32>
    %ne3A_1161 = arith.cmpi ne, %rem3A_1158, %ne3A_1160 : vector<16xi32>
    %and3A_1162 = arith.andi %ne3A_1156, %ne3A_1161 : vector<16xi1>
    %sub3A_1163 = arith.constant 1 : i32
    %sub3A_1164 = vector.broadcast %sub3A_1163 : i32 to vector<16xi32>
    %sub3A_1165 = arith.subi %div3A_1138, %sub3A_1164 : vector<16xi32>
    %select_n3A_1166 = arith.select %and3A_1162, %sub3A_1165, %div3A_1138 : vector<16xi1>, vector<16xi32>
    %mul3A_1167 = arith.constant 88 : i32
    %mul3A_1168 = vector.broadcast %mul3A_1167 : i32 to vector<16xi32>
    %mul3A_1169 = arith.muli %select_n3A_1166, %mul3A_1168 : vector<16xi32>
    %mul3A_1170 = arith.constant 8 : i32
    %mul3A_1171 = vector.broadcast %mul3A_1170 : i32 to vector<16xi32>
    %mul3A_1172 = arith.muli %select_n3A_1101, %mul3A_1171 : vector<16xi32>
    %add3A_1173 = arith.addi %mul3A_1169, %mul3A_1172 : vector<16xi32>
    %jit3A_1174 = arith.constant 8 : i32
    %eq3A_1175 = arith.constant 0 : i32
    %eq3A_1176 = arith.cmpi eq, %jit3A_1174, %eq3A_1175 : i32
    %jit3A_1177 = arith.constant 1 : i32
    %select_n3A_1178 = arith.select %eq3A_1176, %jit3A_1177, %jit3A_1174 : i32
    %rem3A_1179 = vector.broadcast %select_n3A_1178 : i32 to vector<16xi32>
    %rem3A_1180 = arith.remsi %select_n3A_1132, %rem3A_1179 : vector<16xi32>
    %ne3A_1181 = arith.constant 0 : i32
    %ne3A_1182 = vector.broadcast %ne3A_1181 : i32 to vector<16xi32>
    %ne3A_1183 = arith.cmpi ne, %rem3A_1180, %ne3A_1182 : vector<16xi32>
    %lt3A_1184 = arith.constant 0 : i32
    %lt3A_1185 = vector.broadcast %lt3A_1184 : i32 to vector<16xi32>
    %lt3A_1186 = arith.cmpi slt, %rem3A_1180, %lt3A_1185 : vector<16xi32>
    %lt3A_1187 = arith.constant 0 : i32
    %lt3A_1188 = arith.cmpi slt, %select_n3A_1178, %lt3A_1187 : i32
    %ne3A_1189 = vector.broadcast %lt3A_1188 : i1 to vector<16xi1>
    %ne3A_1190 = vector.broadcast %ne3A_1189 : vector<16xi1> to vector<16xi1>
    %ne3A_1191 = arith.xori %lt3A_1186, %ne3A_1190 : vector<16xi1>
    %and3A_1192 = arith.andi %ne3A_1191, %ne3A_1183 : vector<16xi1>
    %add3A_1193 = vector.broadcast %select_n3A_1178 : i32 to vector<16xi32>
    %add3A_1194 = arith.addi %rem3A_1180, %add3A_1193 : vector<16xi32>
    %select_n3A_1195 = arith.select %and3A_1192, %add3A_1194, %rem3A_1180 : vector<16xi1>, vector<16xi32>
    %add3A_1196 = arith.addi %add3A_1173, %select_n3A_1195 : vector<16xi32>
    %add3A_1197 = arith.constant 160 : i32
    %add3A_1198 = vector.broadcast %add3A_1197 : i32 to vector<16xi32>
    %add3A_1199 = arith.addi %add3A_1198, %iota3A : vector<16xi32>
    %jit3A_1200 = arith.constant 11 : i32
    %eq3A_1201 = arith.constant 0 : i32
    %eq3A_1202 = arith.cmpi eq, %jit3A_1200, %eq3A_1201 : i32
    %jit3A_1203 = arith.constant 1 : i32
    %select_n3A_1204 = arith.select %eq3A_1202, %jit3A_1203, %jit3A_1200 : i32
    %rem3A_1205 = vector.broadcast %select_n3A_1204 : i32 to vector<16xi32>
    %rem3A_1206 = arith.remsi %add3A_1199, %rem3A_1205 : vector<16xi32>
    %ne3A_1207 = arith.constant 0 : i32
    %ne3A_1208 = vector.broadcast %ne3A_1207 : i32 to vector<16xi32>
    %ne3A_1209 = arith.cmpi ne, %rem3A_1206, %ne3A_1208 : vector<16xi32>
    %lt3A_1210 = arith.constant 0 : i32
    %lt3A_1211 = vector.broadcast %lt3A_1210 : i32 to vector<16xi32>
    %lt3A_1212 = arith.cmpi slt, %rem3A_1206, %lt3A_1211 : vector<16xi32>
    %lt3A_1213 = arith.constant 0 : i32
    %lt3A_1214 = arith.cmpi slt, %select_n3A_1204, %lt3A_1213 : i32
    %ne3A_1215 = vector.broadcast %lt3A_1214 : i1 to vector<16xi1>
    %ne3A_1216 = vector.broadcast %ne3A_1215 : vector<16xi1> to vector<16xi1>
    %ne3A_1217 = arith.xori %lt3A_1212, %ne3A_1216 : vector<16xi1>
    %and3A_1218 = arith.andi %ne3A_1217, %ne3A_1209 : vector<16xi1>
    %add3A_1219 = vector.broadcast %select_n3A_1204 : i32 to vector<16xi32>
    %add3A_1220 = arith.addi %rem3A_1206, %add3A_1219 : vector<16xi32>
    %select_n3A_1221 = arith.select %and3A_1218, %add3A_1220, %rem3A_1206 : vector<16xi1>, vector<16xi32>
    %jit3A_1222 = arith.constant 11 : i32
    %div3A_1223 = vector.broadcast %jit3A_1222 : i32 to vector<16xi32>
    %div3A_1224 = arith.divsi %add3A_1199, %div3A_1223 : vector<16xi32>
    %sign3A_1225 = arith.constant 0 : i32
    %sign3A_1226 = vector.broadcast %sign3A_1225 : i32 to vector<16xi32>
    %sign3A_1227 = arith.cmpi sgt, %add3A_1199, %sign3A_1226 : vector<16xi32>
    %sign3A_1228 = arith.extui %sign3A_1227 : vector<16xi1> to vector<16xi32>
    %sign3A_1229 = arith.constant 0 : i32
    %sign3A_1230 = vector.broadcast %sign3A_1229 : i32 to vector<16xi32>
    %sign3A_1231 = arith.cmpi slt, %add3A_1199, %sign3A_1230 : vector<16xi32>
    %sign3A_1232 = arith.extui %sign3A_1231 : vector<16xi1> to vector<16xi32>
    %sign3A_1233 = arith.subi %sign3A_1228, %sign3A_1232 : vector<16xi32>
    %sign3A_1234 = arith.constant 0 : i32
    %sign3A_1235 = arith.cmpi sgt, %jit3A_1222, %sign3A_1234 : i32
    %sign3A_1236 = arith.extui %sign3A_1235 : i1 to i32
    %sign3A_1237 = arith.constant 0 : i32
    %sign3A_1238 = arith.cmpi slt, %jit3A_1222, %sign3A_1237 : i32
    %sign3A_1239 = arith.extui %sign3A_1238 : i1 to i32
    %sign3A_1240 = arith.subi %sign3A_1236, %sign3A_1239 : i32
    %ne3A_1241 = vector.broadcast %sign3A_1240 : i32 to vector<16xi32>
    %ne3A_1242 = arith.cmpi ne, %sign3A_1233, %ne3A_1241 : vector<16xi32>
    %rem3A_1243 = vector.broadcast %jit3A_1222 : i32 to vector<16xi32>
    %rem3A_1244 = arith.remsi %add3A_1199, %rem3A_1243 : vector<16xi32>
    %ne3A_1245 = arith.constant 0 : i32
    %ne3A_1246 = vector.broadcast %ne3A_1245 : i32 to vector<16xi32>
    %ne3A_1247 = arith.cmpi ne, %rem3A_1244, %ne3A_1246 : vector<16xi32>
    %and3A_1248 = arith.andi %ne3A_1242, %ne3A_1247 : vector<16xi1>
    %sub3A_1249 = arith.constant 1 : i32
    %sub3A_1250 = vector.broadcast %sub3A_1249 : i32 to vector<16xi32>
    %sub3A_1251 = arith.subi %div3A_1224, %sub3A_1250 : vector<16xi32>
    %select_n3A_1252 = arith.select %and3A_1248, %sub3A_1251, %div3A_1224 : vector<16xi1>, vector<16xi32>
    %mul3A_1253 = arith.constant 144 : i32
    %mul3A_1254 = vector.broadcast %mul3A_1253 : i32 to vector<16xi32>
    %mul3A_1255 = arith.muli %select_n3A_1221, %mul3A_1254 : vector<16xi32>
    %jit3A_1256 = arith.constant 8 : i32
    %div3A_1257 = vector.broadcast %jit3A_1256 : i32 to vector<16xi32>
    %div3A_1258 = arith.divsi %select_n3A_1252, %div3A_1257 : vector<16xi32>
    %sign3A_1259 = arith.constant 0 : i32
    %sign3A_1260 = vector.broadcast %sign3A_1259 : i32 to vector<16xi32>
    %sign3A_1261 = arith.cmpi sgt, %select_n3A_1252, %sign3A_1260 : vector<16xi32>
    %sign3A_1262 = arith.extui %sign3A_1261 : vector<16xi1> to vector<16xi32>
    %sign3A_1263 = arith.constant 0 : i32
    %sign3A_1264 = vector.broadcast %sign3A_1263 : i32 to vector<16xi32>
    %sign3A_1265 = arith.cmpi slt, %select_n3A_1252, %sign3A_1264 : vector<16xi32>
    %sign3A_1266 = arith.extui %sign3A_1265 : vector<16xi1> to vector<16xi32>
    %sign3A_1267 = arith.subi %sign3A_1262, %sign3A_1266 : vector<16xi32>
    %sign3A_1268 = arith.constant 0 : i32
    %sign3A_1269 = arith.cmpi sgt, %jit3A_1256, %sign3A_1268 : i32
    %sign3A_1270 = arith.extui %sign3A_1269 : i1 to i32
    %sign3A_1271 = arith.constant 0 : i32
    %sign3A_1272 = arith.cmpi slt, %jit3A_1256, %sign3A_1271 : i32
    %sign3A_1273 = arith.extui %sign3A_1272 : i1 to i32
    %sign3A_1274 = arith.subi %sign3A_1270, %sign3A_1273 : i32
    %ne3A_1275 = vector.broadcast %sign3A_1274 : i32 to vector<16xi32>
    %ne3A_1276 = arith.cmpi ne, %sign3A_1267, %ne3A_1275 : vector<16xi32>
    %rem3A_1277 = vector.broadcast %jit3A_1256 : i32 to vector<16xi32>
    %rem3A_1278 = arith.remsi %select_n3A_1252, %rem3A_1277 : vector<16xi32>
    %ne3A_1279 = arith.constant 0 : i32
    %ne3A_1280 = vector.broadcast %ne3A_1279 : i32 to vector<16xi32>
    %ne3A_1281 = arith.cmpi ne, %rem3A_1278, %ne3A_1280 : vector<16xi32>
    %and3A_1282 = arith.andi %ne3A_1276, %ne3A_1281 : vector<16xi1>
    %sub3A_1283 = arith.constant 1 : i32
    %sub3A_1284 = vector.broadcast %sub3A_1283 : i32 to vector<16xi32>
    %sub3A_1285 = arith.subi %div3A_1258, %sub3A_1284 : vector<16xi32>
    %select_n3A_1286 = arith.select %and3A_1282, %sub3A_1285, %div3A_1258 : vector<16xi1>, vector<16xi32>
    %mul3A_1287 = arith.constant 88 : i32
    %mul3A_1288 = vector.broadcast %mul3A_1287 : i32 to vector<16xi32>
    %mul3A_1289 = arith.muli %select_n3A_1286, %mul3A_1288 : vector<16xi32>
    %mul3A_1290 = arith.constant 8 : i32
    %mul3A_1291 = vector.broadcast %mul3A_1290 : i32 to vector<16xi32>
    %mul3A_1292 = arith.muli %select_n3A_1221, %mul3A_1291 : vector<16xi32>
    %add3A_1293 = arith.addi %mul3A_1289, %mul3A_1292 : vector<16xi32>
    %jit3A_1294 = arith.constant 8 : i32
    %eq3A_1295 = arith.constant 0 : i32
    %eq3A_1296 = arith.cmpi eq, %jit3A_1294, %eq3A_1295 : i32
    %jit3A_1297 = arith.constant 1 : i32
    %select_n3A_1298 = arith.select %eq3A_1296, %jit3A_1297, %jit3A_1294 : i32
    %rem3A_1299 = vector.broadcast %select_n3A_1298 : i32 to vector<16xi32>
    %rem3A_1300 = arith.remsi %select_n3A_1252, %rem3A_1299 : vector<16xi32>
    %ne3A_1301 = arith.constant 0 : i32
    %ne3A_1302 = vector.broadcast %ne3A_1301 : i32 to vector<16xi32>
    %ne3A_1303 = arith.cmpi ne, %rem3A_1300, %ne3A_1302 : vector<16xi32>
    %lt3A_1304 = arith.constant 0 : i32
    %lt3A_1305 = vector.broadcast %lt3A_1304 : i32 to vector<16xi32>
    %lt3A_1306 = arith.cmpi slt, %rem3A_1300, %lt3A_1305 : vector<16xi32>
    %lt3A_1307 = arith.constant 0 : i32
    %lt3A_1308 = arith.cmpi slt, %select_n3A_1298, %lt3A_1307 : i32
    %ne3A_1309 = vector.broadcast %lt3A_1308 : i1 to vector<16xi1>
    %ne3A_1310 = vector.broadcast %ne3A_1309 : vector<16xi1> to vector<16xi1>
    %ne3A_1311 = arith.xori %lt3A_1306, %ne3A_1310 : vector<16xi1>
    %and3A_1312 = arith.andi %ne3A_1311, %ne3A_1303 : vector<16xi1>
    %add3A_1313 = vector.broadcast %select_n3A_1298 : i32 to vector<16xi32>
    %add3A_1314 = arith.addi %rem3A_1300, %add3A_1313 : vector<16xi32>
    %select_n3A_1315 = arith.select %and3A_1312, %add3A_1314, %rem3A_1300 : vector<16xi1>, vector<16xi32>
    %add3A_1316 = arith.addi %add3A_1293, %select_n3A_1315 : vector<16xi32>
    %scan3A = arith.constant 0 : i32
    %scan3A_1317 = arith.constant 0 : i32
    %scan3A_1318 = arith.constant 32 : i32
    %scan3A_1319 = arith.addi %scan3A_1317, %scan3A_1318 : i32
    %scan3A_1320 = arith.constant 1 : i32
    scf.for %scan3A_1526 = %scan3A_1317 to %scan3A_1319 step %scan3A_1320  : i32 {
      %mul3A_1527 = arith.constant 11 : i32
      %mul3A_1528 = arith.muli %scan3A_1526, %mul3A_1527 : i32
      %add3A_1529 = arith.constant 0 : i32
      %add3A_1530 = arith.addi %mul3A_1528, %add3A_1529 : i32
      %mul3A_1531 = arith.constant 2 : i32
      %mul3A_1532 = arith.muli %add3A_1530, %mul3A_1531 : i32
      %mul3A_1533 = arith.constant 16 : i32
      %mul3A_1534 = arith.muli %mul3A_1532, %mul3A_1533 : i32
      %get3A = arith.index_cast %mul3A_1534 : i32 to index
      %get3A_1535 = tpu.vector_load %arg5[%get3A] {strides = array<i32>} : memref<11264xi16, #tpu.memory_space<vmem>>, vector<32xi16>,
      %bitcast3A = vector.bitcast %get3A_1535 : vector<32xi16> to vector<16xi32>
      %and3A_1536 = arith.constant 65535 : i32
      %and3A_1537 = vector.broadcast %and3A_1536 : i32 to vector<16xi32>
      %and3A_1538 = arith.andi %bitcast3A, %and3A_1537 : vector<16xi32>
      %shift_right_arithmetic3A = arith.constant 16 : i32
      %shift_right_arithmetic3A_1539 = vector.broadcast %shift_right_arithmetic3A : i32 to vector<16xi32>
      %shift_right_arithmetic3A_1540 = arith.shrsi %bitcast3A, %shift_right_arithmetic3A_1539 : vector<16xi32>
      %mul3A_1541 = arith.constant 176 : i32
      %mul3A_1542 = arith.muli %mul3A_1541, %scan3A_1526 : i32
      %broadcast_in_dim3A = vector.broadcast %mul3A_1542 : i32 to vector<16xi32>
      %add3A_1543 = arith.addi %broadcast_in_dim3A, %add3A_116 : vector<16xi32>
      %mul3A_1544 = arith.constant 12 : i32
      %mul3A_1545 = vector.broadcast %mul3A_1544 : i32 to vector<16xi32>
      %mul3A_1546 = arith.muli %and3A_1538, %mul3A_1545 : vector<16xi32>
      %add3A_1547 = arith.addi %mul3A_1546, %shift_right_arithmetic3A_1540 : vector<16xi32>
      %add3A_1548 = arith.addi %add3A_1547, %mul3A_55 : vector<16xi32>
      tpu.vector_store_idx %arg6[%add3A_1543], %add3A_1548 : memref<5632xi32, #tpu.memory_space<vmem>>[vector<16xi32>], vector<16xi32>,
      %mul3A_1549 = arith.constant 11 : i32
      %mul3A_1550 = arith.muli %scan3A_1526, %mul3A_1549 : i32
      %add3A_1551 = arith.constant 1 : i32
      %add3A_1552 = arith.addi %mul3A_1550, %add3A_1551 : i32
      %mul3A_1553 = arith.constant 2 : i32
      %mul3A_1554 = arith.muli %add3A_1552, %mul3A_1553 : i32
      %mul3A_1555 = arith.constant 16 : i32
      %mul3A_1556 = arith.muli %mul3A_1554, %mul3A_1555 : i32
      %get3A_1557 = arith.index_cast %mul3A_1556 : i32 to index
      %get3A_1558 = tpu.vector_load %arg5[%get3A_1557] {strides = array<i32>} : memref<11264xi16, #tpu.memory_space<vmem>>, vector<32xi16>,
      %bitcast3A_1559 = vector.bitcast %get3A_1558 : vector<32xi16> to vector<16xi32>
      %and3A_1560 = arith.constant 65535 : i32
      %and3A_1561 = vector.broadcast %and3A_1560 : i32 to vector<16xi32>
      %and3A_1562 = arith.andi %bitcast3A_1559, %and3A_1561 : vector<16xi32>
      %shift_right_arithmetic3A_1563 = arith.constant 16 : i32
      %shift_right_arithmetic3A_1564 = vector.broadcast %shift_right_arithmetic3A_1563 : i32 to vector<16xi32>
      %shift_right_arithmetic3A_1565 = arith.shrsi %bitcast3A_1559, %shift_right_arithmetic3A_1564 : vector<16xi32>
      %mul3A_1566 = arith.constant 176 : i32
      %mul3A_1567 = arith.muli %mul3A_1566, %scan3A_1526 : i32
      %broadcast_in_dim3A_1568 = vector.broadcast %mul3A_1567 : i32 to vector<16xi32>
      %add3A_1569 = arith.addi %broadcast_in_dim3A_1568, %add3A_236 : vector<16xi32>
      %mul3A_1570 = arith.constant 12 : i32
      %mul3A_1571 = vector.broadcast %mul3A_1570 : i32 to vector<16xi32>
      %mul3A_1572 = arith.muli %and3A_1562, %mul3A_1571 : vector<16xi32>
      %add3A_1573 = arith.addi %mul3A_1572, %shift_right_arithmetic3A_1565 : vector<16xi32>
      %add3A_1574 = arith.addi %add3A_1573, %mul3A_175 : vector<16xi32>
      tpu.vector_store_idx %arg6[%add3A_1569], %add3A_1574 : memref<5632xi32, #tpu.memory_space<vmem>>[vector<16xi32>], vector<16xi32>,
      %mul3A_1575 = arith.constant 11 : i32
      %mul3A_1576 = arith.muli %scan3A_1526, %mul3A_1575 : i32
      %add3A_1577 = arith.constant 2 : i32
      %add3A_1578 = arith.addi %mul3A_1576, %add3A_1577 : i32
      %mul3A_1579 = arith.constant 2 : i32
      %mul3A_1580 = arith.muli %add3A_1578, %mul3A_1579 : i32
      %mul3A_1581 = arith.constant 16 : i32
      %mul3A_1582 = arith.muli %mul3A_1580, %mul3A_1581 : i32
      %get3A_1583 = arith.index_cast %mul3A_1582 : i32 to index
      %get3A_1584 = tpu.vector_load %arg5[%get3A_1583] {strides = array<i32>} : memref<11264xi16, #tpu.memory_space<vmem>>, vector<32xi16>,
      %bitcast3A_1585 = vector.bitcast %get3A_1584 : vector<32xi16> to vector<16xi32>
      %and3A_1586 = arith.constant 65535 : i32
      %and3A_1587 = vector.broadcast %and3A_1586 : i32 to vector<16xi32>
      %and3A_1588 = arith.andi %bitcast3A_1585, %and3A_1587 : vector<16xi32>
      %shift_right_arithmetic3A_1589 = arith.constant 16 : i32
      %shift_right_arithmetic3A_1590 = vector.broadcast %shift_right_arithmetic3A_1589 : i32 to vector<16xi32>
      %shift_right_arithmetic3A_1591 = arith.shrsi %bitcast3A_1585, %shift_right_arithmetic3A_1590 : vector<16xi32>
      %mul3A_1592 = arith.constant 176 : i32
      %mul3A_1593 = arith.muli %mul3A_1592, %scan3A_1526 : i32
      %broadcast_in_dim3A_1594 = vector.broadcast %mul3A_1593 : i32 to vector<16xi32>
      %add3A_1595 = arith.addi %broadcast_in_dim3A_1594, %add3A_356 : vector<16xi32>
      %mul3A_1596 = arith.constant 12 : i32
      %mul3A_1597 = vector.broadcast %mul3A_1596 : i32 to vector<16xi32>
      %mul3A_1598 = arith.muli %and3A_1588, %mul3A_1597 : vector<16xi32>
      %add3A_1599 = arith.addi %mul3A_1598, %shift_right_arithmetic3A_1591 : vector<16xi32>
      %add3A_1600 = arith.addi %add3A_1599, %mul3A_295 : vector<16xi32>
      tpu.vector_store_idx %arg6[%add3A_1595], %add3A_1600 : memref<5632xi32, #tpu.memory_space<vmem>>[vector<16xi32>], vector<16xi32>,
      %mul3A_1601 = arith.constant 11 : i32
      %mul3A_1602 = arith.muli %scan3A_1526, %mul3A_1601 : i32
      %add3A_1603 = arith.constant 3 : i32
      %add3A_1604 = arith.addi %mul3A_1602, %add3A_1603 : i32
      %mul3A_1605 = arith.constant 2 : i32
      %mul3A_1606 = arith.muli %add3A_1604, %mul3A_1605 : i32
      %mul3A_1607 = arith.constant 16 : i32
      %mul3A_1608 = arith.muli %mul3A_1606, %mul3A_1607 : i32
      %get3A_1609 = arith.index_cast %mul3A_1608 : i32 to index
      %get3A_1610 = tpu.vector_load %arg5[%get3A_1609] {strides = array<i32>} : memref<11264xi16, #tpu.memory_space<vmem>>, vector<32xi16>,
      %bitcast3A_1611 = vector.bitcast %get3A_1610 : vector<32xi16> to vector<16xi32>
      %and3A_1612 = arith.constant 65535 : i32
      %and3A_1613 = vector.broadcast %and3A_1612 : i32 to vector<16xi32>
      %and3A_1614 = arith.andi %bitcast3A_1611, %and3A_1613 : vector<16xi32>
      %shift_right_arithmetic3A_1615 = arith.constant 16 : i32
      %shift_right_arithmetic3A_1616 = vector.broadcast %shift_right_arithmetic3A_1615 : i32 to vector<16xi32>
      %shift_right_arithmetic3A_1617 = arith.shrsi %bitcast3A_1611, %shift_right_arithmetic3A_1616 : vector<16xi32>
      %mul3A_1618 = arith.constant 176 : i32
      %mul3A_1619 = arith.muli %mul3A_1618, %scan3A_1526 : i32
      %broadcast_in_dim3A_1620 = vector.broadcast %mul3A_1619 : i32 to vector<16xi32>
      %add3A_1621 = arith.addi %broadcast_in_dim3A_1620, %add3A_476 : vector<16xi32>
      %mul3A_1622 = arith.constant 12 : i32
      %mul3A_1623 = vector.broadcast %mul3A_1622 : i32 to vector<16xi32>
      %mul3A_1624 = arith.muli %and3A_1614, %mul3A_1623 : vector<16xi32>
      %add3A_1625 = arith.addi %mul3A_1624, %shift_right_arithmetic3A_1617 : vector<16xi32>
      %add3A_1626 = arith.addi %add3A_1625, %mul3A_415 : vector<16xi32>
      tpu.vector_store_idx %arg6[%add3A_1621], %add3A_1626 : memref<5632xi32, #tpu.memory_space<vmem>>[vector<16xi32>], vector<16xi32>,
      %mul3A_1627 = arith.constant 11 : i32
      %mul3A_1628 = arith.muli %scan3A_1526, %mul3A_1627 : i32
      %add3A_1629 = arith.constant 4 : i32
      %add3A_1630 = arith.addi %mul3A_1628, %add3A_1629 : i32
      %mul3A_1631 = arith.constant 2 : i32
      %mul3A_1632 = arith.muli %add3A_1630, %mul3A_1631 : i32
      %mul3A_1633 = arith.constant 16 : i32
      %mul3A_1634 = arith.muli %mul3A_1632, %mul3A_1633 : i32
      %get3A_1635 = arith.index_cast %mul3A_1634 : i32 to index
      %get3A_1636 = tpu.vector_load %arg5[%get3A_1635] {strides = array<i32>} : memref<11264xi16, #tpu.memory_space<vmem>>, vector<32xi16>,
      %bitcast3A_1637 = vector.bitcast %get3A_1636 : vector<32xi16> to vector<16xi32>
      %and3A_1638 = arith.constant 65535 : i32
      %and3A_1639 = vector.broadcast %and3A_1638 : i32 to vector<16xi32>
      %and3A_1640 = arith.andi %bitcast3A_1637, %and3A_1639 : vector<16xi32>
      %shift_right_arithmetic3A_1641 = arith.constant 16 : i32
      %shift_right_arithmetic3A_1642 = vector.broadcast %shift_right_arithmetic3A_1641 : i32 to vector<16xi32>
      %shift_right_arithmetic3A_1643 = arith.shrsi %bitcast3A_1637, %shift_right_arithmetic3A_1642 : vector<16xi32>
      %mul3A_1644 = arith.constant 176 : i32
      %mul3A_1645 = arith.muli %mul3A_1644, %scan3A_1526 : i32
      %broadcast_in_dim3A_1646 = vector.broadcast %mul3A_1645 : i32 to vector<16xi32>
      %add3A_1647 = arith.addi %broadcast_in_dim3A_1646, %add3A_596 : vector<16xi32>
      %mul3A_1648 = arith.constant 12 : i32
      %mul3A_1649 = vector.broadcast %mul3A_1648 : i32 to vector<16xi32>
      %mul3A_1650 = arith.muli %and3A_1640, %mul3A_1649 : vector<16xi32>
      %add3A_1651 = arith.addi %mul3A_1650, %shift_right_arithmetic3A_1643 : vector<16xi32>
      %add3A_1652 = arith.addi %add3A_1651, %mul3A_535 : vector<16xi32>
      tpu.vector_store_idx %arg6[%add3A_1647], %add3A_1652 : memref<5632xi32, #tpu.memory_space<vmem>>[vector<16xi32>], vector<16xi32>,
      %mul3A_1653 = arith.constant 11 : i32
      %mul3A_1654 = arith.muli %scan3A_1526, %mul3A_1653 : i32
      %add3A_1655 = arith.constant 5 : i32
      %add3A_1656 = arith.addi %mul3A_1654, %add3A_1655 : i32
      %mul3A_1657 = arith.constant 2 : i32
      %mul3A_1658 = arith.muli %add3A_1656, %mul3A_1657 : i32
      %mul3A_1659 = arith.constant 16 : i32
      %mul3A_1660 = arith.muli %mul3A_1658, %mul3A_1659 : i32
      %get3A_1661 = arith.index_cast %mul3A_1660 : i32 to index
      %get3A_1662 = tpu.vector_load %arg5[%get3A_1661] {strides = array<i32>} : memref<11264xi16, #tpu.memory_space<vmem>>, vector<32xi16>,
      %bitcast3A_1663 = vector.bitcast %get3A_1662 : vector<32xi16> to vector<16xi32>
      %and3A_1664 = arith.constant 65535 : i32
      %and3A_1665 = vector.broadcast %and3A_1664 : i32 to vector<16xi32>
      %and3A_1666 = arith.andi %bitcast3A_1663, %and3A_1665 : vector<16xi32>
      %shift_right_arithmetic3A_1667 = arith.constant 16 : i32
      %shift_right_arithmetic3A_1668 = vector.broadcast %shift_right_arithmetic3A_1667 : i32 to vector<16xi32>
      %shift_right_arithmetic3A_1669 = arith.shrsi %bitcast3A_1663, %shift_right_arithmetic3A_1668 : vector<16xi32>
      %mul3A_1670 = arith.constant 176 : i32
      %mul3A_1671 = arith.muli %mul3A_1670, %scan3A_1526 : i32
      %broadcast_in_dim3A_1672 = vector.broadcast %mul3A_1671 : i32 to vector<16xi32>
      %add3A_1673 = arith.addi %broadcast_in_dim3A_1672, %add3A_716 : vector<16xi32>
      %mul3A_1674 = arith.constant 12 : i32
      %mul3A_1675 = vector.broadcast %mul3A_1674 : i32 to vector<16xi32>
      %mul3A_1676 = arith.muli %and3A_1666, %mul3A_1675 : vector<16xi32>
      %add3A_1677 = arith.addi %mul3A_1676, %shift_right_arithmetic3A_1669 : vector<16xi32>
      %add3A_1678 = arith.addi %add3A_1677, %mul3A_655 : vector<16xi32>
      tpu.vector_store_idx %arg6[%add3A_1673], %add3A_1678 : memref<5632xi32, #tpu.memory_space<vmem>>[vector<16xi32>], vector<16xi32>,
      %mul3A_1679 = arith.constant 11 : i32
      %mul3A_1680 = arith.muli %scan3A_1526, %mul3A_1679 : i32
      %add3A_1681 = arith.constant 6 : i32
      %add3A_1682 = arith.addi %mul3A_1680, %add3A_1681 : i32
      %mul3A_1683 = arith.constant 2 : i32
      %mul3A_1684 = arith.muli %add3A_1682, %mul3A_1683 : i32
      %mul3A_1685 = arith.constant 16 : i32
      %mul3A_1686 = arith.muli %mul3A_1684, %mul3A_1685 : i32
      %get3A_1687 = arith.index_cast %mul3A_1686 : i32 to index
      %get3A_1688 = tpu.vector_load %arg5[%get3A_1687] {strides = array<i32>} : memref<11264xi16, #tpu.memory_space<vmem>>, vector<32xi16>,
      %bitcast3A_1689 = vector.bitcast %get3A_1688 : vector<32xi16> to vector<16xi32>
      %and3A_1690 = arith.constant 65535 : i32
      %and3A_1691 = vector.broadcast %and3A_1690 : i32 to vector<16xi32>
      %and3A_1692 = arith.andi %bitcast3A_1689, %and3A_1691 : vector<16xi32>
      %shift_right_arithmetic3A_1693 = arith.constant 16 : i32
      %shift_right_arithmetic3A_1694 = vector.broadcast %shift_right_arithmetic3A_1693 : i32 to vector<16xi32>
      %shift_right_arithmetic3A_1695 = arith.shrsi %bitcast3A_1689, %shift_right_arithmetic3A_1694 : vector<16xi32>
      %mul3A_1696 = arith.constant 176 : i32
      %mul3A_1697 = arith.muli %mul3A_1696, %scan3A_1526 : i32
      %broadcast_in_dim3A_1698 = vector.broadcast %mul3A_1697 : i32 to vector<16xi32>
      %add3A_1699 = arith.addi %broadcast_in_dim3A_1698, %add3A_836 : vector<16xi32>
      %mul3A_1700 = arith.constant 12 : i32
      %mul3A_1701 = vector.broadcast %mul3A_1700 : i32 to vector<16xi32>
      %mul3A_1702 = arith.muli %and3A_1692, %mul3A_1701 : vector<16xi32>
      %add3A_1703 = arith.addi %mul3A_1702, %shift_right_arithmetic3A_1695 : vector<16xi32>
      %add3A_1704 = arith.addi %add3A_1703, %mul3A_775 : vector<16xi32>
      tpu.vector_store_idx %arg6[%add3A_1699], %add3A_1704 : memref<5632xi32, #tpu.memory_space<vmem>>[vector<16xi32>], vector<16xi32>,
      %mul3A_1705 = arith.constant 11 : i32
      %mul3A_1706 = arith.muli %scan3A_1526, %mul3A_1705 : i32
      %add3A_1707 = arith.constant 7 : i32
      %add3A_1708 = arith.addi %mul3A_1706, %add3A_1707 : i32
      %mul3A_1709 = arith.constant 2 : i32
      %mul3A_1710 = arith.muli %add3A_1708, %mul3A_1709 : i32
      %mul3A_1711 = arith.constant 16 : i32
      %mul3A_1712 = arith.muli %mul3A_1710, %mul3A_1711 : i32
      %get3A_1713 = arith.index_cast %mul3A_1712 : i32 to index
      %get3A_1714 = tpu.vector_load %arg5[%get3A_1713] {strides = array<i32>} : memref<11264xi16, #tpu.memory_space<vmem>>, vector<32xi16>,
      %bitcast3A_1715 = vector.bitcast %get3A_1714 : vector<32xi16> to vector<16xi32>
      %and3A_1716 = arith.constant 65535 : i32
      %and3A_1717 = vector.broadcast %and3A_1716 : i32 to vector<16xi32>
      %and3A_1718 = arith.andi %bitcast3A_1715, %and3A_1717 : vector<16xi32>
      %shift_right_arithmetic3A_1719 = arith.constant 16 : i32
      %shift_right_arithmetic3A_1720 = vector.broadcast %shift_right_arithmetic3A_1719 : i32 to vector<16xi32>
      %shift_right_arithmetic3A_1721 = arith.shrsi %bitcast3A_1715, %shift_right_arithmetic3A_1720 : vector<16xi32>
      %mul3A_1722 = arith.constant 176 : i32
      %mul3A_1723 = arith.muli %mul3A_1722, %scan3A_1526 : i32
      %broadcast_in_dim3A_1724 = vector.broadcast %mul3A_1723 : i32 to vector<16xi32>
      %add3A_1725 = arith.addi %broadcast_in_dim3A_1724, %add3A_956 : vector<16xi32>
      %mul3A_1726 = arith.constant 12 : i32
      %mul3A_1727 = vector.broadcast %mul3A_1726 : i32 to vector<16xi32>
      %mul3A_1728 = arith.muli %and3A_1718, %mul3A_1727 : vector<16xi32>
      %add3A_1729 = arith.addi %mul3A_1728, %shift_right_arithmetic3A_1721 : vector<16xi32>
      %add3A_1730 = arith.addi %add3A_1729, %mul3A_895 : vector<16xi32>
      tpu.vector_store_idx %arg6[%add3A_1725], %add3A_1730 : memref<5632xi32, #tpu.memory_space<vmem>>[vector<16xi32>], vector<16xi32>,
      %mul3A_1731 = arith.constant 11 : i32
      %mul3A_1732 = arith.muli %scan3A_1526, %mul3A_1731 : i32
      %add3A_1733 = arith.constant 8 : i32
      %add3A_1734 = arith.addi %mul3A_1732, %add3A_1733 : i32
      %mul3A_1735 = arith.constant 2 : i32
      %mul3A_1736 = arith.muli %add3A_1734, %mul3A_1735 : i32
      %mul3A_1737 = arith.constant 16 : i32
      %mul3A_1738 = arith.muli %mul3A_1736, %mul3A_1737 : i32
      %get3A_1739 = arith.index_cast %mul3A_1738 : i32 to index
      %get3A_1740 = tpu.vector_load %arg5[%get3A_1739] {strides = array<i32>} : memref<11264xi16, #tpu.memory_space<vmem>>, vector<32xi16>,
      %bitcast3A_1741 = vector.bitcast %get3A_1740 : vector<32xi16> to vector<16xi32>
      %and3A_1742 = arith.constant 65535 : i32
      %and3A_1743 = vector.broadcast %and3A_1742 : i32 to vector<16xi32>
      %and3A_1744 = arith.andi %bitcast3A_1741, %and3A_1743 : vector<16xi32>
      %shift_right_arithmetic3A_1745 = arith.constant 16 : i32
      %shift_right_arithmetic3A_1746 = vector.broadcast %shift_right_arithmetic3A_1745 : i32 to vector<16xi32>
      %shift_right_arithmetic3A_1747 = arith.shrsi %bitcast3A_1741, %shift_right_arithmetic3A_1746 : vector<16xi32>
      %mul3A_1748 = arith.constant 176 : i32
      %mul3A_1749 = arith.muli %mul3A_1748, %scan3A_1526 : i32
      %broadcast_in_dim3A_1750 = vector.broadcast %mul3A_1749 : i32 to vector<16xi32>
      %add3A_1751 = arith.addi %broadcast_in_dim3A_1750, %add3A_1076 : vector<16xi32>
      %mul3A_1752 = arith.constant 12 : i32
      %mul3A_1753 = vector.broadcast %mul3A_1752 : i32 to vector<16xi32>
      %mul3A_1754 = arith.muli %and3A_1744, %mul3A_1753 : vector<16xi32>
      %add3A_1755 = arith.addi %mul3A_1754, %shift_right_arithmetic3A_1747 : vector<16xi32>
      %add3A_1756 = arith.addi %add3A_1755, %mul3A_1015 : vector<16xi32>
      tpu.vector_store_idx %arg6[%add3A_1751], %add3A_1756 : memref<5632xi32, #tpu.memory_space<vmem>>[vector<16xi32>], vector<16xi32>,
      %mul3A_1757 = arith.constant 11 : i32
      %mul3A_1758 = arith.muli %scan3A_1526, %mul3A_1757 : i32
      %add3A_1759 = arith.constant 9 : i32
      %add3A_1760 = arith.addi %mul3A_1758, %add3A_1759 : i32
      %mul3A_1761 = arith.constant 2 : i32
      %mul3A_1762 = arith.muli %add3A_1760, %mul3A_1761 : i32
      %mul3A_1763 = arith.constant 16 : i32
      %mul3A_1764 = arith.muli %mul3A_1762, %mul3A_1763 : i32
      %get3A_1765 = arith.index_cast %mul3A_1764 : i32 to index
      %get3A_1766 = tpu.vector_load %arg5[%get3A_1765] {strides = array<i32>} : memref<11264xi16, #tpu.memory_space<vmem>>, vector<32xi16>,
      %bitcast3A_1767 = vector.bitcast %get3A_1766 : vector<32xi16> to vector<16xi32>
      %and3A_1768 = arith.constant 65535 : i32
      %and3A_1769 = vector.broadcast %and3A_1768 : i32 to vector<16xi32>
      %and3A_1770 = arith.andi %bitcast3A_1767, %and3A_1769 : vector<16xi32>
      %shift_right_arithmetic3A_1771 = arith.constant 16 : i32
      %shift_right_arithmetic3A_1772 = vector.broadcast %shift_right_arithmetic3A_1771 : i32 to vector<16xi32>
      %shift_right_arithmetic3A_1773 = arith.shrsi %bitcast3A_1767, %shift_right_arithmetic3A_1772 : vector<16xi32>
      %mul3A_1774 = arith.constant 176 : i32
      %mul3A_1775 = arith.muli %mul3A_1774, %scan3A_1526 : i32
      %broadcast_in_dim3A_1776 = vector.broadcast %mul3A_1775 : i32 to vector<16xi32>
      %add3A_1777 = arith.addi %broadcast_in_dim3A_1776, %add3A_1196 : vector<16xi32>
      %mul3A_1778 = arith.constant 12 : i32
      %mul3A_1779 = vector.broadcast %mul3A_1778 : i32 to vector<16xi32>
      %mul3A_1780 = arith.muli %and3A_1770, %mul3A_1779 : vector<16xi32>
      %add3A_1781 = arith.addi %mul3A_1780, %shift_right_arithmetic3A_1773 : vector<16xi32>
      %add3A_1782 = arith.addi %add3A_1781, %mul3A_1135 : vector<16xi32>
      tpu.vector_store_idx %arg6[%add3A_1777], %add3A_1782 : memref<5632xi32, #tpu.memory_space<vmem>>[vector<16xi32>], vector<16xi32>,
      %mul3A_1783 = arith.constant 11 : i32
      %mul3A_1784 = arith.muli %scan3A_1526, %mul3A_1783 : i32
      %add3A_1785 = arith.constant 10 : i32
      %add3A_1786 = arith.addi %mul3A_1784, %add3A_1785 : i32
      %mul3A_1787 = arith.constant 2 : i32
      %mul3A_1788 = arith.muli %add3A_1786, %mul3A_1787 : i32
      %mul3A_1789 = arith.constant 16 : i32
      %mul3A_1790 = arith.muli %mul3A_1788, %mul3A_1789 : i32
      %get3A_1791 = arith.index_cast %mul3A_1790 : i32 to index
      %get3A_1792 = tpu.vector_load %arg5[%get3A_1791] {strides = array<i32>} : memref<11264xi16, #tpu.memory_space<vmem>>, vector<32xi16>,
      %bitcast3A_1793 = vector.bitcast %get3A_1792 : vector<32xi16> to vector<16xi32>
      %and3A_1794 = arith.constant 65535 : i32
      %and3A_1795 = vector.broadcast %and3A_1794 : i32 to vector<16xi32>
      %and3A_1796 = arith.andi %bitcast3A_1793, %and3A_1795 : vector<16xi32>
      %shift_right_arithmetic3A_1797 = arith.constant 16 : i32
      %shift_right_arithmetic3A_1798 = vector.broadcast %shift_right_arithmetic3A_1797 : i32 to vector<16xi32>
      %shift_right_arithmetic3A_1799 = arith.shrsi %bitcast3A_1793, %shift_right_arithmetic3A_1798 : vector<16xi32>
      %mul3A_1800 = arith.constant 176 : i32
      %mul3A_1801 = arith.muli %mul3A_1800, %scan3A_1526 : i32
      %broadcast_in_dim3A_1802 = vector.broadcast %mul3A_1801 : i32 to vector<16xi32>
      %add3A_1803 = arith.addi %broadcast_in_dim3A_1802, %add3A_1316 : vector<16xi32>
      %mul3A_1804 = arith.constant 12 : i32
      %mul3A_1805 = vector.broadcast %mul3A_1804 : i32 to vector<16xi32>
      %mul3A_1806 = arith.muli %and3A_1796, %mul3A_1805 : vector<16xi32>
      %add3A_1807 = arith.addi %mul3A_1806, %shift_right_arithmetic3A_1799 : vector<16xi32>
      %add3A_1808 = arith.addi %add3A_1807, %mul3A_1255 : vector<16xi32>
      tpu.vector_store_idx %arg6[%add3A_1803], %add3A_1808 : memref<5632xi32, #tpu.memory_space<vmem>>[vector<16xi32>], vector<16xi32>,
    }
    %scan3A_1321 = arith.constant 32 : i32
    %dma_start3A = arith.constant 0 : i32
    %dma_start3A_1322 = arith.constant 0 : i32
    %dma_start3A_1323 = arith.constant 0 : i32
    %dma_start3A_1324 = tpu.memref_slice %arg7[%dma_start3A, %dma_start3A_1322, %dma_start3A_1323] : memref<8x88x128xf32, #tpu.memory_space<vmem>> -> memref<1x88x128xf32, #tpu.memory_space<vmem>>
    %dma_start3A_1325 = tpu.memref_squeeze %dma_start3A_1324 : memref<1x88x128xf32, #tpu.memory_space<vmem>> -> memref<88x128xf32, #tpu.memory_space<vmem>>
    %dma_start3A_1326 = arith.constant 0 : i32
    %dma_start3A_1327 = tpu.memref_slice %arg6[%dma_start3A_1326] : memref<5632xi32, #tpu.memory_space<vmem>> -> memref<88xi32, #tpu.memory_space<vmem>>
    %dma_start3A_1328 = arith.constant 0 : i32
    %dma_start3A_1329 = arith.constant 0 : i32
    %dma_start3A_1330 = tpu.memref_slice %arg3[%dma_start3A_1328, %dma_start3A_1329] : memref<1584x128xf32, #tpu.memory_space<hbm>> -> memref<1584x128xf32, #tpu.memory_space<hbm>>
    tpu.enqueue_indirect_dma source(%dma_start3A_1330 : memref<1584x128xf32, #tpu.memory_space<hbm>>) target(%dma_start3A_1325 : memref<88x128xf32, #tpu.memory_space<vmem>>) offsets(%dma_start3A_1327 : memref<88xi32, #tpu.memory_space<vmem>>) semaphore(%arg8 : memref<!tpu.dma_semaphore, #tpu.memory_space<semaphore_mem>>)
    %dma_start3A_1331 = arith.constant 1 : i32
    %dma_start3A_1332 = arith.constant 0 : i32
    %dma_start3A_1333 = arith.constant 0 : i32
    %dma_start3A_1334 = tpu.memref_slice %arg7[%dma_start3A_1331, %dma_start3A_1332, %dma_start3A_1333] : memref<8x88x128xf32, #tpu.memory_space<vmem>> -> memref<1x88x128xf32, #tpu.memory_space<vmem>>
    %dma_start3A_1335 = tpu.memref_squeeze %dma_start3A_1334 : memref<1x88x128xf32, #tpu.memory_space<vmem>> -> memref<88x128xf32, #tpu.memory_space<vmem>>
    %dma_start3A_1336 = arith.constant 88 : i32
    %dma_start3A_1337 = tpu.memref_slice %arg6[%dma_start3A_1336] : memref<5632xi32, #tpu.memory_space<vmem>> -> memref<88xi32, #tpu.memory_space<vmem>>
    %dma_start3A_1338 = arith.constant 0 : i32
    %dma_start3A_1339 = arith.constant 0 : i32
    %dma_start3A_1340 = tpu.memref_slice %arg3[%dma_start3A_1338, %dma_start3A_1339] : memref<1584x128xf32, #tpu.memory_space<hbm>> -> memref<1584x128xf32, #tpu.memory_space<hbm>>
    tpu.enqueue_indirect_dma source(%dma_start3A_1340 : memref<1584x128xf32, #tpu.memory_space<hbm>>) target(%dma_start3A_1335 : memref<88x128xf32, #tpu.memory_space<vmem>>) offsets(%dma_start3A_1337 : memref<88xi32, #tpu.memory_space<vmem>>) semaphore(%arg9 : memref<!tpu.dma_semaphore, #tpu.memory_space<semaphore_mem>>)
    %dma_start3A_1341 = arith.constant 2 : i32
    %dma_start3A_1342 = arith.constant 0 : i32
    %dma_start3A_1343 = arith.constant 0 : i32
    %dma_start3A_1344 = tpu.memref_slice %arg7[%dma_start3A_1341, %dma_start3A_1342, %dma_start3A_1343] : memref<8x88x128xf32, #tpu.memory_space<vmem>> -> memref<1x88x128xf32, #tpu.memory_space<vmem>>
    %dma_start3A_1345 = tpu.memref_squeeze %dma_start3A_1344 : memref<1x88x128xf32, #tpu.memory_space<vmem>> -> memref<88x128xf32, #tpu.memory_space<vmem>>
    %dma_start3A_1346 = arith.constant 176 : i32
    %dma_start3A_1347 = tpu.memref_slice %arg6[%dma_start3A_1346] : memref<5632xi32, #tpu.memory_space<vmem>> -> memref<88xi32, #tpu.memory_space<vmem>>
    %dma_start3A_1348 = arith.constant 0 : i32
    %dma_start3A_1349 = arith.constant 0 : i32
    %dma_start3A_1350 = tpu.memref_slice %arg3[%dma_start3A_1348, %dma_start3A_1349] : memref<1584x128xf32, #tpu.memory_space<hbm>> -> memref<1584x128xf32, #tpu.memory_space<hbm>>
    tpu.enqueue_indirect_dma source(%dma_start3A_1350 : memref<1584x128xf32, #tpu.memory_space<hbm>>) target(%dma_start3A_1345 : memref<88x128xf32, #tpu.memory_space<vmem>>) offsets(%dma_start3A_1347 : memref<88xi32, #tpu.memory_space<vmem>>) semaphore(%arg10 : memref<!tpu.dma_semaphore, #tpu.memory_space<semaphore_mem>>)
    %dma_start3A_1351 = arith.constant 3 : i32
    %dma_start3A_1352 = arith.constant 0 : i32
    %dma_start3A_1353 = arith.constant 0 : i32
    %dma_start3A_1354 = tpu.memref_slice %arg7[%dma_start3A_1351, %dma_start3A_1352, %dma_start3A_1353] : memref<8x88x128xf32, #tpu.memory_space<vmem>> -> memref<1x88x128xf32, #tpu.memory_space<vmem>>
    %dma_start3A_1355 = tpu.memref_squeeze %dma_start3A_1354 : memref<1x88x128xf32, #tpu.memory_space<vmem>> -> memref<88x128xf32, #tpu.memory_space<vmem>>
    %dma_start3A_1356 = arith.constant 264 : i32
    %dma_start3A_1357 = tpu.memref_slice %arg6[%dma_start3A_1356] : memref<5632xi32, #tpu.memory_space<vmem>> -> memref<88xi32, #tpu.memory_space<vmem>>
    %dma_start3A_1358 = arith.constant 0 : i32
    %dma_start3A_1359 = arith.constant 0 : i32
    %dma_start3A_1360 = tpu.memref_slice %arg3[%dma_start3A_1358, %dma_start3A_1359] : memref<1584x128xf32, #tpu.memory_space<hbm>> -> memref<1584x128xf32, #tpu.memory_space<hbm>>
    tpu.enqueue_indirect_dma source(%dma_start3A_1360 : memref<1584x128xf32, #tpu.memory_space<hbm>>) target(%dma_start3A_1355 : memref<88x128xf32, #tpu.memory_space<vmem>>) offsets(%dma_start3A_1357 : memref<88xi32, #tpu.memory_space<vmem>>) semaphore(%arg11 : memref<!tpu.dma_semaphore, #tpu.memory_space<semaphore_mem>>)
    %dma_start3A_1361 = arith.constant 4 : i32
    %dma_start3A_1362 = arith.constant 0 : i32
    %dma_start3A_1363 = arith.constant 0 : i32
    %dma_start3A_1364 = tpu.memref_slice %arg7[%dma_start3A_1361, %dma_start3A_1362, %dma_start3A_1363] : memref<8x88x128xf32, #tpu.memory_space<vmem>> -> memref<1x88x128xf32, #tpu.memory_space<vmem>>
    %dma_start3A_1365 = tpu.memref_squeeze %dma_start3A_1364 : memref<1x88x128xf32, #tpu.memory_space<vmem>> -> memref<88x128xf32, #tpu.memory_space<vmem>>
    %dma_start3A_1366 = arith.constant 352 : i32
    %dma_start3A_1367 = tpu.memref_slice %arg6[%dma_start3A_1366] : memref<5632xi32, #tpu.memory_space<vmem>> -> memref<88xi32, #tpu.memory_space<vmem>>
    %dma_start3A_1368 = arith.constant 0 : i32
    %dma_start3A_1369 = arith.constant 0 : i32
    %dma_start3A_1370 = tpu.memref_slice %arg3[%dma_start3A_1368, %dma_start3A_1369] : memref<1584x128xf32, #tpu.memory_space<hbm>> -> memref<1584x128xf32, #tpu.memory_space<hbm>>
    tpu.enqueue_indirect_dma source(%dma_start3A_1370 : memref<1584x128xf32, #tpu.memory_space<hbm>>) target(%dma_start3A_1365 : memref<88x128xf32, #tpu.memory_space<vmem>>) offsets(%dma_start3A_1367 : memref<88xi32, #tpu.memory_space<vmem>>) semaphore(%arg12 : memref<!tpu.dma_semaphore, #tpu.memory_space<semaphore_mem>>)
    %dma_start3A_1371 = arith.constant 5 : i32
    %dma_start3A_1372 = arith.constant 0 : i32
    %dma_start3A_1373 = arith.constant 0 : i32
    %dma_start3A_1374 = tpu.memref_slice %arg7[%dma_start3A_1371, %dma_start3A_1372, %dma_start3A_1373] : memref<8x88x128xf32, #tpu.memory_space<vmem>> -> memref<1x88x128xf32, #tpu.memory_space<vmem>>
    %dma_start3A_1375 = tpu.memref_squeeze %dma_start3A_1374 : memref<1x88x128xf32, #tpu.memory_space<vmem>> -> memref<88x128xf32, #tpu.memory_space<vmem>>
    %dma_start3A_1376 = arith.constant 440 : i32
    %dma_start3A_1377 = tpu.memref_slice %arg6[%dma_start3A_1376] : memref<5632xi32, #tpu.memory_space<vmem>> -> memref<88xi32, #tpu.memory_space<vmem>>
    %dma_start3A_1378 = arith.constant 0 : i32
    %dma_start3A_1379 = arith.constant 0 : i32
    %dma_start3A_1380 = tpu.memref_slice %arg3[%dma_start3A_1378, %dma_start3A_1379] : memref<1584x128xf32, #tpu.memory_space<hbm>> -> memref<1584x128xf32, #tpu.memory_space<hbm>>
    tpu.enqueue_indirect_dma source(%dma_start3A_1380 : memref<1584x128xf32, #tpu.memory_space<hbm>>) target(%dma_start3A_1375 : memref<88x128xf32, #tpu.memory_space<vmem>>) offsets(%dma_start3A_1377 : memref<88xi32, #tpu.memory_space<vmem>>) semaphore(%arg13 : memref<!tpu.dma_semaphore, #tpu.memory_space<semaphore_mem>>)
    %dma_start3A_1381 = arith.constant 6 : i32
    %dma_start3A_1382 = arith.constant 0 : i32
    %dma_start3A_1383 = arith.constant 0 : i32
    %dma_start3A_1384 = tpu.memref_slice %arg7[%dma_start3A_1381, %dma_start3A_1382, %dma_start3A_1383] : memref<8x88x128xf32, #tpu.memory_space<vmem>> -> memref<1x88x128xf32, #tpu.memory_space<vmem>>
    %dma_start3A_1385 = tpu.memref_squeeze %dma_start3A_1384 : memref<1x88x128xf32, #tpu.memory_space<vmem>> -> memref<88x128xf32, #tpu.memory_space<vmem>>
    %dma_start3A_1386 = arith.constant 528 : i32
    %dma_start3A_1387 = tpu.memref_slice %arg6[%dma_start3A_1386] : memref<5632xi32, #tpu.memory_space<vmem>> -> memref<88xi32, #tpu.memory_space<vmem>>
    %dma_start3A_1388 = arith.constant 0 : i32
    %dma_start3A_1389 = arith.constant 0 : i32
    %dma_start3A_1390 = tpu.memref_slice %arg3[%dma_start3A_1388, %dma_start3A_1389] : memref<1584x128xf32, #tpu.memory_space<hbm>> -> memref<1584x128xf32, #tpu.memory_space<hbm>>
    tpu.enqueue_indirect_dma source(%dma_start3A_1390 : memref<1584x128xf32, #tpu.memory_space<hbm>>) target(%dma_start3A_1385 : memref<88x128xf32, #tpu.memory_space<vmem>>) offsets(%dma_start3A_1387 : memref<88xi32, #tpu.memory_space<vmem>>) semaphore(%arg14 : memref<!tpu.dma_semaphore, #tpu.memory_space<semaphore_mem>>)
    %dma_start3A_1391 = arith.constant 7 : i32
    %dma_start3A_1392 = arith.constant 0 : i32
    %dma_start3A_1393 = arith.constant 0 : i32
    %dma_start3A_1394 = tpu.memref_slice %arg7[%dma_start3A_1391, %dma_start3A_1392, %dma_start3A_1393] : memref<8x88x128xf32, #tpu.memory_space<vmem>> -> memref<1x88x128xf32, #tpu.memory_space<vmem>>
    %dma_start3A_1395 = tpu.memref_squeeze %dma_start3A_1394 : memref<1x88x128xf32, #tpu.memory_space<vmem>> -> memref<88x128xf32, #tpu.memory_space<vmem>>
    %dma_start3A_1396 = arith.constant 616 : i32
    %dma_start3A_1397 = tpu.memref_slice %arg6[%dma_start3A_1396] : memref<5632xi32, #tpu.memory_space<vmem>> -> memref<88xi32, #tpu.memory_space<vmem>>
    %dma_start3A_1398 = arith.constant 0 : i32
    %dma_start3A_1399 = arith.constant 0 : i32
    %dma_start3A_1400 = tpu.memref_slice %arg3[%dma_start3A_1398, %dma_start3A_1399] : memref<1584x128xf32, #tpu.memory_space<hbm>> -> memref<1584x128xf32, #tpu.memory_space<hbm>>
    tpu.enqueue_indirect_dma source(%dma_start3A_1400 : memref<1584x128xf32, #tpu.memory_space<hbm>>) target(%dma_start3A_1395 : memref<88x128xf32, #tpu.memory_space<vmem>>) offsets(%dma_start3A_1397 : memref<88xi32, #tpu.memory_space<vmem>>) semaphore(%arg15 : memref<!tpu.dma_semaphore, #tpu.memory_space<semaphore_mem>>)
    %scan3A_1401 = arith.constant 0 : i32
    %scan3A_1402 = arith.constant 0 : i32
    %scan3A_1403 = arith.constant 8 : i32
    %scan3A_1404 = arith.addi %scan3A_1402, %scan3A_1403 : i32
    %scan3A_1405 = arith.constant 1 : i32
    scf.for %scan3A_1526 = %scan3A_1402 to %scan3A_1404 step %scan3A_1405  : i32 {
      %mul3A_1527 = arith.constant 8 : i32
      %mul3A_1528 = arith.muli %scan3A_1526, %mul3A_1527 : i32
      %add3A_1529 = arith.constant 0 : i32
      %add3A_1530 = arith.addi %mul3A_1528, %add3A_1529 : i32
      %mul3A_1531 = arith.constant 88 : i32
      %mul3A_1532 = arith.muli %add3A_1530, %mul3A_1531 : i32
      %dma_wait3A_1533 = arith.constant 0 : i32
      %dma_wait3A_1534 = arith.constant 0 : i32
      %dma_wait3A_1535 = arith.constant 0 : i32
      %dma_wait3A_1536 = tpu.memref_slice %arg7[%dma_wait3A_1533, %dma_wait3A_1534, %dma_wait3A_1535] : memref<8x88x128xf32, #tpu.memory_space<vmem>> -> memref<1x88x128xf32, #tpu.memory_space<vmem>>
      %dma_wait3A_1537 = tpu.memref_squeeze %dma_wait3A_1536 : memref<1x88x128xf32, #tpu.memory_space<vmem>> -> memref<88x128xf32, #tpu.memory_space<vmem>>
      %dma_wait3A_1538 = tpu.memref_slice %arg6[%mul3A_1532] : memref<5632xi32, #tpu.memory_space<vmem>> -> memref<88xi32, #tpu.memory_space<vmem>>
      %dma_wait3A_1539 = arith.constant 0 : i32
      %dma_wait3A_1540 = arith.constant 0 : i32
      %dma_wait3A_1541 = tpu.memref_slice %arg3[%dma_wait3A_1539, %dma_wait3A_1540] : memref<1584x128xf32, #tpu.memory_space<hbm>> -> memref<1584x128xf32, #tpu.memory_space<hbm>>
      tpu.wait_indirect_dma semaphore(%arg8 : memref<!tpu.dma_semaphore, #tpu.memory_space<semaphore_mem>>) src(%dma_wait3A_1541 : memref<1584x128xf32, #tpu.memory_space<hbm>>) dst(%dma_wait3A_1537 : memref<88x128xf32, #tpu.memory_space<vmem>>)
      %mul3A_1542 = arith.constant 8 : i32
      %mul3A_1543 = arith.muli %scan3A_1526, %mul3A_1542 : i32
      %add3A_1544 = arith.constant 0 : i32
      %add3A_1545 = arith.addi %mul3A_1543, %add3A_1544 : i32
      %mul3A_1546 = arith.constant 88 : i32
      %mul3A_1547 = arith.muli %add3A_1545, %mul3A_1546 : i32
      %add3A_1548 = arith.addi %mul3A_2, %mul3A_1547 : i32
      %dma_start3A_1549 = arith.constant 0 : i32
      %dma_start3A_1550 = arith.constant 0 : i32
      %dma_start3A_1551 = arith.constant 0 : i32
      %dma_start3A_1552 = tpu.memref_slice %arg7[%dma_start3A_1549, %dma_start3A_1550, %dma_start3A_1551] : memref<8x88x128xf32, #tpu.memory_space<vmem>> -> memref<1x88x128xf32, #tpu.memory_space<vmem>>
      %dma_start3A_1553 = tpu.memref_squeeze %dma_start3A_1552 : memref<1x88x128xf32, #tpu.memory_space<vmem>> -> memref<88x128xf32, #tpu.memory_space<vmem>>
      %dma_start3A_1554 = arith.constant 0 : i32
      %dma_start3A_1555 = tpu.memref_slice %arg4[%add3A_1548, %dma_start3A_1554] : memref<180224x128xf32, #tpu.memory_space<hbm>> -> memref<88x128xf32, #tpu.memory_space<hbm>>
      %dma_start3A_1556 = arith.constant 0 : i32
      %dma_start3A_1557 = tpu.memref_slice %arg4[%add3A_1548, %dma_start3A_1556] : memref<180224x128xf32, #tpu.memory_space<hbm>> -> memref<88x128xf32, #tpu.memory_space<hbm>>
      %dma_start3A_1558 = arith.constant 0 : i32
      %dma_start3A_1559 = arith.constant 0 : i32
      %dma_start3A_1560 = tpu.memref_slice %arg7[%dma_start3A_1549, %dma_start3A_1558, %dma_start3A_1559] : memref<8x88x128xf32, #tpu.memory_space<vmem>> -> memref<1x88x128xf32, #tpu.memory_space<vmem>>
      %dma_start3A_1561 = tpu.memref_squeeze %dma_start3A_1560 : memref<1x88x128xf32, #tpu.memory_space<vmem>> -> memref<88x128xf32, #tpu.memory_space<vmem>>
      tpu.enqueue_dma source(%dma_start3A_1561 : memref<88x128xf32, #tpu.memory_space<vmem>>) target(%dma_start3A_1557 : memref<88x128xf32, #tpu.memory_space<hbm>>) target_semaphore(%arg16 : memref<!tpu.dma_semaphore, #tpu.memory_space<semaphore_mem>>)
      %mul3A_1562 = arith.constant 8 : i32
      %mul3A_1563 = arith.muli %scan3A_1526, %mul3A_1562 : i32
      %add3A_1564 = arith.constant 1 : i32
      %add3A_1565 = arith.addi %mul3A_1563, %add3A_1564 : i32
      %mul3A_1566 = arith.constant 88 : i32
      %mul3A_1567 = arith.muli %add3A_1565, %mul3A_1566 : i32
      %dma_wait3A_1568 = arith.constant 1 : i32
      %dma_wait3A_1569 = arith.constant 0 : i32
      %dma_wait3A_1570 = arith.constant 0 : i32
      %dma_wait3A_1571 = tpu.memref_slice %arg7[%dma_wait3A_1568, %dma_wait3A_1569, %dma_wait3A_1570] : memref<8x88x128xf32, #tpu.memory_space<vmem>> -> memref<1x88x128xf32, #tpu.memory_space<vmem>>
      %dma_wait3A_1572 = tpu.memref_squeeze %dma_wait3A_1571 : memref<1x88x128xf32, #tpu.memory_space<vmem>> -> memref<88x128xf32, #tpu.memory_space<vmem>>
      %dma_wait3A_1573 = tpu.memref_slice %arg6[%mul3A_1567] : memref<5632xi32, #tpu.memory_space<vmem>> -> memref<88xi32, #tpu.memory_space<vmem>>
      %dma_wait3A_1574 = arith.constant 0 : i32
      %dma_wait3A_1575 = arith.constant 0 : i32
      %dma_wait3A_1576 = tpu.memref_slice %arg3[%dma_wait3A_1574, %dma_wait3A_1575] : memref<1584x128xf32, #tpu.memory_space<hbm>> -> memref<1584x128xf32, #tpu.memory_space<hbm>>
      tpu.wait_indirect_dma semaphore(%arg9 : memref<!tpu.dma_semaphore, #tpu.memory_space<semaphore_mem>>) src(%dma_wait3A_1576 : memref<1584x128xf32, #tpu.memory_space<hbm>>) dst(%dma_wait3A_1572 : memref<88x128xf32, #tpu.memory_space<vmem>>)
      %mul3A_1577 = arith.constant 8 : i32
      %mul3A_1578 = arith.muli %scan3A_1526, %mul3A_1577 : i32
      %add3A_1579 = arith.constant 1 : i32
      %add3A_1580 = arith.addi %mul3A_1578, %add3A_1579 : i32
      %mul3A_1581 = arith.constant 88 : i32
      %mul3A_1582 = arith.muli %add3A_1580, %mul3A_1581 : i32
      %add3A_1583 = arith.addi %mul3A_2, %mul3A_1582 : i32
      %dma_start3A_1584 = arith.constant 1 : i32
      %dma_start3A_1585 = arith.constant 0 : i32
      %dma_start3A_1586 = arith.constant 0 : i32
      %dma_start3A_1587 = tpu.memref_slice %arg7[%dma_start3A_1584, %dma_start3A_1585, %dma_start3A_1586] : memref<8x88x128xf32, #tpu.memory_space<vmem>> -> memref<1x88x128xf32, #tpu.memory_space<vmem>>
      %dma_start3A_1588 = tpu.memref_squeeze %dma_start3A_1587 : memref<1x88x128xf32, #tpu.memory_space<vmem>> -> memref<88x128xf32, #tpu.memory_space<vmem>>
      %dma_start3A_1589 = arith.constant 0 : i32
      %dma_start3A_1590 = tpu.memref_slice %arg4[%add3A_1583, %dma_start3A_1589] : memref<180224x128xf32, #tpu.memory_space<hbm>> -> memref<88x128xf32, #tpu.memory_space<hbm>>
      %dma_start3A_1591 = arith.constant 0 : i32
      %dma_start3A_1592 = tpu.memref_slice %arg4[%add3A_1583, %dma_start3A_1591] : memref<180224x128xf32, #tpu.memory_space<hbm>> -> memref<88x128xf32, #tpu.memory_space<hbm>>
      %dma_start3A_1593 = arith.constant 0 : i32
      %dma_start3A_1594 = arith.constant 0 : i32
      %dma_start3A_1595 = tpu.memref_slice %arg7[%dma_start3A_1584, %dma_start3A_1593, %dma_start3A_1594] : memref<8x88x128xf32, #tpu.memory_space<vmem>> -> memref<1x88x128xf32, #tpu.memory_space<vmem>>
      %dma_start3A_1596 = tpu.memref_squeeze %dma_start3A_1595 : memref<1x88x128xf32, #tpu.memory_space<vmem>> -> memref<88x128xf32, #tpu.memory_space<vmem>>
      tpu.enqueue_dma source(%dma_start3A_1596 : memref<88x128xf32, #tpu.memory_space<vmem>>) target(%dma_start3A_1592 : memref<88x128xf32, #tpu.memory_space<hbm>>) target_semaphore(%arg17 : memref<!tpu.dma_semaphore, #tpu.memory_space<semaphore_mem>>)
      %mul3A_1597 = arith.constant 8 : i32
      %mul3A_1598 = arith.muli %scan3A_1526, %mul3A_1597 : i32
      %add3A_1599 = arith.constant 2 : i32
      %add3A_1600 = arith.addi %mul3A_1598, %add3A_1599 : i32
      %mul3A_1601 = arith.constant 88 : i32
      %mul3A_1602 = arith.muli %add3A_1600, %mul3A_1601 : i32
      %dma_wait3A_1603 = arith.constant 2 : i32
      %dma_wait3A_1604 = arith.constant 0 : i32
      %dma_wait3A_1605 = arith.constant 0 : i32
      %dma_wait3A_1606 = tpu.memref_slice %arg7[%dma_wait3A_1603, %dma_wait3A_1604, %dma_wait3A_1605] : memref<8x88x128xf32, #tpu.memory_space<vmem>> -> memref<1x88x128xf32, #tpu.memory_space<vmem>>
      %dma_wait3A_1607 = tpu.memref_squeeze %dma_wait3A_1606 : memref<1x88x128xf32, #tpu.memory_space<vmem>> -> memref<88x128xf32, #tpu.memory_space<vmem>>
      %dma_wait3A_1608 = tpu.memref_slice %arg6[%mul3A_1602] : memref<5632xi32, #tpu.memory_space<vmem>> -> memref<88xi32, #tpu.memory_space<vmem>>
      %dma_wait3A_1609 = arith.constant 0 : i32
      %dma_wait3A_1610 = arith.constant 0 : i32
      %dma_wait3A_1611 = tpu.memref_slice %arg3[%dma_wait3A_1609, %dma_wait3A_1610] : memref<1584x128xf32, #tpu.memory_space<hbm>> -> memref<1584x128xf32, #tpu.memory_space<hbm>>
      tpu.wait_indirect_dma semaphore(%arg10 : memref<!tpu.dma_semaphore, #tpu.memory_space<semaphore_mem>>) src(%dma_wait3A_1611 : memref<1584x128xf32, #tpu.memory_space<hbm>>) dst(%dma_wait3A_1607 : memref<88x128xf32, #tpu.memory_space<vmem>>)
      %mul3A_1612 = arith.constant 8 : i32
      %mul3A_1613 = arith.muli %scan3A_1526, %mul3A_1612 : i32
      %add3A_1614 = arith.constant 2 : i32
      %add3A_1615 = arith.addi %mul3A_1613, %add3A_1614 : i32
      %mul3A_1616 = arith.constant 88 : i32
      %mul3A_1617 = arith.muli %add3A_1615, %mul3A_1616 : i32
      %add3A_1618 = arith.addi %mul3A_2, %mul3A_1617 : i32
      %dma_start3A_1619 = arith.constant 2 : i32
      %dma_start3A_1620 = arith.constant 0 : i32
      %dma_start3A_1621 = arith.constant 0 : i32
      %dma_start3A_1622 = tpu.memref_slice %arg7[%dma_start3A_1619, %dma_start3A_1620, %dma_start3A_1621] : memref<8x88x128xf32, #tpu.memory_space<vmem>> -> memref<1x88x128xf32, #tpu.memory_space<vmem>>
      %dma_start3A_1623 = tpu.memref_squeeze %dma_start3A_1622 : memref<1x88x128xf32, #tpu.memory_space<vmem>> -> memref<88x128xf32, #tpu.memory_space<vmem>>
      %dma_start3A_1624 = arith.constant 0 : i32
      %dma_start3A_1625 = tpu.memref_slice %arg4[%add3A_1618, %dma_start3A_1624] : memref<180224x128xf32, #tpu.memory_space<hbm>> -> memref<88x128xf32, #tpu.memory_space<hbm>>
      %dma_start3A_1626 = arith.constant 0 : i32
      %dma_start3A_1627 = tpu.memref_slice %arg4[%add3A_1618, %dma_start3A_1626] : memref<180224x128xf32, #tpu.memory_space<hbm>> -> memref<88x128xf32, #tpu.memory_space<hbm>>
      %dma_start3A_1628 = arith.constant 0 : i32
      %dma_start3A_1629 = arith.constant 0 : i32
      %dma_start3A_1630 = tpu.memref_slice %arg7[%dma_start3A_1619, %dma_start3A_1628, %dma_start3A_1629] : memref<8x88x128xf32, #tpu.memory_space<vmem>> -> memref<1x88x128xf32, #tpu.memory_space<vmem>>
      %dma_start3A_1631 = tpu.memref_squeeze %dma_start3A_1630 : memref<1x88x128xf32, #tpu.memory_space<vmem>> -> memref<88x128xf32, #tpu.memory_space<vmem>>
      tpu.enqueue_dma source(%dma_start3A_1631 : memref<88x128xf32, #tpu.memory_space<vmem>>) target(%dma_start3A_1627 : memref<88x128xf32, #tpu.memory_space<hbm>>) target_semaphore(%arg18 : memref<!tpu.dma_semaphore, #tpu.memory_space<semaphore_mem>>)
      %mul3A_1632 = arith.constant 8 : i32
      %mul3A_1633 = arith.muli %scan3A_1526, %mul3A_1632 : i32
      %add3A_1634 = arith.constant 3 : i32
      %add3A_1635 = arith.addi %mul3A_1633, %add3A_1634 : i32
      %mul3A_1636 = arith.constant 88 : i32
      %mul3A_1637 = arith.muli %add3A_1635, %mul3A_1636 : i32
      %dma_wait3A_1638 = arith.constant 3 : i32
      %dma_wait3A_1639 = arith.constant 0 : i32
      %dma_wait3A_1640 = arith.constant 0 : i32
      %dma_wait3A_1641 = tpu.memref_slice %arg7[%dma_wait3A_1638, %dma_wait3A_1639, %dma_wait3A_1640] : memref<8x88x128xf32, #tpu.memory_space<vmem>> -> memref<1x88x128xf32, #tpu.memory_space<vmem>>
      %dma_wait3A_1642 = tpu.memref_squeeze %dma_wait3A_1641 : memref<1x88x128xf32, #tpu.memory_space<vmem>> -> memref<88x128xf32, #tpu.memory_space<vmem>>
      %dma_wait3A_1643 = tpu.memref_slice %arg6[%mul3A_1637] : memref<5632xi32, #tpu.memory_space<vmem>> -> memref<88xi32, #tpu.memory_space<vmem>>
      %dma_wait3A_1644 = arith.constant 0 : i32
      %dma_wait3A_1645 = arith.constant 0 : i32
      %dma_wait3A_1646 = tpu.memref_slice %arg3[%dma_wait3A_1644, %dma_wait3A_1645] : memref<1584x128xf32, #tpu.memory_space<hbm>> -> memref<1584x128xf32, #tpu.memory_space<hbm>>
      tpu.wait_indirect_dma semaphore(%arg11 : memref<!tpu.dma_semaphore, #tpu.memory_space<semaphore_mem>>) src(%dma_wait3A_1646 : memref<1584x128xf32, #tpu.memory_space<hbm>>) dst(%dma_wait3A_1642 : memref<88x128xf32, #tpu.memory_space<vmem>>)
      %mul3A_1647 = arith.constant 8 : i32
      %mul3A_1648 = arith.muli %scan3A_1526, %mul3A_1647 : i32
      %add3A_1649 = arith.constant 3 : i32
      %add3A_1650 = arith.addi %mul3A_1648, %add3A_1649 : i32
      %mul3A_1651 = arith.constant 88 : i32
      %mul3A_1652 = arith.muli %add3A_1650, %mul3A_1651 : i32
      %add3A_1653 = arith.addi %mul3A_2, %mul3A_1652 : i32
      %dma_start3A_1654 = arith.constant 3 : i32
      %dma_start3A_1655 = arith.constant 0 : i32
      %dma_start3A_1656 = arith.constant 0 : i32
      %dma_start3A_1657 = tpu.memref_slice %arg7[%dma_start3A_1654, %dma_start3A_1655, %dma_start3A_1656] : memref<8x88x128xf32, #tpu.memory_space<vmem>> -> memref<1x88x128xf32, #tpu.memory_space<vmem>>
      %dma_start3A_1658 = tpu.memref_squeeze %dma_start3A_1657 : memref<1x88x128xf32, #tpu.memory_space<vmem>> -> memref<88x128xf32, #tpu.memory_space<vmem>>
      %dma_start3A_1659 = arith.constant 0 : i32
      %dma_start3A_1660 = tpu.memref_slice %arg4[%add3A_1653, %dma_start3A_1659] : memref<180224x128xf32, #tpu.memory_space<hbm>> -> memref<88x128xf32, #tpu.memory_space<hbm>>
      %dma_start3A_1661 = arith.constant 0 : i32
      %dma_start3A_1662 = tpu.memref_slice %arg4[%add3A_1653, %dma_start3A_1661] : memref<180224x128xf32, #tpu.memory_space<hbm>> -> memref<88x128xf32, #tpu.memory_space<hbm>>
      %dma_start3A_1663 = arith.constant 0 : i32
      %dma_start3A_1664 = arith.constant 0 : i32
      %dma_start3A_1665 = tpu.memref_slice %arg7[%dma_start3A_1654, %dma_start3A_1663, %dma_start3A_1664] : memref<8x88x128xf32, #tpu.memory_space<vmem>> -> memref<1x88x128xf32, #tpu.memory_space<vmem>>
      %dma_start3A_1666 = tpu.memref_squeeze %dma_start3A_1665 : memref<1x88x128xf32, #tpu.memory_space<vmem>> -> memref<88x128xf32, #tpu.memory_space<vmem>>
      tpu.enqueue_dma source(%dma_start3A_1666 : memref<88x128xf32, #tpu.memory_space<vmem>>) target(%dma_start3A_1662 : memref<88x128xf32, #tpu.memory_space<hbm>>) target_semaphore(%arg19 : memref<!tpu.dma_semaphore, #tpu.memory_space<semaphore_mem>>)
      %mul3A_1667 = arith.constant 8 : i32
      %mul3A_1668 = arith.muli %scan3A_1526, %mul3A_1667 : i32
      %add3A_1669 = arith.constant 4 : i32
      %add3A_1670 = arith.addi %mul3A_1668, %add3A_1669 : i32
      %mul3A_1671 = arith.constant 88 : i32
      %mul3A_1672 = arith.muli %add3A_1670, %mul3A_1671 : i32
      %dma_wait3A_1673 = arith.constant 4 : i32
      %dma_wait3A_1674 = arith.constant 0 : i32
      %dma_wait3A_1675 = arith.constant 0 : i32
      %dma_wait3A_1676 = tpu.memref_slice %arg7[%dma_wait3A_1673, %dma_wait3A_1674, %dma_wait3A_1675] : memref<8x88x128xf32, #tpu.memory_space<vmem>> -> memref<1x88x128xf32, #tpu.memory_space<vmem>>
      %dma_wait3A_1677 = tpu.memref_squeeze %dma_wait3A_1676 : memref<1x88x128xf32, #tpu.memory_space<vmem>> -> memref<88x128xf32, #tpu.memory_space<vmem>>
      %dma_wait3A_1678 = tpu.memref_slice %arg6[%mul3A_1672] : memref<5632xi32, #tpu.memory_space<vmem>> -> memref<88xi32, #tpu.memory_space<vmem>>
      %dma_wait3A_1679 = arith.constant 0 : i32
      %dma_wait3A_1680 = arith.constant 0 : i32
      %dma_wait3A_1681 = tpu.memref_slice %arg3[%dma_wait3A_1679, %dma_wait3A_1680] : memref<1584x128xf32, #tpu.memory_space<hbm>> -> memref<1584x128xf32, #tpu.memory_space<hbm>>
      tpu.wait_indirect_dma semaphore(%arg12 : memref<!tpu.dma_semaphore, #tpu.memory_space<semaphore_mem>>) src(%dma_wait3A_1681 : memref<1584x128xf32, #tpu.memory_space<hbm>>) dst(%dma_wait3A_1677 : memref<88x128xf32, #tpu.memory_space<vmem>>)
      %mul3A_1682 = arith.constant 8 : i32
      %mul3A_1683 = arith.muli %scan3A_1526, %mul3A_1682 : i32
      %add3A_1684 = arith.constant 4 : i32
      %add3A_1685 = arith.addi %mul3A_1683, %add3A_1684 : i32
      %mul3A_1686 = arith.constant 88 : i32
      %mul3A_1687 = arith.muli %add3A_1685, %mul3A_1686 : i32
      %add3A_1688 = arith.addi %mul3A_2, %mul3A_1687 : i32
      %dma_start3A_1689 = arith.constant 4 : i32
      %dma_start3A_1690 = arith.constant 0 : i32
      %dma_start3A_1691 = arith.constant 0 : i32
      %dma_start3A_1692 = tpu.memref_slice %arg7[%dma_start3A_1689, %dma_start3A_1690, %dma_start3A_1691] : memref<8x88x128xf32, #tpu.memory_space<vmem>> -> memref<1x88x128xf32, #tpu.memory_space<vmem>>
      %dma_start3A_1693 = tpu.memref_squeeze %dma_start3A_1692 : memref<1x88x128xf32, #tpu.memory_space<vmem>> -> memref<88x128xf32, #tpu.memory_space<vmem>>
      %dma_start3A_1694 = arith.constant 0 : i32
      %dma_start3A_1695 = tpu.memref_slice %arg4[%add3A_1688, %dma_start3A_1694] : memref<180224x128xf32, #tpu.memory_space<hbm>> -> memref<88x128xf32, #tpu.memory_space<hbm>>
      %dma_start3A_1696 = arith.constant 0 : i32
      %dma_start3A_1697 = tpu.memref_slice %arg4[%add3A_1688, %dma_start3A_1696] : memref<180224x128xf32, #tpu.memory_space<hbm>> -> memref<88x128xf32, #tpu.memory_space<hbm>>
      %dma_start3A_1698 = arith.constant 0 : i32
      %dma_start3A_1699 = arith.constant 0 : i32
      %dma_start3A_1700 = tpu.memref_slice %arg7[%dma_start3A_1689, %dma_start3A_1698, %dma_start3A_1699] : memref<8x88x128xf32, #tpu.memory_space<vmem>> -> memref<1x88x128xf32, #tpu.memory_space<vmem>>
      %dma_start3A_1701 = tpu.memref_squeeze %dma_start3A_1700 : memref<1x88x128xf32, #tpu.memory_space<vmem>> -> memref<88x128xf32, #tpu.memory_space<vmem>>
      tpu.enqueue_dma source(%dma_start3A_1701 : memref<88x128xf32, #tpu.memory_space<vmem>>) target(%dma_start3A_1697 : memref<88x128xf32, #tpu.memory_space<hbm>>) target_semaphore(%arg20 : memref<!tpu.dma_semaphore, #tpu.memory_space<semaphore_mem>>)
      %mul3A_1702 = arith.constant 8 : i32
      %mul3A_1703 = arith.muli %scan3A_1526, %mul3A_1702 : i32
      %add3A_1704 = arith.constant 5 : i32
      %add3A_1705 = arith.addi %mul3A_1703, %add3A_1704 : i32
      %mul3A_1706 = arith.constant 88 : i32
      %mul3A_1707 = arith.muli %add3A_1705, %mul3A_1706 : i32
      %dma_wait3A_1708 = arith.constant 5 : i32
      %dma_wait3A_1709 = arith.constant 0 : i32
      %dma_wait3A_1710 = arith.constant 0 : i32
      %dma_wait3A_1711 = tpu.memref_slice %arg7[%dma_wait3A_1708, %dma_wait3A_1709, %dma_wait3A_1710] : memref<8x88x128xf32, #tpu.memory_space<vmem>> -> memref<1x88x128xf32, #tpu.memory_space<vmem>>
      %dma_wait3A_1712 = tpu.memref_squeeze %dma_wait3A_1711 : memref<1x88x128xf32, #tpu.memory_space<vmem>> -> memref<88x128xf32, #tpu.memory_space<vmem>>
      %dma_wait3A_1713 = tpu.memref_slice %arg6[%mul3A_1707] : memref<5632xi32, #tpu.memory_space<vmem>> -> memref<88xi32, #tpu.memory_space<vmem>>
      %dma_wait3A_1714 = arith.constant 0 : i32
      %dma_wait3A_1715 = arith.constant 0 : i32
      %dma_wait3A_1716 = tpu.memref_slice %arg3[%dma_wait3A_1714, %dma_wait3A_1715] : memref<1584x128xf32, #tpu.memory_space<hbm>> -> memref<1584x128xf32, #tpu.memory_space<hbm>>
      tpu.wait_indirect_dma semaphore(%arg13 : memref<!tpu.dma_semaphore, #tpu.memory_space<semaphore_mem>>) src(%dma_wait3A_1716 : memref<1584x128xf32, #tpu.memory_space<hbm>>) dst(%dma_wait3A_1712 : memref<88x128xf32, #tpu.memory_space<vmem>>)
      %mul3A_1717 = arith.constant 8 : i32
      %mul3A_1718 = arith.muli %scan3A_1526, %mul3A_1717 : i32
      %add3A_1719 = arith.constant 5 : i32
      %add3A_1720 = arith.addi %mul3A_1718, %add3A_1719 : i32
      %mul3A_1721 = arith.constant 88 : i32
      %mul3A_1722 = arith.muli %add3A_1720, %mul3A_1721 : i32
      %add3A_1723 = arith.addi %mul3A_2, %mul3A_1722 : i32
      %dma_start3A_1724 = arith.constant 5 : i32
      %dma_start3A_1725 = arith.constant 0 : i32
      %dma_start3A_1726 = arith.constant 0 : i32
      %dma_start3A_1727 = tpu.memref_slice %arg7[%dma_start3A_1724, %dma_start3A_1725, %dma_start3A_1726] : memref<8x88x128xf32, #tpu.memory_space<vmem>> -> memref<1x88x128xf32, #tpu.memory_space<vmem>>
      %dma_start3A_1728 = tpu.memref_squeeze %dma_start3A_1727 : memref<1x88x128xf32, #tpu.memory_space<vmem>> -> memref<88x128xf32, #tpu.memory_space<vmem>>
      %dma_start3A_1729 = arith.constant 0 : i32
      %dma_start3A_1730 = tpu.memref_slice %arg4[%add3A_1723, %dma_start3A_1729] : memref<180224x128xf32, #tpu.memory_space<hbm>> -> memref<88x128xf32, #tpu.memory_space<hbm>>
      %dma_start3A_1731 = arith.constant 0 : i32
      %dma_start3A_1732 = tpu.memref_slice %arg4[%add3A_1723, %dma_start3A_1731] : memref<180224x128xf32, #tpu.memory_space<hbm>> -> memref<88x128xf32, #tpu.memory_space<hbm>>
      %dma_start3A_1733 = arith.constant 0 : i32
      %dma_start3A_1734 = arith.constant 0 : i32
      %dma_start3A_1735 = tpu.memref_slice %arg7[%dma_start3A_1724, %dma_start3A_1733, %dma_start3A_1734] : memref<8x88x128xf32, #tpu.memory_space<vmem>> -> memref<1x88x128xf32, #tpu.memory_space<vmem>>
      %dma_start3A_1736 = tpu.memref_squeeze %dma_start3A_1735 : memref<1x88x128xf32, #tpu.memory_space<vmem>> -> memref<88x128xf32, #tpu.memory_space<vmem>>
      tpu.enqueue_dma source(%dma_start3A_1736 : memref<88x128xf32, #tpu.memory_space<vmem>>) target(%dma_start3A_1732 : memref<88x128xf32, #tpu.memory_space<hbm>>) target_semaphore(%arg21 : memref<!tpu.dma_semaphore, #tpu.memory_space<semaphore_mem>>)
      %mul3A_1737 = arith.constant 8 : i32
      %mul3A_1738 = arith.muli %scan3A_1526, %mul3A_1737 : i32
      %add3A_1739 = arith.constant 6 : i32
      %add3A_1740 = arith.addi %mul3A_1738, %add3A_1739 : i32
      %mul3A_1741 = arith.constant 88 : i32
      %mul3A_1742 = arith.muli %add3A_1740, %mul3A_1741 : i32
      %dma_wait3A_1743 = arith.constant 6 : i32
      %dma_wait3A_1744 = arith.constant 0 : i32
      %dma_wait3A_1745 = arith.constant 0 : i32
      %dma_wait3A_1746 = tpu.memref_slice %arg7[%dma_wait3A_1743, %dma_wait3A_1744, %dma_wait3A_1745] : memref<8x88x128xf32, #tpu.memory_space<vmem>> -> memref<1x88x128xf32, #tpu.memory_space<vmem>>
      %dma_wait3A_1747 = tpu.memref_squeeze %dma_wait3A_1746 : memref<1x88x128xf32, #tpu.memory_space<vmem>> -> memref<88x128xf32, #tpu.memory_space<vmem>>
      %dma_wait3A_1748 = tpu.memref_slice %arg6[%mul3A_1742] : memref<5632xi32, #tpu.memory_space<vmem>> -> memref<88xi32, #tpu.memory_space<vmem>>
      %dma_wait3A_1749 = arith.constant 0 : i32
      %dma_wait3A_1750 = arith.constant 0 : i32
      %dma_wait3A_1751 = tpu.memref_slice %arg3[%dma_wait3A_1749, %dma_wait3A_1750] : memref<1584x128xf32, #tpu.memory_space<hbm>> -> memref<1584x128xf32, #tpu.memory_space<hbm>>
      tpu.wait_indirect_dma semaphore(%arg14 : memref<!tpu.dma_semaphore, #tpu.memory_space<semaphore_mem>>) src(%dma_wait3A_1751 : memref<1584x128xf32, #tpu.memory_space<hbm>>) dst(%dma_wait3A_1747 : memref<88x128xf32, #tpu.memory_space<vmem>>)
      %mul3A_1752 = arith.constant 8 : i32
      %mul3A_1753 = arith.muli %scan3A_1526, %mul3A_1752 : i32
      %add3A_1754 = arith.constant 6 : i32
      %add3A_1755 = arith.addi %mul3A_1753, %add3A_1754 : i32
      %mul3A_1756 = arith.constant 88 : i32
      %mul3A_1757 = arith.muli %add3A_1755, %mul3A_1756 : i32
      %add3A_1758 = arith.addi %mul3A_2, %mul3A_1757 : i32
      %dma_start3A_1759 = arith.constant 6 : i32
      %dma_start3A_1760 = arith.constant 0 : i32
      %dma_start3A_1761 = arith.constant 0 : i32
      %dma_start3A_1762 = tpu.memref_slice %arg7[%dma_start3A_1759, %dma_start3A_1760, %dma_start3A_1761] : memref<8x88x128xf32, #tpu.memory_space<vmem>> -> memref<1x88x128xf32, #tpu.memory_space<vmem>>
      %dma_start3A_1763 = tpu.memref_squeeze %dma_start3A_1762 : memref<1x88x128xf32, #tpu.memory_space<vmem>> -> memref<88x128xf32, #tpu.memory_space<vmem>>
      %dma_start3A_1764 = arith.constant 0 : i32
      %dma_start3A_1765 = tpu.memref_slice %arg4[%add3A_1758, %dma_start3A_1764] : memref<180224x128xf32, #tpu.memory_space<hbm>> -> memref<88x128xf32, #tpu.memory_space<hbm>>
      %dma_start3A_1766 = arith.constant 0 : i32
      %dma_start3A_1767 = tpu.memref_slice %arg4[%add3A_1758, %dma_start3A_1766] : memref<180224x128xf32, #tpu.memory_space<hbm>> -> memref<88x128xf32, #tpu.memory_space<hbm>>
      %dma_start3A_1768 = arith.constant 0 : i32
      %dma_start3A_1769 = arith.constant 0 : i32
      %dma_start3A_1770 = tpu.memref_slice %arg7[%dma_start3A_1759, %dma_start3A_1768, %dma_start3A_1769] : memref<8x88x128xf32, #tpu.memory_space<vmem>> -> memref<1x88x128xf32, #tpu.memory_space<vmem>>
      %dma_start3A_1771 = tpu.memref_squeeze %dma_start3A_1770 : memref<1x88x128xf32, #tpu.memory_space<vmem>> -> memref<88x128xf32, #tpu.memory_space<vmem>>
      tpu.enqueue_dma source(%dma_start3A_1771 : memref<88x128xf32, #tpu.memory_space<vmem>>) target(%dma_start3A_1767 : memref<88x128xf32, #tpu.memory_space<hbm>>) target_semaphore(%arg22 : memref<!tpu.dma_semaphore, #tpu.memory_space<semaphore_mem>>)
      %mul3A_1772 = arith.constant 8 : i32
      %mul3A_1773 = arith.muli %scan3A_1526, %mul3A_1772 : i32
      %add3A_1774 = arith.constant 7 : i32
      %add3A_1775 = arith.addi %mul3A_1773, %add3A_1774 : i32
      %mul3A_1776 = arith.constant 88 : i32
      %mul3A_1777 = arith.muli %add3A_1775, %mul3A_1776 : i32
      %dma_wait3A_1778 = arith.constant 7 : i32
      %dma_wait3A_1779 = arith.constant 0 : i32
      %dma_wait3A_1780 = arith.constant 0 : i32
      %dma_wait3A_1781 = tpu.memref_slice %arg7[%dma_wait3A_1778, %dma_wait3A_1779, %dma_wait3A_1780] : memref<8x88x128xf32, #tpu.memory_space<vmem>> -> memref<1x88x128xf32, #tpu.memory_space<vmem>>
      %dma_wait3A_1782 = tpu.memref_squeeze %dma_wait3A_1781 : memref<1x88x128xf32, #tpu.memory_space<vmem>> -> memref<88x128xf32, #tpu.memory_space<vmem>>
      %dma_wait3A_1783 = tpu.memref_slice %arg6[%mul3A_1777] : memref<5632xi32, #tpu.memory_space<vmem>> -> memref<88xi32, #tpu.memory_space<vmem>>
      %dma_wait3A_1784 = arith.constant 0 : i32
      %dma_wait3A_1785 = arith.constant 0 : i32
      %dma_wait3A_1786 = tpu.memref_slice %arg3[%dma_wait3A_1784, %dma_wait3A_1785] : memref<1584x128xf32, #tpu.memory_space<hbm>> -> memref<1584x128xf32, #tpu.memory_space<hbm>>
      tpu.wait_indirect_dma semaphore(%arg15 : memref<!tpu.dma_semaphore, #tpu.memory_space<semaphore_mem>>) src(%dma_wait3A_1786 : memref<1584x128xf32, #tpu.memory_space<hbm>>) dst(%dma_wait3A_1782 : memref<88x128xf32, #tpu.memory_space<vmem>>)
      %mul3A_1787 = arith.constant 8 : i32
      %mul3A_1788 = arith.muli %scan3A_1526, %mul3A_1787 : i32
      %add3A_1789 = arith.constant 7 : i32
      %add3A_1790 = arith.addi %mul3A_1788, %add3A_1789 : i32
      %mul3A_1791 = arith.constant 88 : i32
      %mul3A_1792 = arith.muli %add3A_1790, %mul3A_1791 : i32
      %add3A_1793 = arith.addi %mul3A_2, %mul3A_1792 : i32
      %dma_start3A_1794 = arith.constant 7 : i32
      %dma_start3A_1795 = arith.constant 0 : i32
      %dma_start3A_1796 = arith.constant 0 : i32
      %dma_start3A_1797 = tpu.memref_slice %arg7[%dma_start3A_1794, %dma_start3A_1795, %dma_start3A_1796] : memref<8x88x128xf32, #tpu.memory_space<vmem>> -> memref<1x88x128xf32, #tpu.memory_space<vmem>>
      %dma_start3A_1798 = tpu.memref_squeeze %dma_start3A_1797 : memref<1x88x128xf32, #tpu.memory_space<vmem>> -> memref<88x128xf32, #tpu.memory_space<vmem>>
      %dma_start3A_1799 = arith.constant 0 : i32
      %dma_start3A_1800 = tpu.memref_slice %arg4[%add3A_1793, %dma_start3A_1799] : memref<180224x128xf32, #tpu.memory_space<hbm>> -> memref<88x128xf32, #tpu.memory_space<hbm>>
      %dma_start3A_1801 = arith.constant 0 : i32
      %dma_start3A_1802 = tpu.memref_slice %arg4[%add3A_1793, %dma_start3A_1801] : memref<180224x128xf32, #tpu.memory_space<hbm>> -> memref<88x128xf32, #tpu.memory_space<hbm>>
      %dma_start3A_1803 = arith.constant 0 : i32
      %dma_start3A_1804 = arith.constant 0 : i32
      %dma_start3A_1805 = tpu.memref_slice %arg7[%dma_start3A_1794, %dma_start3A_1803, %dma_start3A_1804] : memref<8x88x128xf32, #tpu.memory_space<vmem>> -> memref<1x88x128xf32, #tpu.memory_space<vmem>>
      %dma_start3A_1806 = tpu.memref_squeeze %dma_start3A_1805 : memref<1x88x128xf32, #tpu.memory_space<vmem>> -> memref<88x128xf32, #tpu.memory_space<vmem>>
      tpu.enqueue_dma source(%dma_start3A_1806 : memref<88x128xf32, #tpu.memory_space<vmem>>) target(%dma_start3A_1802 : memref<88x128xf32, #tpu.memory_space<hbm>>) target_semaphore(%arg23 : memref<!tpu.dma_semaphore, #tpu.memory_space<semaphore_mem>>)
      %lt3A_1807 = arith.constant 7 : i32
      %lt3A_1808 = arith.cmpi slt, %scan3A_1526, %lt3A_1807 : i32
      %convert_element_type3A = arith.extui %lt3A_1808 : i1 to i32
      %cond3A = arith.constant 0 : i32
      %cond3A_1809 = arith.cmpi ne, %convert_element_type3A, %cond3A : i32
      scf.if %cond3A_1809 {
        %mul3A_1810 = arith.constant 8 : i32
        %mul3A_1811 = arith.muli %scan3A_1526, %mul3A_1810 : i32
        %add3A_1812 = arith.constant 0 : i32
        %add3A_1813 = arith.addi %mul3A_1811, %add3A_1812 : i32
        %mul3A_1814 = arith.constant 88 : i32
        %mul3A_1815 = arith.muli %add3A_1813, %mul3A_1814 : i32
        %add3A_1816 = arith.addi %mul3A_2, %mul3A_1815 : i32
        %dma_wait3A_1817 = arith.constant 0 : i32
        %dma_wait3A_1818 = arith.constant 0 : i32
        %dma_wait3A_1819 = arith.constant 0 : i32
        %dma_wait3A_1820 = tpu.memref_slice %arg7[%dma_wait3A_1817, %dma_wait3A_1818, %dma_wait3A_1819] : memref<8x88x128xf32, #tpu.memory_space<vmem>> -> memref<1x88x128xf32, #tpu.memory_space<vmem>>
        %dma_wait3A_1821 = tpu.memref_squeeze %dma_wait3A_1820 : memref<1x88x128xf32, #tpu.memory_space<vmem>> -> memref<88x128xf32, #tpu.memory_space<vmem>>
        %dma_wait3A_1822 = arith.constant 0 : i32
        %dma_wait3A_1823 = tpu.memref_slice %arg4[%add3A_1816, %dma_wait3A_1822] : memref<180224x128xf32, #tpu.memory_space<hbm>> -> memref<88x128xf32, #tpu.memory_space<hbm>>
        %dma_wait3A_1824 = arith.constant 0 : i32
        %dma_wait3A_1825 = tpu.memref_slice %arg4[%add3A_1816, %dma_wait3A_1824] : memref<180224x128xf32, #tpu.memory_space<hbm>> -> memref<88x128xf32, #tpu.memory_space<hbm>>
        %dma_wait3A_1826 = arith.constant 0 : i32
        %dma_wait3A_1827 = arith.constant 0 : i32
        %dma_wait3A_1828 = tpu.memref_slice %arg7[%dma_wait3A_1817, %dma_wait3A_1826, %dma_wait3A_1827] : memref<8x88x128xf32, #tpu.memory_space<vmem>> -> memref<1x88x128xf32, #tpu.memory_space<vmem>>
        %dma_wait3A_1829 = tpu.memref_squeeze %dma_wait3A_1828 : memref<1x88x128xf32, #tpu.memory_space<vmem>> -> memref<88x128xf32, #tpu.memory_space<vmem>>
        tpu.wait_dma2 semaphore(%arg16 : memref<!tpu.dma_semaphore, #tpu.memory_space<semaphore_mem>>) src(%dma_wait3A_1829 : memref<88x128xf32, #tpu.memory_space<vmem>>) dst(%dma_wait3A_1825 : memref<88x128xf32, #tpu.memory_space<hbm>>)
        %add3A_1830 = arith.constant 1 : i32
        %add3A_1831 = arith.addi %scan3A_1526, %add3A_1830 : i32
        %mul3A_1832 = arith.constant 8 : i32
        %mul3A_1833 = arith.muli %add3A_1831, %mul3A_1832 : i32
        %add3A_1834 = arith.constant 0 : i32
        %add3A_1835 = arith.addi %mul3A_1833, %add3A_1834 : i32
        %mul3A_1836 = arith.constant 88 : i32
        %mul3A_1837 = arith.muli %add3A_1835, %mul3A_1836 : i32
        %dma_start3A_1838 = arith.constant 0 : i32
        %dma_start3A_1839 = arith.constant 0 : i32
        %dma_start3A_1840 = arith.constant 0 : i32
        %dma_start3A_1841 = tpu.memref_slice %arg7[%dma_start3A_1838, %dma_start3A_1839, %dma_start3A_1840] : memref<8x88x128xf32, #tpu.memory_space<vmem>> -> memref<1x88x128xf32, #tpu.memory_space<vmem>>
        %dma_start3A_1842 = tpu.memref_squeeze %dma_start3A_1841 : memref<1x88x128xf32, #tpu.memory_space<vmem>> -> memref<88x128xf32, #tpu.memory_space<vmem>>
        %dma_start3A_1843 = tpu.memref_slice %arg6[%mul3A_1837] : memref<5632xi32, #tpu.memory_space<vmem>> -> memref<88xi32, #tpu.memory_space<vmem>>
        %dma_start3A_1844 = arith.constant 0 : i32
        %dma_start3A_1845 = arith.constant 0 : i32
        %dma_start3A_1846 = tpu.memref_slice %arg3[%dma_start3A_1844, %dma_start3A_1845] : memref<1584x128xf32, #tpu.memory_space<hbm>> -> memref<1584x128xf32, #tpu.memory_space<hbm>>
        tpu.enqueue_indirect_dma source(%dma_start3A_1846 : memref<1584x128xf32, #tpu.memory_space<hbm>>) target(%dma_start3A_1842 : memref<88x128xf32, #tpu.memory_space<vmem>>) offsets(%dma_start3A_1843 : memref<88xi32, #tpu.memory_space<vmem>>) semaphore(%arg8 : memref<!tpu.dma_semaphore, #tpu.memory_space<semaphore_mem>>)
        %mul3A_1847 = arith.constant 8 : i32
        %mul3A_1848 = arith.muli %scan3A_1526, %mul3A_1847 : i32
        %add3A_1849 = arith.constant 1 : i32
        %add3A_1850 = arith.addi %mul3A_1848, %add3A_1849 : i32
        %mul3A_1851 = arith.constant 88 : i32
        %mul3A_1852 = arith.muli %add3A_1850, %mul3A_1851 : i32
        %add3A_1853 = arith.addi %mul3A_2, %mul3A_1852 : i32
        %dma_wait3A_1854 = arith.constant 1 : i32
        %dma_wait3A_1855 = arith.constant 0 : i32
        %dma_wait3A_1856 = arith.constant 0 : i32
        %dma_wait3A_1857 = tpu.memref_slice %arg7[%dma_wait3A_1854, %dma_wait3A_1855, %dma_wait3A_1856] : memref<8x88x128xf32, #tpu.memory_space<vmem>> -> memref<1x88x128xf32, #tpu.memory_space<vmem>>
        %dma_wait3A_1858 = tpu.memref_squeeze %dma_wait3A_1857 : memref<1x88x128xf32, #tpu.memory_space<vmem>> -> memref<88x128xf32, #tpu.memory_space<vmem>>
        %dma_wait3A_1859 = arith.constant 0 : i32
        %dma_wait3A_1860 = tpu.memref_slice %arg4[%add3A_1853, %dma_wait3A_1859] : memref<180224x128xf32, #tpu.memory_space<hbm>> -> memref<88x128xf32, #tpu.memory_space<hbm>>
        %dma_wait3A_1861 = arith.constant 0 : i32
        %dma_wait3A_1862 = tpu.memref_slice %arg4[%add3A_1853, %dma_wait3A_1861] : memref<180224x128xf32, #tpu.memory_space<hbm>> -> memref<88x128xf32, #tpu.memory_space<hbm>>
        %dma_wait3A_1863 = arith.constant 0 : i32
        %dma_wait3A_1864 = arith.constant 0 : i32
        %dma_wait3A_1865 = tpu.memref_slice %arg7[%dma_wait3A_1854, %dma_wait3A_1863, %dma_wait3A_1864] : memref<8x88x128xf32, #tpu.memory_space<vmem>> -> memref<1x88x128xf32, #tpu.memory_space<vmem>>
        %dma_wait3A_1866 = tpu.memref_squeeze %dma_wait3A_1865 : memref<1x88x128xf32, #tpu.memory_space<vmem>> -> memref<88x128xf32, #tpu.memory_space<vmem>>
        tpu.wait_dma2 semaphore(%arg17 : memref<!tpu.dma_semaphore, #tpu.memory_space<semaphore_mem>>) src(%dma_wait3A_1866 : memref<88x128xf32, #tpu.memory_space<vmem>>) dst(%dma_wait3A_1862 : memref<88x128xf32, #tpu.memory_space<hbm>>)
        %add3A_1867 = arith.constant 1 : i32
        %add3A_1868 = arith.addi %scan3A_1526, %add3A_1867 : i32
        %mul3A_1869 = arith.constant 8 : i32
        %mul3A_1870 = arith.muli %add3A_1868, %mul3A_1869 : i32
        %add3A_1871 = arith.constant 1 : i32
        %add3A_1872 = arith.addi %mul3A_1870, %add3A_1871 : i32
        %mul3A_1873 = arith.constant 88 : i32
        %mul3A_1874 = arith.muli %add3A_1872, %mul3A_1873 : i32
        %dma_start3A_1875 = arith.constant 1 : i32
        %dma_start3A_1876 = arith.constant 0 : i32
        %dma_start3A_1877 = arith.constant 0 : i32
        %dma_start3A_1878 = tpu.memref_slice %arg7[%dma_start3A_1875, %dma_start3A_1876, %dma_start3A_1877] : memref<8x88x128xf32, #tpu.memory_space<vmem>> -> memref<1x88x128xf32, #tpu.memory_space<vmem>>
        %dma_start3A_1879 = tpu.memref_squeeze %dma_start3A_1878 : memref<1x88x128xf32, #tpu.memory_space<vmem>> -> memref<88x128xf32, #tpu.memory_space<vmem>>
        %dma_start3A_1880 = tpu.memref_slice %arg6[%mul3A_1874] : memref<5632xi32, #tpu.memory_space<vmem>> -> memref<88xi32, #tpu.memory_space<vmem>>
        %dma_start3A_1881 = arith.constant 0 : i32
        %dma_start3A_1882 = arith.constant 0 : i32
        %dma_start3A_1883 = tpu.memref_slice %arg3[%dma_start3A_1881, %dma_start3A_1882] : memref<1584x128xf32, #tpu.memory_space<hbm>> -> memref<1584x128xf32, #tpu.memory_space<hbm>>
        tpu.enqueue_indirect_dma source(%dma_start3A_1883 : memref<1584x128xf32, #tpu.memory_space<hbm>>) target(%dma_start3A_1879 : memref<88x128xf32, #tpu.memory_space<vmem>>) offsets(%dma_start3A_1880 : memref<88xi32, #tpu.memory_space<vmem>>) semaphore(%arg9 : memref<!tpu.dma_semaphore, #tpu.memory_space<semaphore_mem>>)
        %mul3A_1884 = arith.constant 8 : i32
        %mul3A_1885 = arith.muli %scan3A_1526, %mul3A_1884 : i32
        %add3A_1886 = arith.constant 2 : i32
        %add3A_1887 = arith.addi %mul3A_1885, %add3A_1886 : i32
        %mul3A_1888 = arith.constant 88 : i32
        %mul3A_1889 = arith.muli %add3A_1887, %mul3A_1888 : i32
        %add3A_1890 = arith.addi %mul3A_2, %mul3A_1889 : i32
        %dma_wait3A_1891 = arith.constant 2 : i32
        %dma_wait3A_1892 = arith.constant 0 : i32
        %dma_wait3A_1893 = arith.constant 0 : i32
        %dma_wait3A_1894 = tpu.memref_slice %arg7[%dma_wait3A_1891, %dma_wait3A_1892, %dma_wait3A_1893] : memref<8x88x128xf32, #tpu.memory_space<vmem>> -> memref<1x88x128xf32, #tpu.memory_space<vmem>>
        %dma_wait3A_1895 = tpu.memref_squeeze %dma_wait3A_1894 : memref<1x88x128xf32, #tpu.memory_space<vmem>> -> memref<88x128xf32, #tpu.memory_space<vmem>>
        %dma_wait3A_1896 = arith.constant 0 : i32
        %dma_wait3A_1897 = tpu.memref_slice %arg4[%add3A_1890, %dma_wait3A_1896] : memref<180224x128xf32, #tpu.memory_space<hbm>> -> memref<88x128xf32, #tpu.memory_space<hbm>>
        %dma_wait3A_1898 = arith.constant 0 : i32
        %dma_wait3A_1899 = tpu.memref_slice %arg4[%add3A_1890, %dma_wait3A_1898] : memref<180224x128xf32, #tpu.memory_space<hbm>> -> memref<88x128xf32, #tpu.memory_space<hbm>>
        %dma_wait3A_1900 = arith.constant 0 : i32
        %dma_wait3A_1901 = arith.constant 0 : i32
        %dma_wait3A_1902 = tpu.memref_slice %arg7[%dma_wait3A_1891, %dma_wait3A_1900, %dma_wait3A_1901] : memref<8x88x128xf32, #tpu.memory_space<vmem>> -> memref<1x88x128xf32, #tpu.memory_space<vmem>>
        %dma_wait3A_1903 = tpu.memref_squeeze %dma_wait3A_1902 : memref<1x88x128xf32, #tpu.memory_space<vmem>> -> memref<88x128xf32, #tpu.memory_space<vmem>>
        tpu.wait_dma2 semaphore(%arg18 : memref<!tpu.dma_semaphore, #tpu.memory_space<semaphore_mem>>) src(%dma_wait3A_1903 : memref<88x128xf32, #tpu.memory_space<vmem>>) dst(%dma_wait3A_1899 : memref<88x128xf32, #tpu.memory_space<hbm>>)
        %add3A_1904 = arith.constant 1 : i32
        %add3A_1905 = arith.addi %scan3A_1526, %add3A_1904 : i32
        %mul3A_1906 = arith.constant 8 : i32
        %mul3A_1907 = arith.muli %add3A_1905, %mul3A_1906 : i32
        %add3A_1908 = arith.constant 2 : i32
        %add3A_1909 = arith.addi %mul3A_1907, %add3A_1908 : i32
        %mul3A_1910 = arith.constant 88 : i32
        %mul3A_1911 = arith.muli %add3A_1909, %mul3A_1910 : i32
        %dma_start3A_1912 = arith.constant 2 : i32
        %dma_start3A_1913 = arith.constant 0 : i32
        %dma_start3A_1914 = arith.constant 0 : i32
        %dma_start3A_1915 = tpu.memref_slice %arg7[%dma_start3A_1912, %dma_start3A_1913, %dma_start3A_1914] : memref<8x88x128xf32, #tpu.memory_space<vmem>> -> memref<1x88x128xf32, #tpu.memory_space<vmem>>
        %dma_start3A_1916 = tpu.memref_squeeze %dma_start3A_1915 : memref<1x88x128xf32, #tpu.memory_space<vmem>> -> memref<88x128xf32, #tpu.memory_space<vmem>>
        %dma_start3A_1917 = tpu.memref_slice %arg6[%mul3A_1911] : memref<5632xi32, #tpu.memory_space<vmem>> -> memref<88xi32, #tpu.memory_space<vmem>>
        %dma_start3A_1918 = arith.constant 0 : i32
        %dma_start3A_1919 = arith.constant 0 : i32
        %dma_start3A_1920 = tpu.memref_slice %arg3[%dma_start3A_1918, %dma_start3A_1919] : memref<1584x128xf32, #tpu.memory_space<hbm>> -> memref<1584x128xf32, #tpu.memory_space<hbm>>
        tpu.enqueue_indirect_dma source(%dma_start3A_1920 : memref<1584x128xf32, #tpu.memory_space<hbm>>) target(%dma_start3A_1916 : memref<88x128xf32, #tpu.memory_space<vmem>>) offsets(%dma_start3A_1917 : memref<88xi32, #tpu.memory_space<vmem>>) semaphore(%arg10 : memref<!tpu.dma_semaphore, #tpu.memory_space<semaphore_mem>>)
        %mul3A_1921 = arith.constant 8 : i32
        %mul3A_1922 = arith.muli %scan3A_1526, %mul3A_1921 : i32
        %add3A_1923 = arith.constant 3 : i32
        %add3A_1924 = arith.addi %mul3A_1922, %add3A_1923 : i32
        %mul3A_1925 = arith.constant 88 : i32
        %mul3A_1926 = arith.muli %add3A_1924, %mul3A_1925 : i32
        %add3A_1927 = arith.addi %mul3A_2, %mul3A_1926 : i32
        %dma_wait3A_1928 = arith.constant 3 : i32
        %dma_wait3A_1929 = arith.constant 0 : i32
        %dma_wait3A_1930 = arith.constant 0 : i32
        %dma_wait3A_1931 = tpu.memref_slice %arg7[%dma_wait3A_1928, %dma_wait3A_1929, %dma_wait3A_1930] : memref<8x88x128xf32, #tpu.memory_space<vmem>> -> memref<1x88x128xf32, #tpu.memory_space<vmem>>
        %dma_wait3A_1932 = tpu.memref_squeeze %dma_wait3A_1931 : memref<1x88x128xf32, #tpu.memory_space<vmem>> -> memref<88x128xf32, #tpu.memory_space<vmem>>
        %dma_wait3A_1933 = arith.constant 0 : i32
        %dma_wait3A_1934 = tpu.memref_slice %arg4[%add3A_1927, %dma_wait3A_1933] : memref<180224x128xf32, #tpu.memory_space<hbm>> -> memref<88x128xf32, #tpu.memory_space<hbm>>
        %dma_wait3A_1935 = arith.constant 0 : i32
        %dma_wait3A_1936 = tpu.memref_slice %arg4[%add3A_1927, %dma_wait3A_1935] : memref<180224x128xf32, #tpu.memory_space<hbm>> -> memref<88x128xf32, #tpu.memory_space<hbm>>
        %dma_wait3A_1937 = arith.constant 0 : i32
        %dma_wait3A_1938 = arith.constant 0 : i32
        %dma_wait3A_1939 = tpu.memref_slice %arg7[%dma_wait3A_1928, %dma_wait3A_1937, %dma_wait3A_1938] : memref<8x88x128xf32, #tpu.memory_space<vmem>> -> memref<1x88x128xf32, #tpu.memory_space<vmem>>
        %dma_wait3A_1940 = tpu.memref_squeeze %dma_wait3A_1939 : memref<1x88x128xf32, #tpu.memory_space<vmem>> -> memref<88x128xf32, #tpu.memory_space<vmem>>
        tpu.wait_dma2 semaphore(%arg19 : memref<!tpu.dma_semaphore, #tpu.memory_space<semaphore_mem>>) src(%dma_wait3A_1940 : memref<88x128xf32, #tpu.memory_space<vmem>>) dst(%dma_wait3A_1936 : memref<88x128xf32, #tpu.memory_space<hbm>>)
        %add3A_1941 = arith.constant 1 : i32
        %add3A_1942 = arith.addi %scan3A_1526, %add3A_1941 : i32
        %mul3A_1943 = arith.constant 8 : i32
        %mul3A_1944 = arith.muli %add3A_1942, %mul3A_1943 : i32
        %add3A_1945 = arith.constant 3 : i32
        %add3A_1946 = arith.addi %mul3A_1944, %add3A_1945 : i32
        %mul3A_1947 = arith.constant 88 : i32
        %mul3A_1948 = arith.muli %add3A_1946, %mul3A_1947 : i32
        %dma_start3A_1949 = arith.constant 3 : i32
        %dma_start3A_1950 = arith.constant 0 : i32
        %dma_start3A_1951 = arith.constant 0 : i32
        %dma_start3A_1952 = tpu.memref_slice %arg7[%dma_start3A_1949, %dma_start3A_1950, %dma_start3A_1951] : memref<8x88x128xf32, #tpu.memory_space<vmem>> -> memref<1x88x128xf32, #tpu.memory_space<vmem>>
        %dma_start3A_1953 = tpu.memref_squeeze %dma_start3A_1952 : memref<1x88x128xf32, #tpu.memory_space<vmem>> -> memref<88x128xf32, #tpu.memory_space<vmem>>
        %dma_start3A_1954 = tpu.memref_slice %arg6[%mul3A_1948] : memref<5632xi32, #tpu.memory_space<vmem>> -> memref<88xi32, #tpu.memory_space<vmem>>
        %dma_start3A_1955 = arith.constant 0 : i32
        %dma_start3A_1956 = arith.constant 0 : i32
        %dma_start3A_1957 = tpu.memref_slice %arg3[%dma_start3A_1955, %dma_start3A_1956] : memref<1584x128xf32, #tpu.memory_space<hbm>> -> memref<1584x128xf32, #tpu.memory_space<hbm>>
        tpu.enqueue_indirect_dma source(%dma_start3A_1957 : memref<1584x128xf32, #tpu.memory_space<hbm>>) target(%dma_start3A_1953 : memref<88x128xf32, #tpu.memory_space<vmem>>) offsets(%dma_start3A_1954 : memref<88xi32, #tpu.memory_space<vmem>>) semaphore(%arg11 : memref<!tpu.dma_semaphore, #tpu.memory_space<semaphore_mem>>)
        %mul3A_1958 = arith.constant 8 : i32
        %mul3A_1959 = arith.muli %scan3A_1526, %mul3A_1958 : i32
        %add3A_1960 = arith.constant 4 : i32
        %add3A_1961 = arith.addi %mul3A_1959, %add3A_1960 : i32
        %mul3A_1962 = arith.constant 88 : i32
        %mul3A_1963 = arith.muli %add3A_1961, %mul3A_1962 : i32
        %add3A_1964 = arith.addi %mul3A_2, %mul3A_1963 : i32
        %dma_wait3A_1965 = arith.constant 4 : i32
        %dma_wait3A_1966 = arith.constant 0 : i32
        %dma_wait3A_1967 = arith.constant 0 : i32
        %dma_wait3A_1968 = tpu.memref_slice %arg7[%dma_wait3A_1965, %dma_wait3A_1966, %dma_wait3A_1967] : memref<8x88x128xf32, #tpu.memory_space<vmem>> -> memref<1x88x128xf32, #tpu.memory_space<vmem>>
        %dma_wait3A_1969 = tpu.memref_squeeze %dma_wait3A_1968 : memref<1x88x128xf32, #tpu.memory_space<vmem>> -> memref<88x128xf32, #tpu.memory_space<vmem>>
        %dma_wait3A_1970 = arith.constant 0 : i32
        %dma_wait3A_1971 = tpu.memref_slice %arg4[%add3A_1964, %dma_wait3A_1970] : memref<180224x128xf32, #tpu.memory_space<hbm>> -> memref<88x128xf32, #tpu.memory_space<hbm>>
        %dma_wait3A_1972 = arith.constant 0 : i32
        %dma_wait3A_1973 = tpu.memref_slice %arg4[%add3A_1964, %dma_wait3A_1972] : memref<180224x128xf32, #tpu.memory_space<hbm>> -> memref<88x128xf32, #tpu.memory_space<hbm>>
        %dma_wait3A_1974 = arith.constant 0 : i32
        %dma_wait3A_1975 = arith.constant 0 : i32
        %dma_wait3A_1976 = tpu.memref_slice %arg7[%dma_wait3A_1965, %dma_wait3A_1974, %dma_wait3A_1975] : memref<8x88x128xf32, #tpu.memory_space<vmem>> -> memref<1x88x128xf32, #tpu.memory_space<vmem>>
        %dma_wait3A_1977 = tpu.memref_squeeze %dma_wait3A_1976 : memref<1x88x128xf32, #tpu.memory_space<vmem>> -> memref<88x128xf32, #tpu.memory_space<vmem>>
        tpu.wait_dma2 semaphore(%arg20 : memref<!tpu.dma_semaphore, #tpu.memory_space<semaphore_mem>>) src(%dma_wait3A_1977 : memref<88x128xf32, #tpu.memory_space<vmem>>) dst(%dma_wait3A_1973 : memref<88x128xf32, #tpu.memory_space<hbm>>)
        %add3A_1978 = arith.constant 1 : i32
        %add3A_1979 = arith.addi %scan3A_1526, %add3A_1978 : i32
        %mul3A_1980 = arith.constant 8 : i32
        %mul3A_1981 = arith.muli %add3A_1979, %mul3A_1980 : i32
        %add3A_1982 = arith.constant 4 : i32
        %add3A_1983 = arith.addi %mul3A_1981, %add3A_1982 : i32
        %mul3A_1984 = arith.constant 88 : i32
        %mul3A_1985 = arith.muli %add3A_1983, %mul3A_1984 : i32
        %dma_start3A_1986 = arith.constant 4 : i32
        %dma_start3A_1987 = arith.constant 0 : i32
        %dma_start3A_1988 = arith.constant 0 : i32
        %dma_start3A_1989 = tpu.memref_slice %arg7[%dma_start3A_1986, %dma_start3A_1987, %dma_start3A_1988] : memref<8x88x128xf32, #tpu.memory_space<vmem>> -> memref<1x88x128xf32, #tpu.memory_space<vmem>>
        %dma_start3A_1990 = tpu.memref_squeeze %dma_start3A_1989 : memref<1x88x128xf32, #tpu.memory_space<vmem>> -> memref<88x128xf32, #tpu.memory_space<vmem>>
        %dma_start3A_1991 = tpu.memref_slice %arg6[%mul3A_1985] : memref<5632xi32, #tpu.memory_space<vmem>> -> memref<88xi32, #tpu.memory_space<vmem>>
        %dma_start3A_1992 = arith.constant 0 : i32
        %dma_start3A_1993 = arith.constant 0 : i32
        %dma_start3A_1994 = tpu.memref_slice %arg3[%dma_start3A_1992, %dma_start3A_1993] : memref<1584x128xf32, #tpu.memory_space<hbm>> -> memref<1584x128xf32, #tpu.memory_space<hbm>>
        tpu.enqueue_indirect_dma source(%dma_start3A_1994 : memref<1584x128xf32, #tpu.memory_space<hbm>>) target(%dma_start3A_1990 : memref<88x128xf32, #tpu.memory_space<vmem>>) offsets(%dma_start3A_1991 : memref<88xi32, #tpu.memory_space<vmem>>) semaphore(%arg12 : memref<!tpu.dma_semaphore, #tpu.memory_space<semaphore_mem>>)
        %mul3A_1995 = arith.constant 8 : i32
        %mul3A_1996 = arith.muli %scan3A_1526, %mul3A_1995 : i32
        %add3A_1997 = arith.constant 5 : i32
        %add3A_1998 = arith.addi %mul3A_1996, %add3A_1997 : i32
        %mul3A_1999 = arith.constant 88 : i32
        %mul3A_2000 = arith.muli %add3A_1998, %mul3A_1999 : i32
        %add3A_2001 = arith.addi %mul3A_2, %mul3A_2000 : i32
        %dma_wait3A_2002 = arith.constant 5 : i32
        %dma_wait3A_2003 = arith.constant 0 : i32
        %dma_wait3A_2004 = arith.constant 0 : i32
        %dma_wait3A_2005 = tpu.memref_slice %arg7[%dma_wait3A_2002, %dma_wait3A_2003, %dma_wait3A_2004] : memref<8x88x128xf32, #tpu.memory_space<vmem>> -> memref<1x88x128xf32, #tpu.memory_space<vmem>>
        %dma_wait3A_2006 = tpu.memref_squeeze %dma_wait3A_2005 : memref<1x88x128xf32, #tpu.memory_space<vmem>> -> memref<88x128xf32, #tpu.memory_space<vmem>>
        %dma_wait3A_2007 = arith.constant 0 : i32
        %dma_wait3A_2008 = tpu.memref_slice %arg4[%add3A_2001, %dma_wait3A_2007] : memref<180224x128xf32, #tpu.memory_space<hbm>> -> memref<88x128xf32, #tpu.memory_space<hbm>>
        %dma_wait3A_2009 = arith.constant 0 : i32
        %dma_wait3A_2010 = tpu.memref_slice %arg4[%add3A_2001, %dma_wait3A_2009] : memref<180224x128xf32, #tpu.memory_space<hbm>> -> memref<88x128xf32, #tpu.memory_space<hbm>>
        %dma_wait3A_2011 = arith.constant 0 : i32
        %dma_wait3A_2012 = arith.constant 0 : i32
        %dma_wait3A_2013 = tpu.memref_slice %arg7[%dma_wait3A_2002, %dma_wait3A_2011, %dma_wait3A_2012] : memref<8x88x128xf32, #tpu.memory_space<vmem>> -> memref<1x88x128xf32, #tpu.memory_space<vmem>>
        %dma_wait3A_2014 = tpu.memref_squeeze %dma_wait3A_2013 : memref<1x88x128xf32, #tpu.memory_space<vmem>> -> memref<88x128xf32, #tpu.memory_space<vmem>>
        tpu.wait_dma2 semaphore(%arg21 : memref<!tpu.dma_semaphore, #tpu.memory_space<semaphore_mem>>) src(%dma_wait3A_2014 : memref<88x128xf32, #tpu.memory_space<vmem>>) dst(%dma_wait3A_2010 : memref<88x128xf32, #tpu.memory_space<hbm>>)
        %add3A_2015 = arith.constant 1 : i32
        %add3A_2016 = arith.addi %scan3A_1526, %add3A_2015 : i32
        %mul3A_2017 = arith.constant 8 : i32
        %mul3A_2018 = arith.muli %add3A_2016, %mul3A_2017 : i32
        %add3A_2019 = arith.constant 5 : i32
        %add3A_2020 = arith.addi %mul3A_2018, %add3A_2019 : i32
        %mul3A_2021 = arith.constant 88 : i32
        %mul3A_2022 = arith.muli %add3A_2020, %mul3A_2021 : i32
        %dma_start3A_2023 = arith.constant 5 : i32
        %dma_start3A_2024 = arith.constant 0 : i32
        %dma_start3A_2025 = arith.constant 0 : i32
        %dma_start3A_2026 = tpu.memref_slice %arg7[%dma_start3A_2023, %dma_start3A_2024, %dma_start3A_2025] : memref<8x88x128xf32, #tpu.memory_space<vmem>> -> memref<1x88x128xf32, #tpu.memory_space<vmem>>
        %dma_start3A_2027 = tpu.memref_squeeze %dma_start3A_2026 : memref<1x88x128xf32, #tpu.memory_space<vmem>> -> memref<88x128xf32, #tpu.memory_space<vmem>>
        %dma_start3A_2028 = tpu.memref_slice %arg6[%mul3A_2022] : memref<5632xi32, #tpu.memory_space<vmem>> -> memref<88xi32, #tpu.memory_space<vmem>>
        %dma_start3A_2029 = arith.constant 0 : i32
        %dma_start3A_2030 = arith.constant 0 : i32
        %dma_start3A_2031 = tpu.memref_slice %arg3[%dma_start3A_2029, %dma_start3A_2030] : memref<1584x128xf32, #tpu.memory_space<hbm>> -> memref<1584x128xf32, #tpu.memory_space<hbm>>
        tpu.enqueue_indirect_dma source(%dma_start3A_2031 : memref<1584x128xf32, #tpu.memory_space<hbm>>) target(%dma_start3A_2027 : memref<88x128xf32, #tpu.memory_space<vmem>>) offsets(%dma_start3A_2028 : memref<88xi32, #tpu.memory_space<vmem>>) semaphore(%arg13 : memref<!tpu.dma_semaphore, #tpu.memory_space<semaphore_mem>>)
        %mul3A_2032 = arith.constant 8 : i32
        %mul3A_2033 = arith.muli %scan3A_1526, %mul3A_2032 : i32
        %add3A_2034 = arith.constant 6 : i32
        %add3A_2035 = arith.addi %mul3A_2033, %add3A_2034 : i32
        %mul3A_2036 = arith.constant 88 : i32
        %mul3A_2037 = arith.muli %add3A_2035, %mul3A_2036 : i32
        %add3A_2038 = arith.addi %mul3A_2, %mul3A_2037 : i32
        %dma_wait3A_2039 = arith.constant 6 : i32
        %dma_wait3A_2040 = arith.constant 0 : i32
        %dma_wait3A_2041 = arith.constant 0 : i32
        %dma_wait3A_2042 = tpu.memref_slice %arg7[%dma_wait3A_2039, %dma_wait3A_2040, %dma_wait3A_2041] : memref<8x88x128xf32, #tpu.memory_space<vmem>> -> memref<1x88x128xf32, #tpu.memory_space<vmem>>
        %dma_wait3A_2043 = tpu.memref_squeeze %dma_wait3A_2042 : memref<1x88x128xf32, #tpu.memory_space<vmem>> -> memref<88x128xf32, #tpu.memory_space<vmem>>
        %dma_wait3A_2044 = arith.constant 0 : i32
        %dma_wait3A_2045 = tpu.memref_slice %arg4[%add3A_2038, %dma_wait3A_2044] : memref<180224x128xf32, #tpu.memory_space<hbm>> -> memref<88x128xf32, #tpu.memory_space<hbm>>
        %dma_wait3A_2046 = arith.constant 0 : i32
        %dma_wait3A_2047 = tpu.memref_slice %arg4[%add3A_2038, %dma_wait3A_2046] : memref<180224x128xf32, #tpu.memory_space<hbm>> -> memref<88x128xf32, #tpu.memory_space<hbm>>
        %dma_wait3A_2048 = arith.constant 0 : i32
        %dma_wait3A_2049 = arith.constant 0 : i32
        %dma_wait3A_2050 = tpu.memref_slice %arg7[%dma_wait3A_2039, %dma_wait3A_2048, %dma_wait3A_2049] : memref<8x88x128xf32, #tpu.memory_space<vmem>> -> memref<1x88x128xf32, #tpu.memory_space<vmem>>
        %dma_wait3A_2051 = tpu.memref_squeeze %dma_wait3A_2050 : memref<1x88x128xf32, #tpu.memory_space<vmem>> -> memref<88x128xf32, #tpu.memory_space<vmem>>
        tpu.wait_dma2 semaphore(%arg22 : memref<!tpu.dma_semaphore, #tpu.memory_space<semaphore_mem>>) src(%dma_wait3A_2051 : memref<88x128xf32, #tpu.memory_space<vmem>>) dst(%dma_wait3A_2047 : memref<88x128xf32, #tpu.memory_space<hbm>>)
        %add3A_2052 = arith.constant 1 : i32
        %add3A_2053 = arith.addi %scan3A_1526, %add3A_2052 : i32
        %mul3A_2054 = arith.constant 8 : i32
        %mul3A_2055 = arith.muli %add3A_2053, %mul3A_2054 : i32
        %add3A_2056 = arith.constant 6 : i32
        %add3A_2057 = arith.addi %mul3A_2055, %add3A_2056 : i32
        %mul3A_2058 = arith.constant 88 : i32
        %mul3A_2059 = arith.muli %add3A_2057, %mul3A_2058 : i32
        %dma_start3A_2060 = arith.constant 6 : i32
        %dma_start3A_2061 = arith.constant 0 : i32
        %dma_start3A_2062 = arith.constant 0 : i32
        %dma_start3A_2063 = tpu.memref_slice %arg7[%dma_start3A_2060, %dma_start3A_2061, %dma_start3A_2062] : memref<8x88x128xf32, #tpu.memory_space<vmem>> -> memref<1x88x128xf32, #tpu.memory_space<vmem>>
        %dma_start3A_2064 = tpu.memref_squeeze %dma_start3A_2063 : memref<1x88x128xf32, #tpu.memory_space<vmem>> -> memref<88x128xf32, #tpu.memory_space<vmem>>
        %dma_start3A_2065 = tpu.memref_slice %arg6[%mul3A_2059] : memref<5632xi32, #tpu.memory_space<vmem>> -> memref<88xi32, #tpu.memory_space<vmem>>
        %dma_start3A_2066 = arith.constant 0 : i32
        %dma_start3A_2067 = arith.constant 0 : i32
        %dma_start3A_2068 = tpu.memref_slice %arg3[%dma_start3A_2066, %dma_start3A_2067] : memref<1584x128xf32, #tpu.memory_space<hbm>> -> memref<1584x128xf32, #tpu.memory_space<hbm>>
        tpu.enqueue_indirect_dma source(%dma_start3A_2068 : memref<1584x128xf32, #tpu.memory_space<hbm>>) target(%dma_start3A_2064 : memref<88x128xf32, #tpu.memory_space<vmem>>) offsets(%dma_start3A_2065 : memref<88xi32, #tpu.memory_space<vmem>>) semaphore(%arg14 : memref<!tpu.dma_semaphore, #tpu.memory_space<semaphore_mem>>)
        %mul3A_2069 = arith.constant 8 : i32
        %mul3A_2070 = arith.muli %scan3A_1526, %mul3A_2069 : i32
        %add3A_2071 = arith.constant 7 : i32
        %add3A_2072 = arith.addi %mul3A_2070, %add3A_2071 : i32
        %mul3A_2073 = arith.constant 88 : i32
        %mul3A_2074 = arith.muli %add3A_2072, %mul3A_2073 : i32
        %add3A_2075 = arith.addi %mul3A_2, %mul3A_2074 : i32
        %dma_wait3A_2076 = arith.constant 7 : i32
        %dma_wait3A_2077 = arith.constant 0 : i32
        %dma_wait3A_2078 = arith.constant 0 : i32
        %dma_wait3A_2079 = tpu.memref_slice %arg7[%dma_wait3A_2076, %dma_wait3A_2077, %dma_wait3A_2078] : memref<8x88x128xf32, #tpu.memory_space<vmem>> -> memref<1x88x128xf32, #tpu.memory_space<vmem>>
        %dma_wait3A_2080 = tpu.memref_squeeze %dma_wait3A_2079 : memref<1x88x128xf32, #tpu.memory_space<vmem>> -> memref<88x128xf32, #tpu.memory_space<vmem>>
        %dma_wait3A_2081 = arith.constant 0 : i32
        %dma_wait3A_2082 = tpu.memref_slice %arg4[%add3A_2075, %dma_wait3A_2081] : memref<180224x128xf32, #tpu.memory_space<hbm>> -> memref<88x128xf32, #tpu.memory_space<hbm>>
        %dma_wait3A_2083 = arith.constant 0 : i32
        %dma_wait3A_2084 = tpu.memref_slice %arg4[%add3A_2075, %dma_wait3A_2083] : memref<180224x128xf32, #tpu.memory_space<hbm>> -> memref<88x128xf32, #tpu.memory_space<hbm>>
        %dma_wait3A_2085 = arith.constant 0 : i32
        %dma_wait3A_2086 = arith.constant 0 : i32
        %dma_wait3A_2087 = tpu.memref_slice %arg7[%dma_wait3A_2076, %dma_wait3A_2085, %dma_wait3A_2086] : memref<8x88x128xf32, #tpu.memory_space<vmem>> -> memref<1x88x128xf32, #tpu.memory_space<vmem>>
        %dma_wait3A_2088 = tpu.memref_squeeze %dma_wait3A_2087 : memref<1x88x128xf32, #tpu.memory_space<vmem>> -> memref<88x128xf32, #tpu.memory_space<vmem>>
        tpu.wait_dma2 semaphore(%arg23 : memref<!tpu.dma_semaphore, #tpu.memory_space<semaphore_mem>>) src(%dma_wait3A_2088 : memref<88x128xf32, #tpu.memory_space<vmem>>) dst(%dma_wait3A_2084 : memref<88x128xf32, #tpu.memory_space<hbm>>)
        %add3A_2089 = arith.constant 1 : i32
        %add3A_2090 = arith.addi %scan3A_1526, %add3A_2089 : i32
        %mul3A_2091 = arith.constant 8 : i32
        %mul3A_2092 = arith.muli %add3A_2090, %mul3A_2091 : i32
        %add3A_2093 = arith.constant 7 : i32
        %add3A_2094 = arith.addi %mul3A_2092, %add3A_2093 : i32
        %mul3A_2095 = arith.constant 88 : i32
        %mul3A_2096 = arith.muli %add3A_2094, %mul3A_2095 : i32
        %dma_start3A_2097 = arith.constant 7 : i32
        %dma_start3A_2098 = arith.constant 0 : i32
        %dma_start3A_2099 = arith.constant 0 : i32
        %dma_start3A_2100 = tpu.memref_slice %arg7[%dma_start3A_2097, %dma_start3A_2098, %dma_start3A_2099] : memref<8x88x128xf32, #tpu.memory_space<vmem>> -> memref<1x88x128xf32, #tpu.memory_space<vmem>>
        %dma_start3A_2101 = tpu.memref_squeeze %dma_start3A_2100 : memref<1x88x128xf32, #tpu.memory_space<vmem>> -> memref<88x128xf32, #tpu.memory_space<vmem>>
        %dma_start3A_2102 = tpu.memref_slice %arg6[%mul3A_2096] : memref<5632xi32, #tpu.memory_space<vmem>> -> memref<88xi32, #tpu.memory_space<vmem>>
        %dma_start3A_2103 = arith.constant 0 : i32
        %dma_start3A_2104 = arith.constant 0 : i32
        %dma_start3A_2105 = tpu.memref_slice %arg3[%dma_start3A_2103, %dma_start3A_2104] : memref<1584x128xf32, #tpu.memory_space<hbm>> -> memref<1584x128xf32, #tpu.memory_space<hbm>>
        tpu.enqueue_indirect_dma source(%dma_start3A_2105 : memref<1584x128xf32, #tpu.memory_space<hbm>>) target(%dma_start3A_2101 : memref<88x128xf32, #tpu.memory_space<vmem>>) offsets(%dma_start3A_2102 : memref<88xi32, #tpu.memory_space<vmem>>) semaphore(%arg15 : memref<!tpu.dma_semaphore, #tpu.memory_space<semaphore_mem>>)
      } else {
      }
    }
    %scan3A_1406 = arith.constant 8 : i32
    %add3A_1407 = arith.constant 4928 : i32
    %add3A_1408 = arith.addi %mul3A_2, %add3A_1407 : i32
    %dma_wait3A = arith.constant 0 : i32
    %dma_wait3A_1409 = arith.constant 0 : i32
    %dma_wait3A_1410 = arith.constant 0 : i32
    %dma_wait3A_1411 = tpu.memref_slice %arg7[%dma_wait3A, %dma_wait3A_1409, %dma_wait3A_1410] : memref<8x88x128xf32, #tpu.memory_space<vmem>> -> memref<1x88x128xf32, #tpu.memory_space<vmem>>
    %dma_wait3A_1412 = tpu.memref_squeeze %dma_wait3A_1411 : memref<1x88x128xf32, #tpu.memory_space<vmem>> -> memref<88x128xf32, #tpu.memory_space<vmem>>
    %dma_wait3A_1413 = arith.constant 0 : i32
    %dma_wait3A_1414 = tpu.memref_slice %arg4[%add3A_1408, %dma_wait3A_1413] : memref<180224x128xf32, #tpu.memory_space<hbm>> -> memref<88x128xf32, #tpu.memory_space<hbm>>
    %dma_wait3A_1415 = arith.constant 0 : i32
    %dma_wait3A_1416 = tpu.memref_slice %arg4[%add3A_1408, %dma_wait3A_1415] : memref<180224x128xf32, #tpu.memory_space<hbm>> -> memref<88x128xf32, #tpu.memory_space<hbm>>
    %dma_wait3A_1417 = arith.constant 0 : i32
    %dma_wait3A_1418 = arith.constant 0 : i32
    %dma_wait3A_1419 = tpu.memref_slice %arg7[%dma_wait3A, %dma_wait3A_1417, %dma_wait3A_1418] : memref<8x88x128xf32, #tpu.memory_space<vmem>> -> memref<1x88x128xf32, #tpu.memory_space<vmem>>
    %dma_wait3A_1420 = tpu.memref_squeeze %dma_wait3A_1419 : memref<1x88x128xf32, #tpu.memory_space<vmem>> -> memref<88x128xf32, #tpu.memory_space<vmem>>
    tpu.wait_dma2 semaphore(%arg16 : memref<!tpu.dma_semaphore, #tpu.memory_space<semaphore_mem>>) src(%dma_wait3A_1420 : memref<88x128xf32, #tpu.memory_space<vmem>>) dst(%dma_wait3A_1416 : memref<88x128xf32, #tpu.memory_space<hbm>>)
    %add3A_1421 = arith.constant 5016 : i32
    %add3A_1422 = arith.addi %mul3A_2, %add3A_1421 : i32
    %dma_wait3A_1423 = arith.constant 1 : i32
    %dma_wait3A_1424 = arith.constant 0 : i32
    %dma_wait3A_1425 = arith.constant 0 : i32
    %dma_wait3A_1426 = tpu.memref_slice %arg7[%dma_wait3A_1423, %dma_wait3A_1424, %dma_wait3A_1425] : memref<8x88x128xf32, #tpu.memory_space<vmem>> -> memref<1x88x128xf32, #tpu.memory_space<vmem>>
    %dma_wait3A_1427 = tpu.memref_squeeze %dma_wait3A_1426 : memref<1x88x128xf32, #tpu.memory_space<vmem>> -> memref<88x128xf32, #tpu.memory_space<vmem>>
    %dma_wait3A_1428 = arith.constant 0 : i32
    %dma_wait3A_1429 = tpu.memref_slice %arg4[%add3A_1422, %dma_wait3A_1428] : memref<180224x128xf32, #tpu.memory_space<hbm>> -> memref<88x128xf32, #tpu.memory_space<hbm>>
    %dma_wait3A_1430 = arith.constant 0 : i32
    %dma_wait3A_1431 = tpu.memref_slice %arg4[%add3A_1422, %dma_wait3A_1430] : memref<180224x128xf32, #tpu.memory_space<hbm>> -> memref<88x128xf32, #tpu.memory_space<hbm>>
    %dma_wait3A_1432 = arith.constant 0 : i32
    %dma_wait3A_1433 = arith.constant 0 : i32
    %dma_wait3A_1434 = tpu.memref_slice %arg7[%dma_wait3A_1423, %dma_wait3A_1432, %dma_wait3A_1433] : memref<8x88x128xf32, #tpu.memory_space<vmem>> -> memref<1x88x128xf32, #tpu.memory_space<vmem>>
    %dma_wait3A_1435 = tpu.memref_squeeze %dma_wait3A_1434 : memref<1x88x128xf32, #tpu.memory_space<vmem>> -> memref<88x128xf32, #tpu.memory_space<vmem>>
    tpu.wait_dma2 semaphore(%arg17 : memref<!tpu.dma_semaphore, #tpu.memory_space<semaphore_mem>>) src(%dma_wait3A_1435 : memref<88x128xf32, #tpu.memory_space<vmem>>) dst(%dma_wait3A_1431 : memref<88x128xf32, #tpu.memory_space<hbm>>)
    %add3A_1436 = arith.constant 5104 : i32
    %add3A_1437 = arith.addi %mul3A_2, %add3A_1436 : i32
    %dma_wait3A_1438 = arith.constant 2 : i32
    %dma_wait3A_1439 = arith.constant 0 : i32
    %dma_wait3A_1440 = arith.constant 0 : i32
    %dma_wait3A_1441 = tpu.memref_slice %arg7[%dma_wait3A_1438, %dma_wait3A_1439, %dma_wait3A_1440] : memref<8x88x128xf32, #tpu.memory_space<vmem>> -> memref<1x88x128xf32, #tpu.memory_space<vmem>>
    %dma_wait3A_1442 = tpu.memref_squeeze %dma_wait3A_1441 : memref<1x88x128xf32, #tpu.memory_space<vmem>> -> memref<88x128xf32, #tpu.memory_space<vmem>>
    %dma_wait3A_1443 = arith.constant 0 : i32
    %dma_wait3A_1444 = tpu.memref_slice %arg4[%add3A_1437, %dma_wait3A_1443] : memref<180224x128xf32, #tpu.memory_space<hbm>> -> memref<88x128xf32, #tpu.memory_space<hbm>>
    %dma_wait3A_1445 = arith.constant 0 : i32
    %dma_wait3A_1446 = tpu.memref_slice %arg4[%add3A_1437, %dma_wait3A_1445] : memref<180224x128xf32, #tpu.memory_space<hbm>> -> memref<88x128xf32, #tpu.memory_space<hbm>>
    %dma_wait3A_1447 = arith.constant 0 : i32
    %dma_wait3A_1448 = arith.constant 0 : i32
    %dma_wait3A_1449 = tpu.memref_slice %arg7[%dma_wait3A_1438, %dma_wait3A_1447, %dma_wait3A_1448] : memref<8x88x128xf32, #tpu.memory_space<vmem>> -> memref<1x88x128xf32, #tpu.memory_space<vmem>>
    %dma_wait3A_1450 = tpu.memref_squeeze %dma_wait3A_1449 : memref<1x88x128xf32, #tpu.memory_space<vmem>> -> memref<88x128xf32, #tpu.memory_space<vmem>>
    tpu.wait_dma2 semaphore(%arg18 : memref<!tpu.dma_semaphore, #tpu.memory_space<semaphore_mem>>) src(%dma_wait3A_1450 : memref<88x128xf32, #tpu.memory_space<vmem>>) dst(%dma_wait3A_1446 : memref<88x128xf32, #tpu.memory_space<hbm>>)
    %add3A_1451 = arith.constant 5192 : i32
    %add3A_1452 = arith.addi %mul3A_2, %add3A_1451 : i32
    %dma_wait3A_1453 = arith.constant 3 : i32
    %dma_wait3A_1454 = arith.constant 0 : i32
    %dma_wait3A_1455 = arith.constant 0 : i32
    %dma_wait3A_1456 = tpu.memref_slice %arg7[%dma_wait3A_1453, %dma_wait3A_1454, %dma_wait3A_1455] : memref<8x88x128xf32, #tpu.memory_space<vmem>> -> memref<1x88x128xf32, #tpu.memory_space<vmem>>
    %dma_wait3A_1457 = tpu.memref_squeeze %dma_wait3A_1456 : memref<1x88x128xf32, #tpu.memory_space<vmem>> -> memref<88x128xf32, #tpu.memory_space<vmem>>
    %dma_wait3A_1458 = arith.constant 0 : i32
    %dma_wait3A_1459 = tpu.memref_slice %arg4[%add3A_1452, %dma_wait3A_1458] : memref<180224x128xf32, #tpu.memory_space<hbm>> -> memref<88x128xf32, #tpu.memory_space<hbm>>
    %dma_wait3A_1460 = arith.constant 0 : i32
    %dma_wait3A_1461 = tpu.memref_slice %arg4[%add3A_1452, %dma_wait3A_1460] : memref<180224x128xf32, #tpu.memory_space<hbm>> -> memref<88x128xf32, #tpu.memory_space<hbm>>
    %dma_wait3A_1462 = arith.constant 0 : i32
    %dma_wait3A_1463 = arith.constant 0 : i32
    %dma_wait3A_1464 = tpu.memref_slice %arg7[%dma_wait3A_1453, %dma_wait3A_1462, %dma_wait3A_1463] : memref<8x88x128xf32, #tpu.memory_space<vmem>> -> memref<1x88x128xf32, #tpu.memory_space<vmem>>
    %dma_wait3A_1465 = tpu.memref_squeeze %dma_wait3A_1464 : memref<1x88x128xf32, #tpu.memory_space<vmem>> -> memref<88x128xf32, #tpu.memory_space<vmem>>
    tpu.wait_dma2 semaphore(%arg19 : memref<!tpu.dma_semaphore, #tpu.memory_space<semaphore_mem>>) src(%dma_wait3A_1465 : memref<88x128xf32, #tpu.memory_space<vmem>>) dst(%dma_wait3A_1461 : memref<88x128xf32, #tpu.memory_space<hbm>>)
    %add3A_1466 = arith.constant 5280 : i32
    %add3A_1467 = arith.addi %mul3A_2, %add3A_1466 : i32
    %dma_wait3A_1468 = arith.constant 4 : i32
    %dma_wait3A_1469 = arith.constant 0 : i32
    %dma_wait3A_1470 = arith.constant 0 : i32
    %dma_wait3A_1471 = tpu.memref_slice %arg7[%dma_wait3A_1468, %dma_wait3A_1469, %dma_wait3A_1470] : memref<8x88x128xf32, #tpu.memory_space<vmem>> -> memref<1x88x128xf32, #tpu.memory_space<vmem>>
    %dma_wait3A_1472 = tpu.memref_squeeze %dma_wait3A_1471 : memref<1x88x128xf32, #tpu.memory_space<vmem>> -> memref<88x128xf32, #tpu.memory_space<vmem>>
    %dma_wait3A_1473 = arith.constant 0 : i32
    %dma_wait3A_1474 = tpu.memref_slice %arg4[%add3A_1467, %dma_wait3A_1473] : memref<180224x128xf32, #tpu.memory_space<hbm>> -> memref<88x128xf32, #tpu.memory_space<hbm>>
    %dma_wait3A_1475 = arith.constant 0 : i32
    %dma_wait3A_1476 = tpu.memref_slice %arg4[%add3A_1467, %dma_wait3A_1475] : memref<180224x128xf32, #tpu.memory_space<hbm>> -> memref<88x128xf32, #tpu.memory_space<hbm>>
    %dma_wait3A_1477 = arith.constant 0 : i32
    %dma_wait3A_1478 = arith.constant 0 : i32
    %dma_wait3A_1479 = tpu.memref_slice %arg7[%dma_wait3A_1468, %dma_wait3A_1477, %dma_wait3A_1478] : memref<8x88x128xf32, #tpu.memory_space<vmem>> -> memref<1x88x128xf32, #tpu.memory_space<vmem>>
    %dma_wait3A_1480 = tpu.memref_squeeze %dma_wait3A_1479 : memref<1x88x128xf32, #tpu.memory_space<vmem>> -> memref<88x128xf32, #tpu.memory_space<vmem>>
    tpu.wait_dma2 semaphore(%arg20 : memref<!tpu.dma_semaphore, #tpu.memory_space<semaphore_mem>>) src(%dma_wait3A_1480 : memref<88x128xf32, #tpu.memory_space<vmem>>) dst(%dma_wait3A_1476 : memref<88x128xf32, #tpu.memory_space<hbm>>)
    %add3A_1481 = arith.constant 5368 : i32
    %add3A_1482 = arith.addi %mul3A_2, %add3A_1481 : i32
    %dma_wait3A_1483 = arith.constant 5 : i32
    %dma_wait3A_1484 = arith.constant 0 : i32
    %dma_wait3A_1485 = arith.constant 0 : i32
    %dma_wait3A_1486 = tpu.memref_slice %arg7[%dma_wait3A_1483, %dma_wait3A_1484, %dma_wait3A_1485] : memref<8x88x128xf32, #tpu.memory_space<vmem>> -> memref<1x88x128xf32, #tpu.memory_space<vmem>>
    %dma_wait3A_1487 = tpu.memref_squeeze %dma_wait3A_1486 : memref<1x88x128xf32, #tpu.memory_space<vmem>> -> memref<88x128xf32, #tpu.memory_space<vmem>>
    %dma_wait3A_1488 = arith.constant 0 : i32
    %dma_wait3A_1489 = tpu.memref_slice %arg4[%add3A_1482, %dma_wait3A_1488] : memref<180224x128xf32, #tpu.memory_space<hbm>> -> memref<88x128xf32, #tpu.memory_space<hbm>>
    %dma_wait3A_1490 = arith.constant 0 : i32
    %dma_wait3A_1491 = tpu.memref_slice %arg4[%add3A_1482, %dma_wait3A_1490] : memref<180224x128xf32, #tpu.memory_space<hbm>> -> memref<88x128xf32, #tpu.memory_space<hbm>>
    %dma_wait3A_1492 = arith.constant 0 : i32
    %dma_wait3A_1493 = arith.constant 0 : i32
    %dma_wait3A_1494 = tpu.memref_slice %arg7[%dma_wait3A_1483, %dma_wait3A_1492, %dma_wait3A_1493] : memref<8x88x128xf32, #tpu.memory_space<vmem>> -> memref<1x88x128xf32, #tpu.memory_space<vmem>>
    %dma_wait3A_1495 = tpu.memref_squeeze %dma_wait3A_1494 : memref<1x88x128xf32, #tpu.memory_space<vmem>> -> memref<88x128xf32, #tpu.memory_space<vmem>>
    tpu.wait_dma2 semaphore(%arg21 : memref<!tpu.dma_semaphore, #tpu.memory_space<semaphore_mem>>) src(%dma_wait3A_1495 : memref<88x128xf32, #tpu.memory_space<vmem>>) dst(%dma_wait3A_1491 : memref<88x128xf32, #tpu.memory_space<hbm>>)
    %add3A_1496 = arith.constant 5456 : i32
    %add3A_1497 = arith.addi %mul3A_2, %add3A_1496 : i32
    %dma_wait3A_1498 = arith.constant 6 : i32
    %dma_wait3A_1499 = arith.constant 0 : i32
    %dma_wait3A_1500 = arith.constant 0 : i32
    %dma_wait3A_1501 = tpu.memref_slice %arg7[%dma_wait3A_1498, %dma_wait3A_1499, %dma_wait3A_1500] : memref<8x88x128xf32, #tpu.memory_space<vmem>> -> memref<1x88x128xf32, #tpu.memory_space<vmem>>
    %dma_wait3A_1502 = tpu.memref_squeeze %dma_wait3A_1501 : memref<1x88x128xf32, #tpu.memory_space<vmem>> -> memref<88x128xf32, #tpu.memory_space<vmem>>
    %dma_wait3A_1503 = arith.constant 0 : i32
    %dma_wait3A_1504 = tpu.memref_slice %arg4[%add3A_1497, %dma_wait3A_1503] : memref<180224x128xf32, #tpu.memory_space<hbm>> -> memref<88x128xf32, #tpu.memory_space<hbm>>
    %dma_wait3A_1505 = arith.constant 0 : i32
    %dma_wait3A_1506 = tpu.memref_slice %arg4[%add3A_1497, %dma_wait3A_1505] : memref<180224x128xf32, #tpu.memory_space<hbm>> -> memref<88x128xf32, #tpu.memory_space<hbm>>
    %dma_wait3A_1507 = arith.constant 0 : i32
    %dma_wait3A_1508 = arith.constant 0 : i32
    %dma_wait3A_1509 = tpu.memref_slice %arg7[%dma_wait3A_1498, %dma_wait3A_1507, %dma_wait3A_1508] : memref<8x88x128xf32, #tpu.memory_space<vmem>> -> memref<1x88x128xf32, #tpu.memory_space<vmem>>
    %dma_wait3A_1510 = tpu.memref_squeeze %dma_wait3A_1509 : memref<1x88x128xf32, #tpu.memory_space<vmem>> -> memref<88x128xf32, #tpu.memory_space<vmem>>
    tpu.wait_dma2 semaphore(%arg22 : memref<!tpu.dma_semaphore, #tpu.memory_space<semaphore_mem>>) src(%dma_wait3A_1510 : memref<88x128xf32, #tpu.memory_space<vmem>>) dst(%dma_wait3A_1506 : memref<88x128xf32, #tpu.memory_space<hbm>>)
    %add3A_1511 = arith.constant 5544 : i32
    %add3A_1512 = arith.addi %mul3A_2, %add3A_1511 : i32
    %dma_wait3A_1513 = arith.constant 7 : i32
    %dma_wait3A_1514 = arith.constant 0 : i32
    %dma_wait3A_1515 = arith.constant 0 : i32
    %dma_wait3A_1516 = tpu.memref_slice %arg7[%dma_wait3A_1513, %dma_wait3A_1514, %dma_wait3A_1515] : memref<8x88x128xf32, #tpu.memory_space<vmem>> -> memref<1x88x128xf32, #tpu.memory_space<vmem>>
    %dma_wait3A_1517 = tpu.memref_squeeze %dma_wait3A_1516 : memref<1x88x128xf32, #tpu.memory_space<vmem>> -> memref<88x128xf32, #tpu.memory_space<vmem>>
    %dma_wait3A_1518 = arith.constant 0 : i32
    %dma_wait3A_1519 = tpu.memref_slice %arg4[%add3A_1512, %dma_wait3A_1518] : memref<180224x128xf32, #tpu.memory_space<hbm>> -> memref<88x128xf32, #tpu.memory_space<hbm>>
    %dma_wait3A_1520 = arith.constant 0 : i32
    %dma_wait3A_1521 = tpu.memref_slice %arg4[%add3A_1512, %dma_wait3A_1520] : memref<180224x128xf32, #tpu.memory_space<hbm>> -> memref<88x128xf32, #tpu.memory_space<hbm>>
    %dma_wait3A_1522 = arith.constant 0 : i32
    %dma_wait3A_1523 = arith.constant 0 : i32
    %dma_wait3A_1524 = tpu.memref_slice %arg7[%dma_wait3A_1513, %dma_wait3A_1522, %dma_wait3A_1523] : memref<8x88x128xf32, #tpu.memory_space<vmem>> -> memref<1x88x128xf32, #tpu.memory_space<vmem>>
    %dma_wait3A_1525 = tpu.memref_squeeze %dma_wait3A_1524 : memref<1x88x128xf32, #tpu.memory_space<vmem>> -> memref<88x128xf32, #tpu.memory_space<vmem>>
    tpu.wait_dma2 semaphore(%arg23 : memref<!tpu.dma_semaphore, #tpu.memory_space<semaphore_mem>>) src(%dma_wait3A_1525 : memref<88x128xf32, #tpu.memory_space<vmem>>) dst(%dma_wait3A_1521 : memref<88x128xf32, #tpu.memory_space<hbm>>)
    return
  }
}

</mosaic_0001>

<sc_bundles>
// kernel: _gather.3.cloned.1.call-start
scs
__scs_entry_jumppad:
0x0: {  	(pc) =	sbr.rel $0x88, $3  }
0x1: {  	(tag) =	ssettag $0x0;
	lr =	simm.s32 $0x1  }
0x2: {  	[smem:$0x3F9F] =	sst lr;
	_ =	strace $0xD0000000  }
0x3: {  	_ = 	snop  }
0x4: {  	_ = 	snop  }
0x5: {  	_ = 	snop  }
0x6: {  	_ = 	snop  }
0x7: {  	_ = 	snop  }
__scs_overlays_trampoline_lowered:
0x8: {  	[smem:$0x3FAE] =	sst s0  }
0x9: {  	[smem:$0x3FAF] =	sst s1  }
0xa: {  	[smem:$0x3FB0] =	sst s2  }
0xb: {  	[smem:$0x3FB1] =	sst s3  }
0xc: {  	[smem:$0x3FB2] =	sst s4  }
0xd: {  	[smem:$0x3FB3] =	sst s5  }
0xe: {  	[smem:$0x3FB4] =	sst s6  }
0xf: {  	[smem:$0x3FB5] =	sst s7  }
0x10: {  	[smem:$0x3FB6] =	sst s8  }
0x11: {  	[smem:$0x3FB7] =	sst s9;
	s0 =	simm.s32 @!p0 $0x0  }
0x12: {  	s1 =	sld [smem:$0x3F9D];
	s0 =	simm.s32 @p0 $0x1  }
0x13: {  	[smem:$0x3FB8] =	sst s0;
	s0 =	simm.s32 @!p1 $0x0  }
0x14: {  	s2 =	sld [smem:$0x3F9C];
	s0 =	simm.s32 @p1 $0x1  }
0x15: {  	[smem:$0x3FB9] =	sst s0;
	s0 =	simm.s32 @!p2 $0x0  }
0x16: {  	s3 =	sld [smem:$0x3FDB];
	s0 =	simm.s32 @p2 $0x1  }
0x17: {  	s4 =	simm.s32 $0x1BF5;
	[smem:$0x3FBB] =	sst s0  }
0x18: {  	s0 =	sld [smem:$0x3F9E];
	_ =	swait.ge [sflag:s4], $0x0  }
0x19: {  	s7 =	sld [smem:$0x3F9F]  }
0x1a: {  	s8 =	sadd.s32 $0xFFFFE003, lr  }
0x1b: {  	s9 =	sadd.s32 $0xFFFFFEF7, lr;
	s5 =	simm.s32 $0xFFFFFFFF;
	p2 =	slt.u32 s8, $0xFFFFF086  }
0x1c: {  	p1 =	slt.u32 s9, $0xF7A;
	s5 =	simm.s32 @!p2 $0x0  }
0x1d: {  	s5 =	simm.s32 @p1 $0x1;
	p0 =	seq.s32 s7, s2  }
0x1e: {  	s7 =	smul.u32 @!p0 $0xF7A, s2;
	p2 =	seq.s32 @!p0 s5, $0x0  }
0x1f: {  	s9 =	smul.u32 $0xF7A, s1;
	s8 =	simm.s32 @!p0 $0x1BF5;
	p2 =	por !p2, p0  }
0x20: {  	[sflag:s8] =	ssyncset.s32 @!p0 $0xFFFFF086;
	s6 =	sadd.s32 @!p0 s3, s7;
	s7 =	simm.s32 @!p0 $0x108  }
0x21: {  	s3 =	sadd.s32 s3, s9;
	s6 =	sadd.s32 @!p0 $0x88, s6;
	s7 =	simm.s32 @p2 $0x1082  }
0x22: {  	[simem:s7], [sflag:s8] =	dma.local @!p0 [hbm:s6], $0xF7A  }
0x23: {  	s9 =	sor.u32 $0xD0000000, s2;
	s6 =	simm.s32 $0x108;
	_ =	swait.ge @!p0 [sflag:s8], $0x0  }
0x24: {  	s3 =	sadd.s32 $0x88, s3;
	s6 =	simm.s32 @!p1 $0x1082;
	[sflag:s4] =	ssyncset.s32 $0xFFFFF086  }
0x25: {  	[simem:s6], [sflag:s4] =	dma.local [hbm:s3], $0xF7A  }
0x26: {  	[smem:$0x3F9F] =	sst s1;
	(tag) =	ssettag s2;
	_ =	strace s9  }
0x27: {  	s1 =	sld [smem:$0x3FAF]  }
0x28: {  	s2 =	sld [smem:$0x3FB0]  }
0x29: {  	s4 =	sld [smem:$0x3FB2]  }
0x2a: {  	p0 =	seq.s32 s5, $0x0;
	s5 =	sld [smem:$0x3FB3]  }
0x2b: {  	s6 =	sld [smem:$0x3FB4]  }
0x2c: {  	s7 =	sld [smem:$0x3FB5]  }
0x2d: {  	s3 =	simm.s32 $0x108;
	s8 =	sld [smem:$0x3FB6]  }
0x2e: {  	s3 =	simm.s32 @!p0 $0x1082;
	s9 =	sld [smem:$0x3FB7]  }
0x2f: {  	lr =	sadd.s32 s0, s3;
	s0 =	sld [smem:$0x3FAE]  }
0x30: {  	s3 =	sld [smem:$0x3FB1]  }
0x31: {  	[smem:$0x3FBA] =	sst s10  }
0x32: {  	s10 =	sld [smem:$0x3FB8];
	_ =	sdelay $0x3  }
0x33: {  	p0 =	seq.s32 s10, $0x1;
	s10 =	sld [smem:$0x3FBA];
	_ =	sdelay $0x3  }
0x34: {  	[smem:$0x3FBA] =	sst s10  }
0x35: {  	s10 =	sld [smem:$0x3FB9];
	_ =	sdelay $0x3  }
0x36: {  	p1 =	seq.s32 s10, $0x1;
	s10 =	sld [smem:$0x3FBA];
	_ =	sdelay $0x3  }
0x37: {  	[smem:$0x3FBA] =	sst s10  }
0x38: {  	s10 =	sld [smem:$0x3FBB]  }
0x39: {  	_ = 	snop;
	(pc) =	sbr.ind lr, $3  }
0x3a: {  	_ = 	snop  }
0x3b: {  	_ = 	snop  }
0x3c: {  	p2 =	seq.s32 s10, $0x1;
	s10 =	sld [smem:$0x3FBA]  }
0x3d: {  	_ =	shalt  }
0x3e: {  	_ =	shalt  }
0x3f: {  	_ =	shalt  }
0x40: {  	_ =	shalt  }
0x41: {  	_ =	shalt  }
0x42: {  	_ =	shalt  }
0x43: {  	_ =	shalt  }
0x44: {  	_ =	shalt  }
0x45: {  	_ =	shalt  }
0x46: {  	_ =	shalt  }
0x47: {  	_ =	shalt  }
0x48: {  	_ =	shalt  }
0x49: {  	_ =	shalt  }
0x4a: {  	_ =	shalt  }
0x4b: {  	_ =	shalt  }
0x4c: {  	_ =	shalt  }
0x4d: {  	_ =	shalt  }
0x4e: {  	_ =	shalt  }
0x4f: {  	_ =	shalt  }
0x50: {  	_ =	shalt  }
0x51: {  	_ =	shalt  }
0x52: {  	_ =	shalt  }
0x53: {  	_ =	shalt  }
0x54: {  	_ =	shalt  }
0x55: {  	_ =	shalt  }
0x56: {  	_ =	shalt  }
0x57: {  	_ =	shalt  }
0x58: {  	_ =	shalt  }
0x59: {  	_ =	shalt  }
0x5a: {  	_ =	shalt  }
0x5b: {  	_ =	shalt  }
0x5c: {  	_ =	shalt  }
0x5d: {  	_ =	shalt  }
0x5e: {  	_ =	shalt  }
0x5f: {  	_ =	shalt  }
0x60: {  	_ =	shalt  }
0x61: {  	_ =	shalt  }
0x62: {  	_ =	shalt  }
0x63: {  	_ =	shalt  }
0x64: {  	_ =	shalt  }
0x65: {  	_ =	shalt  }
0x66: {  	_ =	shalt  }
0x67: {  	_ =	shalt  }
0x68: {  	_ =	shalt  }
0x69: {  	_ =	shalt  }
0x6a: {  	_ =	shalt  }
0x6b: {  	_ =	shalt  }
0x6c: {  	_ =	shalt  }
0x6d: {  	_ =	shalt  }
0x6e: {  	_ =	shalt  }
0x6f: {  	_ =	shalt  }
0x70: {  	_ =	shalt  }
0x71: {  	_ =	shalt  }
0x72: {  	_ =	shalt  }
0x73: {  	_ =	shalt  }
0x74: {  	_ =	shalt  }
0x75: {  	_ =	shalt  }
0x76: {  	_ =	shalt  }
0x77: {  	_ =	shalt  }
0x78: {  	_ =	shalt  }
0x79: {  	_ =	shalt  }
0x7a: {  	_ =	shalt  }
0x7b: {  	_ =	shalt  }
0x7c: {  	_ =	shalt  }
0x7d: {  	_ =	shalt  }
0x7e: {  	_ =	shalt  }
0x7f: {  	_ =	shalt  }
0x80: {  	_ =	shalt  }
0x81: {  	_ =	shalt  }
0x82: {  	_ =	shalt  }
0x83: {  	_ =	shalt  }
0x84: {  	_ =	shalt  }
0x85: {  	_ =	shalt  }
0x86: {  	_ =	shalt  }
0x87: {  	_ =	shalt  }
.Lfunc_end0:
.L_simem_size_0:
called_computation_lowered:
.L_overlay_start_0:
0x88: {  	s2 =	sld [smem:$0x3FD9]  }
0x89: {  	s3 =	sld [smem:$0x3FFE];
	_ =	sdelay $0x1  }
0x8a: {  	s1 =	srdreg.scid  }
0x8b: {  	s0 =	sand.u32 $0x1, s1  }
0x8c: {  	s17 =	sshll.u32 s0, $0xA;
	s2 =	sadd.s32 s3, s2  }
0x8d: {  	s2 =	sadd.s32 s2, s17  }
0x8e: {  	[smem:$0x3FC6] =	sst s2  }
0x8f: {  	_ = 	snop  }
0x90: {  	s2 =	sld [smem:$0x3FC8]  }
0x91: {  	s18 =	sld [smem:$0x3FD0];
	(tm) =	ssettm $0x1  }
0x92: {  	s4 =	sld [smem:$0x3FFB];
	_ =	sdelay $0x3  }
0x93: {  	_ =	strace s4  }
0x94: {  	s4 =	sld [smem:$0x3FFC];
	_ =	sdelay $0x3  }
0x95: {  	_ =	strace s4  }
0x96: {  	s4 =	sld [smem:$0x3FFD];
	_ =	sdelay $0x3  }
0x97: {  	_ =	strace s4  }
0x98: {  	_ =	strace $0x8FFFFFFF  }
0x99: {  	s19 =	sld [smem:$0x3FDB];
	_ =	sdelay $0x1  }
0x9a: {  	s5 =	simm.s32 $_scs_section_size  }
0x9b: {  	s6 =	simm.s32 $_size__tile_overlayer_lowered;
	s7 =	simm.s32 $_tile_overlayer_lowered  }
0x9c: {  	s22 =	simm.s32 $0x1BFF;
	s21 =	sshll.u32 s7, $0x1;
	s4 =	sadd.s32 s5, s19  }
0x9d: {  	s8 =	simm.s32 $0x0;
	s20 =	sshll.u32 s6, $0x1;
	s6 =	sadd.s32 s21, s4  }
0x9e: {  	[timem:s8], [sflag:s22] =	dma.local [hbm:s6], s20  }
0x9f: {  	_ =	swait.ge [sflag:s22], s20  }
0xa0: {  	s5 =	ssub.s32 $0x0, s20;
	[sflag:s22] =	ssyncset.done $0x0  }
0xa1: {  	[sflag:s22] =	ssyncadd.s32 s5;
	_ =	sdelay $0x1  }
0xa2: {  	s23 =	simm.s32 $0x1B8B  }
0xa3: {  	_ =	swait.ge [sflag:s23], $0x1  }
0xa4: {  	[sflag:s23] =	ssyncset.done $0x0  }
0xa5: {  	s25 =	simm.s32 $0x1B8E;
	s24 =	sld [smem:$0x3FFE];
	[sflag:s23] =	ssyncadd.s32 $0xFFFFFFFF  }
0xa6: {  	s26 =	simm.s32 $execute0_lowered;
	[smem:$0x3FD2] =	sst s25  }
0xa7: {  	s6 =	sshll.u32 s26, $0x1;
	_ =	strace $0x80000046;
	[dreg:$0x1] =	wrdreg $0xFFFFFFFF  }
0xa8: {  	s28 =	simm.s32 $_size_execute0_lowered;
	s4 =	sadd.s32 s4, s6;
	[dreg:$0x0] =	wrdreg $0x0  }
0xa9: {  	s6 =	sshll.u32 s28, $0x1;
	[dreg:$0x2] =	wrdreg s4  }
0xaa: {  	[dreg:$0x3] =	wrdreg s6  }
0xab: {  	[dreg:$0x4] =	wrdreg $0xC0  }
0xac: {  	_ =	task [dreg:s8], $0x5FFFF  }
0xad: {  	[dreg:$0x1] =	wrdreg $0xFFFFFFFF  }
0xae: {  	[dreg:$0x0] =	wrdreg $0x60  }
0xaf: {  	[dreg:$0x2] =	wrdreg s24  }
0xb0: {  	[dreg:$0x3] =	wrdreg s2  }
0xb1: {  	[dreg:$0x4] =	wrdreg s18  }
0xb2: {  	[dreg:$0x5] =	wrdreg $0x9  }
0xb3: {  	_ =	task.clear_ibuf [dreg:s8], $0x6FFFF;
	_ =	strace $0x90000046  }
0xb4: {  	s29 =	simm.s32 $0x9;
	_ =	strace $0x80000048  }
0xb5: {  	_ =	swait.ge [sflag:s29], $0x1  }
0xb6: {  	[sflag:s29] =	ssyncadd.s32 $0xFFFFFFFF  }
0xb7: {  	_ =	strace $0x90000048  }
0xb8: {  	_ =	sfence  }
0xb9: {  	s30 =	sld [smem:$0x0];
	_ =	sdelay $0x2  }
0xba: {  	s31 =	sshll.u32 s1, $0xD;
	s1 =	sshrl.u32 s1, $0x2  }
0xbb: {  	s3 =	sand.u32 $0x4000, s31;
	s1 =	sadd.s32 s1, s30  }
0xbc: {  	s0 =	sor.u32 s3, s0;
	s1 =	sshll.u32 s1, $0x11  }
0xbd: {  	s0 =	sor.u32 s1, s0  }
0xbe: {  	s0 =	sadd.s32 $0x8F2B, s0  }
0xbf: {  	[sflag:s0] =	ssyncadd.remote.s32 $0x1  }
0xc0: {  	_ =	sfence.sel $0xFFFF  }
0xc1: {  	[dreg:$0x0] =	wrdreg $0xFFFFFFFF;
	(pc) =	sbr.abs _section_cstart, $3  }
0xc2: {  	[dreg:$0x1] =	wrdreg $0xFFFFFFFF  }
0xc3: {  	_ =	task.clear_ibuf [dreg:s8], $0x2FFFF;
	_ =	strace $0x9FFFFFFF  }
0xc4: {  	(tm) =	ssettm $0x7FFFFFFF  }
0xc5: {  	_ =	shalt  }
tec
execute0_lowered:
.L_overlay_start_1:
0x0: {  	(tag) =	ssettag $0x1  }
0x1: {  	v0 =	vimm.s32 $0x1504840;
	v6 =	vimm.s32 $0x21191109;
	vm0 =	vcmask $0x2B00  }
0x2: {  	v1 =	vimm.s32 $0x3030302;
	vm1 =	vcmask $0x1700;
	v2 =	vimm.s32 $0x2  }
0x3: {  	vm4 =	vcmask $0xF00;
	vm5 =	vcmask $0x2F10;
	vm6 =	vcmask $0x1B00  }
0x4: {  	v7 =	vimm.s32 $0x5;
	vm7 =	vcmask $0x3310;
	vm8 =	vcmask $0x3710  }
0x5: {  	vm9 =	vcmask $0x2300;
	v8 =	vimm.s32 $0x3;
	v11 =	vimm.s32 $0x18100800  }
0x6: {  	vm10 =	vcmask $0x1F10;
	vm11 =	vcmask $0x3B10;
	vm12 =	vcmask $0x2700  }
0x7: {  	v13 =	vimm.s32 $0x41393129;
	v14 =	vimm.s32 $0xA025149;
	v15 =	vimm.s32 $0x534B433B  }
0x8: {  	v16 =	vimm.s32 $0x1C140C04;
	v17 =	vimm.s32 $0x3C342C24;
	v18 =	vimm.s32 $0x5544C44  }
0x9: {  	v19 =	vimm.s32 $0x4E463E36;
	v20 =	vimm.s32 $0x170F0756;
	v21 =	vimm.s32 $0xE06554D  }
0xa: {  	v22 =	vimm.s32 $0x2E261E16;
	v23 =	vimm.s32 $0x625AA9A1;
	v24 =	vimm.s32 $0x59A8A098  }
0xb: {  	v25 =	vimm.s32 $0x79716961;
	v26 =	vimm.s32 $0x6B635BAA;
	v27 =	vimm.s32 $0x8B837B73  }
0xc: {  	v28 =	vimm.s32 $0x827A726A;
	v29 =	vimm.s32 $0xA29A928A;
	v30 =	vimm.s32 $0x7D756D65  }
0xd: {  	v31 =	vimm.s32 $0x9D958D85;
	v32 =	vimm.s32 $0x8F877F77;
	v33 =	vimm.s32 $0xAFA79F97  }
0xe: {  	v34 =	vimm.s32 $0xA69E968E;
	v35 =	vimm.s32 $0x6F675FAE;
	vm13 =	vcmask $0x300  }
0xf: {  	v57 =	vimm.s32 $0x5A0;
	vm14 =	vcmask $0x704;
	vm15 =	vcmask $0xB08  }
0x10: {  	v9 =	vunpack.c.0.s8.s32 v0;
	v0 =	vimm.s32 $0x1;
	v3 =	vunpack.c.0.s8.s32 v1  }
0x11: {  	v1 =	vsel vm1, $0x1, v2;
	v10 =	vunpack.c.0.s8.s32 v6;
	v6 =	vsel vm9, $0x2, v8  }
0x12: {  	v11 =	vunpack.c.0.s8.s32 v11;
	v8 =	vimm.s32 $0x38302820;
	v13 =	vunpack.c.0.s8.s32 v13  }
0x13: {  	v14 =	vunpack.c.0.s8.s32 v14;
	v15 =	vunpack.c.0.s8.s32 v15;
	v16 =	vunpack.c.0.s8.s32 v16  }
0x14: {  	v17 =	vunpack.c.0.s8.s32 v17;
	v18 =	vunpack.c.0.s8.s32 v18;
	v19 =	vunpack.c.0.s8.s32 v19  }
0x15: {  	v20 =	vunpack.c.0.s8.s32 v20;
	v21 =	vunpack.c.0.s8.s32 v21;
	v22 =	vunpack.c.0.s8.s32 v22  }
0x16: {  	v23 =	vunpack.c.0.s8.s32 v23;
	v24 =	vunpack.c.0.s8.s32 v24;
	v25 =	vunpack.c.0.s8.s32 v25  }
0x17: {  	v26 =	vunpack.c.0.s8.s32 v26;
	v27 =	vunpack.c.0.s8.s32 v27;
	v28 =	vunpack.c.0.s8.s32 v28  }
0x18: {  	v29 =	vunpack.c.0.s8.s32 v29;
	v30 =	vunpack.c.0.s8.s32 v30;
	v31 =	vunpack.c.0.s8.s32 v31  }
0x19: {  	v32 =	vunpack.c.0.s8.s32 v32;
	v33 =	vunpack.c.0.s8.s32 v33;
	v34 =	vunpack.c.0.s8.s32 v34  }
0x1a: {  	v35 =	vunpack.c.0.s8.s32 v35;
	vm9 =	vcmask $0x2724;
	v0 =	vsel vm0, $0x0, v0  }
0x1b: {  	v12 =	vunpack.c.0.s8.s32 v8;
	v8 =	vimm.s32 $0x6;
	v2 =	vnsel vm4, $0x4, v3  }
0x1c: {  	v3 =	vimm.s32 $0x6060505;
	v8 =	vsel vm12, $0x5, v8;
	v9 =	vsel vm10, v10, v9  }
0x1d: {  	v25 =	vsel vm10, v25, v24;
	v24 =	vimm.s32 $0x5DACA49C;
	vm12 =	vcmask $0x3330  }
0x1e: {  	v2 =	vsel vm5, $0x3, v2;
	v4 =	vunpack.c.0.s8.s32 v3;
	v3 =	vimm.s32 $0x1000000  }
0x1f: {  	v10 =	vsel vm10, v12, v11;
	v11 =	vimm.s32 $0x2A221A12;
	v12 =	vimm.s32 $0x4A423A32  }
0x20: {  	v24 =	vunpack.c.0.s8.s32 v24;
	vm5 =	vcmask $0x1714;
	v5 =	vunpack.c.0.s8.s32 v3  }
0x21: {  	v3 =	vsel vm6, $0x4, v7;
	v7 =	vsel vm4, $0x3, v7;
	v11 =	vunpack.c.0.s8.s32 v11  }
0x22: {  	v12 =	vunpack.c.0.s8.s32 v12;
	v9 =	vcombine.low v10, v9;
	vm6 =	vcmask $0x1B18  }
0x23: {  	v4 =	vnsel vm4, $0x7, v4;
	v7 =	vsel vm11, $0x4, v7;
	vm11 =	vcmask $0x2F2C  }
0x24: {  	v4 =	vsel vm7, $0x6, v4;
	v5 =	vnsel vm4, $0x2, v5;
	v10 =	vsel vm10, v12, v11  }
0x25: {  	v11 =	vimm.s32 $0x130B0352;
	v12 =	vsel vm10, v14, v13;
	v13 =	vsel vm10, v16, v15  }
0x26: {  	v14 =	vimm.s32 $0x332B231B;
	v15 =	vimm.s32 $0x251D150D;
	v16 =	vimm.s32 $0x453D352D  }
0x27: {  	vm4 =	vcmask $0xF0C;
	vm7 =	vcmask $0x1F1C;
	v5 =	vsel vm8, $0x1, v5  }
0x28: {  	v11 =	vunpack.c.0.s8.s32 v11;
	v14 =	vunpack.c.0.s8.s32 v14;
	v15 =	vunpack.c.0.s8.s32 v15  }
0x29: {  	v16 =	vunpack.c.0.s8.s32 v16;
	v10 =	vcombine.low v12, v10;
	v12 =	vimm.s32 $0x1B0  }
0x2a: {  	vm8 =	vcmask $0x2320;
	v56 =	vsel vm13, $0x5A0, v12;
	v11 =	vsel vm10, v14, v11  }
0x2b: {  	v14 =	vsel vm10, v16, v15;
	v15 =	vsel vm10, v18, v17;
	v16 =	vsel vm10, v20, v19  }
0x2c: {  	v17 =	vsel vm10, v22, v21;
	v18 =	vimm.s32 $0x372F271F;
	v19 =	vimm.s32 $0x574F473F  }
0x2d: {  	v20 =	vimm.s32 $0x90888078;
	v21 =	vimm.s32 $0x70686058;
	v22 =	vimm.s32 $0x99918981  }
0x2e: {  	v18 =	vunpack.c.0.s8.s32 v18;
	v19 =	vunpack.c.0.s8.s32 v19;
	v20 =	vunpack.c.0.s8.s32 v20  }
0x2f: {  	v21 =	vunpack.c.0.s8.s32 v21;
	v22 =	vunpack.c.0.s8.s32 v22;
	v11 =	vcombine.low v11, v13  }
0x30: {  	v13 =	vimm.s32 $0x480;
	v12 =	vcombine.low v15, v14;
	v14 =	vimm.s32 $0x120  }
0x31: {  	v15 =	vsel vm13, $0x240, v13;
	v13 =	vcombine.low v17, v16;
	v16 =	vimm.s32 $0x3F0  }
0x32: {  	v17 =	vsel vm13, $0x510, v14;
	v20 =	vand.u32 $0xFF, v20;
	v18 =	vsel vm10, v19, v18  }
0x33: {  	v22 =	vsel vm10, v23, v22;
	v19 =	vsel vm10, v27, v26;
	v23 =	vimm.s32 $0x948C847C  }
0x34: {  	v26 =	vimm.s32 $0xABA39B93;
	v27 =	vimm.s32 $0x746C645C;
	v16 =	vsel vm13, $0x1B0, v16  }
0x35: {  	v15 =	vsel vm14, $0x2D0, v15;
	v17 =	vsel vm14, $0x5A0, v17;
	v21 =	vsel vm10, v20, v21  }
0x36: {  	v20 =	vsel vm10, v29, v28;
	v23 =	vunpack.c.0.s8.s32 v23;
	v26 =	vunpack.c.0.s8.s32 v26  }
0x37: {  	v28 =	vimm.s32 $0x665EADA5;
	v29 =	vimm.s32 $0x867E766E;
	v27 =	vunpack.c.0.s8.s32 v27  }
0x38: {  	v16 =	vsel vm14, $0x240, v16;
	v15 =	vsel vm15, $0x360, v15;
	v17 =	vsel vm15, $0x0, v17  }
0x39: {  	v28 =	vunpack.c.0.s8.s32 v28;
	v29 =	vunpack.c.0.s8.s32 v29;
	v14 =	vcombine.low v18, v21  }
0x3a: {  	v18 =	vimm.s32 $0x90;
	v21 =	vimm.s32 $0x360;
	v16 =	vsel vm15, $0x2D0, v16  }
0x3b: {  	v15 =	vsel vm4, $0x3F0, v15;
	v17 =	vsel vm4, $0x90, v17;
	v59 =	vcombine.low v20, v19  }
0x3c: {  	v23 =	vsel vm10, v24, v23;
	v24 =	vsel vm10, v27, v26;
	v26 =	vimm.s32 $0x240  }
0x3d: {  	v18 =	vsel vm13, $0x480, v18;
	v21 =	vsel vm13, $0x120, v21;
	v16 =	vsel vm4, $0x360, v16  }
0x3e: {  	v15 =	vsel vm5, $0x510, v15;
	v17 =	vsel vm5, $0x1B0, v17;
	v27 =	vsel vm10, v29, v28  }
0x3f: {  	v28 =	vsel vm10, v31, v30;
	v29 =	vsel vm10, v33, v32;
	v30 =	vsel vm10, v35, v34  }
0x40: {  	v31 =	vimm.s32 $0x510;
	v26 =	vsel vm13, $0x0, v26;
	v34 =	vsel vm13, $0x360, v57  }
0x41: {  	v33 =	vsel vm14, $0x0, v56;
	v18 =	vsel vm14, $0x510, v18;
	v21 =	vsel vm14, $0x1B0, v21  }
0x42: {  	v16 =	vsel vm5, $0x480, v16;
	v15 =	vsel vm6, $0x5A0, v15;
	v17 =	vsel vm6, $0x240, v17  }
0x43: {  	vm10 =	vcmask $0x2B28;
	v61 =	vcombine.low v24, v23;
	v55 =	vsel vm13, $0x2D0, v31  }
0x44: {  	v31 =	vcombine.low v25, v22;
	v22 =	vimm.s32 $0x0;
	v25 =	vimm.s32 $0x2D0  }
0x45: {  	v26 =	vsel vm14, $0x90, v26;
	v34 =	vsel vm14, $0x3F0, v34;
	v33 =	vsel vm15, $0x90, v33  }
0x46: {  	v18 =	vsel vm15, $0x5A0, v18;
	v21 =	vsel vm15, $0x240, v21;
	v16 =	vsel vm6, $0x510, v16  }
0x47: {  	v15 =	vsel vm7, $0x0, v15;
	v17 =	vsel vm7, $0x2D0, v17;
	v62 =	vcombine.low v28, v27  }
0x48: {  	v63 =	vcombine.low v30, v29;
	v29 =	vand.u32 $0xFF, v59;
	v22 =	vsel vm13, $0x3F0, v22  }
0x49: {  	v25 =	vsel vm13, $0x90, v25;
	v32 =	vsel vm14, $0x360, v55;
	v26 =	vsel vm15, $0x120, v26  }
0x4a: {  	v34 =	vsel vm15, $0x480, v34;
	v33 =	vsel vm4, $0x120, v33;
	v18 =	vsel vm4, $0x0, v18  }
0x4b: {  	v21 =	vsel vm4, $0x2D0, v21;
	v16 =	vsel vm7, $0x5A0, v16;
	v15 =	vsel vm8, $0x90, v15  }
0x4c: {  	v17 =	vsel vm8, $0x360, v17;
	vm13 =	vcmask $0x3734;
	v30 =	vand.u32 $0xFF, v61  }
0x4d: {  	v22 =	vsel vm14, $0x480, v22;
	v25 =	vsel vm14, $0x120, v25;
	v32 =	vsel vm15, $0x3F0, v32  }
0x4e: {  	v26 =	vsel vm4, $0x1B0, v26;
	v34 =	vsel vm4, $0x510, v34;
	v33 =	vsel vm5, $0x240, v33  }
0x4f: {  	v18 =	vsel vm5, $0x120, v18;
	v21 =	vsel vm5, $0x3F0, v21;
	v16 =	vsel vm8, $0x0, v16  }
0x50: {  	v15 =	vsel vm9, $0x120, v15;
	v17 =	vsel vm9, $0x3F0, v17;
	vm14 =	vcmask $0x3B38  }
0x51: {  	v28 =	vand.u32 $0xFF, v31;
	v31 =	vand.u32 $0xFF, v62;
	v22 =	vsel vm15, $0x510, v22  }
0x52: {  	v25 =	vsel vm15, $0x1B0, v25;
	v32 =	vsel vm4, $0x480, v32;
	v26 =	vsel vm5, $0x2D0, v26  }
0x53: {  	v34 =	vsel vm5, $0x0, v34;
	v33 =	vsel vm6, $0x2D0, v33;
	v18 =	vsel vm6, $0x1B0, v18  }
0x54: {  	v21 =	vsel vm6, $0x480, v21;
	v16 =	vsel vm9, $0x90, v16;
	v15 =	vsel vm10, $0x1B0, v15  }
0x55: {  	v17 =	vsel vm10, $0x480, v17;
	vm15 =	vcmask $0x1300;
	v22 =	vsel vm4, $0x5A0, v22  }
0x56: {  	v25 =	vsel vm4, $0x240, v25;
	v32 =	vsel vm5, $0x5A0, v32;
	v26 =	vsel vm6, $0x360, v26  }
0x57: {  	v34 =	vsel vm6, $0x90, v34;
	v33 =	vsel vm7, $0x360, v33;
	v18 =	vsel vm7, $0x240, v18  }
0x58: {  	v21 =	vsel vm7, $0x510, v21;
	v16 =	vsel vm10, $0x120, v16;
	v15 =	vsel vm11, $0x240, v15  }
0x59: {  	v17 =	vsel vm11, $0x510, v17;
	v22 =	vsel vm5, $0x90, v22;
	v25 =	vsel vm5, $0x360, v25  }
0x5a: {  	v32 =	vsel vm6, $0x0, v32;
	v26 =	vsel vm7, $0x3F0, v26;
	v34 =	vsel vm7, $0x120, v34  }
0x5b: {  	v33 =	vsel vm8, $0x3F0, v33;
	v18 =	vsel vm8, $0x2D0, v18;
	v21 =	vsel vm8, $0x5A0, v21  }
0x5c: {  	v16 =	vsel vm11, $0x1B0, v16;
	v15 =	vsel vm12, $0x2D0, v15;
	v17 =	vsel vm12, $0x5A0, v17  }
0x5d: {  	s0 =	srdreg.scid;
	v22 =	vsel vm6, $0x120, v22;
	v25 =	vsel vm6, $0x3F0, v25;
	v32 =	vsel vm7, $0x90, v32  }
0x5e: {  	s9 =	stileid.u32;
	s2 =	rddreg [dreg:$0x0];
	v26 =	vsel vm8, $0x480, v26;
	v34 =	vsel vm8, $0x1B0, v34;
	v33 =	vsel vm9, $0x480, v33  }
0x5f: {  	s1 =	rddreg [dreg:$0x1];
	s4 =	simm.s32 $0x0;
	s16 =	simm.s32 $0x1600;
	v18 =	vsel vm9, $0x360, v18;
	v21 =	vsel vm9, $0x0, v21;
	v16 =	vsel vm12, $0x240, v16  }
0x60: {  	s17 =	simm.s32 $0x58;
	s29 =	simm.s32 $0x10800;
	s31 =	simm.s32 $0x13400;
	v58 =	vsel vm13, $0x360, v15;
	v36 =	vsel vm13, $0x0, v17;
	v22 =	vsel vm7, $0x1B0, v22  }
0x61: {  	s28 =	simm.s32 $0x6;
	s30 =	simm.s32 $0x7;
	s15 =	simm.s32 $0xB;
	v25 =	vsel vm7, $0x480, v25;
	v32 =	vsel vm8, $0x120, v32;
	v26 =	vsel vm9, $0x510, v26  }
0x62: {  	s10 =	simm.s32 $0xF;
	s11 =	simm.s32 $0x10;
	s13 =	simm.s32 $0x0;
	v34 =	vsel vm9, $0x240, v34;
	v33 =	vsel vm10, $0x510, v33;
	v18 =	vsel vm10, $0x3F0, v18  }
0x63: {  	s0 =	sand.u32 $0x1, s0;
	s3 =	sshll.u32 s9, $0x1;
	s5 =	smul.u32 $0x2C00, s9;
	v21 =	vsel vm10, $0x90, v21;
	v37 =	vsel vm13, $0x2D0, v16;
	v19 =	vsel vm14, $0x90, v36  }
0x64: {  	[smem:$0x7FF] =	sst s4;
	s23 =	smul.u32 $0x2C000, s9;
	s9 =	simm.s32 $0xE;
	v22 =	vsel vm8, $0x240, v22;
	v25 =	vsel vm8, $0x510, v25;
	v32 =	vsel vm9, $0x1B0, v32  }
0x65: {  	s3 =	sor.u32 s0, s3;
	s6 =	ssub.s32 $0x2, s0;
	s7 =	smul.u32 $0x1600, s0;
	v26 =	vsel vm10, $0x5A0, v26;
	v34 =	vsel vm10, $0x2D0, v34;
	v33 =	vsel vm11, $0x5A0, v33  }
0x66: {  	_ =	strace $0x80000047;
	s0 =	smul.u32 $0x16000, s0;
	s8 =	sshrl.u32 s6, $0x1;
	v18 =	vsel vm11, $0x480, v18;
	v21 =	vsel vm11, $0x120, v21;
	v20 =	vsel vm14, $0x360, v37  }
0x67: {  	s3 =	smul.u32 $0x2C0, s3;
	s18 =	ssub.s32 s6, s8;
	s5 =	sadd.s32 s7, s5;
	v22 =	vsel vm9, $0x2D0, v22;
	v25 =	vsel vm9, $0x5A0, v25;
	v32 =	vsel vm10, $0x240, v32  }
0x68: {  	s0 =	sadd.s32 s0, s23;
	s23 =	simm.s32 $0x4;
	s6 =	simm.s32 $0xA;
	v26 =	vsel vm11, $0x0, v26;
	v34 =	vsel vm11, $0x360, v34;
	v33 =	vsel vm12, $0x0, v33  }
0x69: {  	s2 =	sadd.s32 s3, s2;
	s19 =	smax.u32 s18, $0x1;
	[dreg:$0xd] =	wrdreg s0;
	v18 =	vsel vm12, $0x510, v18;
	v21 =	vsel vm12, $0x1B0, v21;
	v22 =	vsel vm10, $0x360, v22  }
0x6a: {  	s20 =	sshll.u32 s5, $0x4;
	s2 =	sadd.s32 $0x400, s2;
	[dreg:$0x5] =	wrdreg s19;
	v25 =	vsel vm10, $0x0, v25;
	v32 =	vsel vm11, $0x2D0, v32;
	v26 =	vsel vm12, $0x90, v26  }
0x6b: {  	s7 =	simm.s32 $0xC;
	s21 =	sadd.s32 $0x2680, s20;
	[dreg:$0x4] =	wrdreg s2;
	v34 =	vsel vm12, $0x3F0, v34;
	v33 =	vsel vm13, $0x90, v33;
	v38 =	vsel vm13, $0x5A0, v18  }
0x6c: {  	s8 =	simm.s32 $0xD;
	s22 =	sadd.s32 $0x2100, s20;
	[dreg:$0x6] =	wrdreg s21;
	v39 =	vsel vm13, $0x240, v21;
	v18 =	vsel vm14, $0x3F0, v58;
	v21 =	vlaneseq.u32  }
0x6d: {  	s18 =	simm.s32 $0x2C00;
	s5 =	sor.u32 $0x1B80, s20;
	[dreg:$0x7] =	wrdreg s22;
	v22 =	vsel vm11, $0x3F0, v22;
	v25 =	vsel vm11, $0x90, v25;
	v32 =	vsel vm12, $0x360, v32  }
0x6e: {  	s0 =	simm.s32 $0x16000;
	s24 =	sor.u32 $0x1600, s20;
	[dreg:$0x8] =	wrdreg s5;
	v26 =	vsel vm13, $0x120, v26;
	v34 =	vsel vm13, $0x480, v34;
	v17 =	vsel vm14, $0x120, v33  }
0x6f: {  	s3 =	simm.s32 $0x1;
	s25 =	sor.u32 $0x1080, s20;
	[dreg:$0x9] =	wrdreg s24;
	v21 =	vshrl.u32 v21, $0x3;
	v22 =	vsel vm12, $0x480, v22;
	v25 =	vsel vm12, $0x120, v25  }
.Ltmp0:
0x70: {  	s26 =	sor.u32 $0xB00, s20;
	[dreg:$0xa] =	wrdreg s25;
	v32 =	vsel vm13, $0x3F0, v32;
	v15 =	vsel vm14, $0x1B0, v26;
	v60 =	vmul.u32 $0xFFFFFFF9, v21;
	(pc) =	sbr.rel .LBB2_1-.Ltmp0, $4  }
0x71: {  	s19 =	simm.s32 $0x2;
	[dreg:$0xb] =	wrdreg s26;
	s2 =	sor.u32 $0x580, s20;
	v21 =	vsel vm14, $0x0, v38;
	v26 =	vimm.s32 $0x7;
	v40 =	vsel vm13, $0x510, v22  }
0x72: {  	s20 =	simm.s32 $0x5800;
	s22 =	simm.s32 $0x8400;
	s24 =	simm.s32 $0xB000;
	v25 =	vsel vm13, $0x1B0, v25;
	v16 =	vsel vm14, $0x480, v32;
	v22 =	vsel vm14, $0x2D0, v39  }
0x73: {  	s26 =	simm.s32 $0xDC00;
	s21 =	simm.s32 $0x3;
	s25 =	simm.s32 $0x5;
	v26 =	vsel vm15, $0x6, v26;
	v32 =	vand.u32 $0xFF, v63;
	v23 =	vsel vm14, $0x5A0, v40  }
0x74: {  	s5 =	simm.s32 $0x9;
	[dreg:$0xc] =	wrdreg s2;
	s2 =	simm.s32 $0x8;
	v24 =	vsel vm14, $0x240, v25;
	v25 =	vsel vm14, $0x510, v34;
	v27 =	vadd.s32 $0x7, v60  }
.LBB2_6:
0x75: {  	_ =	swait.ge [sflag:s6], $0x2C00  }
0x76: {  	[sflag:s6] =	ssyncset.done $0x0  }
0x77: {  	[sflag:s6] =	ssyncadd.s32 $0xFFFFD400  }
0x78: {  	_ =	swait.ge [sflag:s15], $0x2C00  }
0x79: {  	[sflag:s15] =	ssyncset.done $0x0  }
0x7a: {  	[sflag:s15] =	ssyncadd.s32 $0xFFFFD400  }
0x7b: {  	_ =	swait.ge [sflag:s7], $0x2C00  }
0x7c: {  	[sflag:s7] =	ssyncset.done $0x0  }
0x7d: {  	[sflag:s7] =	ssyncadd.s32 $0xFFFFD400  }
0x7e: {  	_ =	swait.ge [sflag:s8], $0x2C00  }
0x7f: {  	[sflag:s8] =	ssyncset.done $0x0  }
0x80: {  	[sflag:s8] =	ssyncadd.s32 $0xFFFFD400  }
0x81: {  	_ =	swait.ge [sflag:s9], $0x2C00  }
0x82: {  	[sflag:s9] =	ssyncset.done $0x0  }
0x83: {  	[sflag:s9] =	ssyncadd.s32 $0xFFFFD400  }
0x84: {  	_ =	swait.ge [sflag:s10], $0x2C00  }
0x85: {  	[sflag:s10] =	ssyncset.done $0x0  }
0x86: {  	[sflag:s10] =	ssyncadd.s32 $0xFFFFD400  }
0x87: {  	_ =	swait.ge [sflag:s11], $0x2C00  }
0x88: {  	s13 =	rddreg [dreg:$0xe]  }
0x89: {  	s12 =	rddreg [dreg:$0x5];
	s13 =	sadd.s32 $0x1, s13  }
0x8a: {  	p0 =	sne.s32 s13, s12  }
.Ltmp1:
0x8b: {  	_ = 	snop;
	(pc) =	sbr.rel @!p0 .LBB2_7-.Ltmp1, $3  }
0x8c: {  	_ =	sdelay $0x1  }
0x8d: {  	[sflag:s11] =	ssyncset.done $0x0  }
0x8e: {  	[sflag:s11] =	ssyncadd.s32 $0xFFFFD400  }
.LBB2_1:
0x8f: {  	[dreg:$0xe] =	wrdreg s13  }
0x90: {  	s12 =	rddreg [dreg:$0x4];
	s14 =	simm.s32 $0x11  }
0x91: {  	[tilespmem:s4], [sflag:$0x11] =	stream.linear.gather [hbm4b:s12+s4], $0x1600, $0x38;
	[tilespmem:$0x18C00] =	vst v63  }
0x92: {  	_ =	swait.ge [sflag:s14], $0x1600  }
0x93: {  	[sflag:s14] =	ssyncset.done $0x0  }
0x94: {  	s12 =	simm.s32 $0x50;
	[sflag:s14] =	ssyncadd.s32 $0xFFFFEA00  }
0x95: {  	v33 =	vld [tilespmem:s12+$0xFFFFFFB0];
	_ =	sdelay $0x2  }
0x96: {  	v34 =	vadd.s32 s4, v9  }
0x97: {  	v34 =	vand.u32 $0x3FF8, v34  }
0x98: {  	v34 =	vor.u32 v0, v34;
	v35 =	vand.u32 $0xFFFF, v33  }
0x99: {  	v35 =	vmul.u32 $0xC, v35  }
0x9a: {  	v33 =	vshra.s32 v33, $0x10  }
0x9b: {  	v33 =	vadd.s32 v35, v33  }
0x9c: {  	v33 =	vadd.s32 v15, v33  }
0x9d: {  	[tilespmem:v34+s16+$0x0] =	vst.idx.msk $0xffff, v33  }
0x9e: {  	v33 =	vld [tilespmem:s12+$0xFFFFFFC0];
	_ =	sdelay $0x2  }
0x9f: {  	v44 =	vadd.s32 s4, v10  }
0xa0: {  	v34 =	vand.u32 $0x3FF8, v44  }
0xa1: {  	v34 =	vor.u32 v1, v34;
	v45 =	vand.u32 $0xFFFF, v33  }
0xa2: {  	v35 =	vmul.u32 $0xC, v45  }
0xa3: {  	v33 =	vshra.s32 v33, $0x10  }
0xa4: {  	v33 =	vadd.s32 v35, v33  }
0xa5: {  	v33 =	vadd.s32 v16, v33  }
0xa6: {  	[tilespmem:v34+s16+$0x0] =	vst.idx.msk $0xffff, v33  }
0xa7: {  	v33 =	vld [tilespmem:s12+$0xFFFFFFD0];
	_ =	sdelay $0x2  }
0xa8: {  	v46 =	vadd.s32 s4, v11  }
0xa9: {  	v34 =	vand.u32 $0x3FF8, v46  }
0xaa: {  	v34 =	vor.u32 v2, v34;
	v47 =	vand.u32 $0xFFFF, v33  }
0xab: {  	v35 =	vmul.u32 $0xC, v47  }
0xac: {  	v33 =	vshra.s32 v33, $0x10  }
0xad: {  	v33 =	vadd.s32 v35, v33  }
0xae: {  	v33 =	vadd.s32 v17, v33  }
0xaf: {  	[tilespmem:v34+s16+$0x0] =	vst.idx.msk $0xffff, v33  }
0xb0: {  	v33 =	vld [tilespmem:s12+$0xFFFFFFE0];
	_ =	sdelay $0x2  }
0xb1: {  	v48 =	vadd.s32 s4, v12  }
0xb2: {  	v34 =	vand.u32 $0x3FF8, v48  }
0xb3: {  	v34 =	vor.u32 v3, v34;
	v49 =	vand.u32 $0xFFFF, v33  }
0xb4: {  	v35 =	vmul.u32 $0xC, v49  }
0xb5: {  	v33 =	vshra.s32 v33, $0x10  }
0xb6: {  	v33 =	vadd.s32 v35, v33  }
0xb7: {  	v33 =	vadd.s32 v18, v33  }
0xb8: {  	[tilespmem:v34+s16+$0x0] =	vst.idx.msk $0xffff, v33  }
0xb9: {  	v33 =	vld [tilespmem:s12+$0xFFFFFFF0];
	_ =	sdelay $0x2  }
0xba: {  	v50 =	vadd.s32 s4, v13  }
0xbb: {  	v34 =	vand.u32 $0x3FF8, v50  }
0xbc: {  	v34 =	vor.u32 v4, v34;
	v51 =	vand.u32 $0xFFFF, v33  }
0xbd: {  	v35 =	vmul.u32 $0xC, v51  }
0xbe: {  	v33 =	vshra.s32 v33, $0x10  }
0xbf: {  	v33 =	vadd.s32 v35, v33  }
0xc0: {  	v33 =	vadd.s32 v19, v33  }
0xc1: {  	[tilespmem:v34+s16+$0x0] =	vst.idx.msk $0xffff, v33  }
0xc2: {  	v33 =	vld [tilespmem:s12+$0x0];
	_ =	sdelay $0x2  }
0xc3: {  	v52 =	vadd.s32 s4, v14  }
0xc4: {  	v34 =	vand.u32 $0x3FF8, v52  }
0xc5: {  	v34 =	vor.u32 v27, v34;
	v53 =	vand.u32 $0xFFFF, v33  }
0xc6: {  	v35 =	vmul.u32 $0xC, v53  }
0xc7: {  	v33 =	vshra.s32 v33, $0x10  }
0xc8: {  	v33 =	vadd.s32 v35, v33  }
0xc9: {  	v33 =	vadd.s32 v20, v33  }
0xca: {  	[tilespmem:v34+s16+$0x0] =	vst.idx.msk $0xffff, v33  }
0xcb: {  	v33 =	vld [tilespmem:s12+$0x10];
	_ =	sdelay $0x2  }
0xcc: {  	v54 =	vadd.s32 s4, v28  }
0xcd: {  	v34 =	vand.u32 $0x3FF8, v54  }
0xce: {  	v34 =	vor.u32 v5, v34;
	v55 =	vand.u32 $0xFFFF, v33  }
0xcf: {  	v35 =	vmul.u32 $0xC, v55  }
0xd0: {  	v33 =	vshra.s32 v33, $0x10  }
0xd1: {  	v33 =	vadd.s32 v35, v33  }
0xd2: {  	v33 =	vadd.s32 v21, v33  }
0xd3: {  	[tilespmem:v34+s16+$0x0] =	vst.idx.msk $0xffff, v33  }
0xd4: {  	v33 =	vld [tilespmem:s12+$0x20];
	_ =	sdelay $0x2  }
0xd5: {  	v56 =	vadd.s32 s4, v29  }
0xd6: {  	v34 =	vand.u32 $0x3FF8, v56  }
0xd7: {  	v34 =	vor.u32 v6, v34;
	v57 =	vand.u32 $0xFFFF, v33  }
0xd8: {  	v35 =	vmul.u32 $0xC, v57  }
0xd9: {  	v33 =	vshra.s32 v33, $0x10  }
0xda: {  	v33 =	vadd.s32 v35, v33  }
0xdb: {  	v33 =	vadd.s32 v22, v33  }
0xdc: {  	[tilespmem:v34+s16+$0x0] =	vst.idx.msk $0xffff, v33  }
0xdd: {  	v33 =	vld [tilespmem:s12+$0x30];
	_ =	sdelay $0x2  }
0xde: {  	v58 =	vadd.s32 s4, v30  }
0xdf: {  	v34 =	vand.u32 $0x3FF8, v58  }
0xe0: {  	v34 =	vor.u32 v7, v34;
	v59 =	vand.u32 $0xFFFF, v33  }
0xe1: {  	v35 =	vmul.u32 $0xC, v59  }
0xe2: {  	v33 =	vshra.s32 v33, $0x10  }
0xe3: {  	v33 =	vadd.s32 v35, v33  }
0xe4: {  	v33 =	vadd.s32 v23, v33  }
0xe5: {  	[tilespmem:v34+s16+$0x0] =	vst.idx.msk $0xffff, v33  }
0xe6: {  	v33 =	vld [tilespmem:s12+$0x40];
	_ =	sdelay $0x2  }
0xe7: {  	v60 =	vadd.s32 s4, v31  }
0xe8: {  	v34 =	vand.u32 $0x3FF8, v60  }
0xe9: {  	v34 =	vor.u32 v8, v34;
	v61 =	vand.u32 $0xFFFF, v33  }
0xea: {  	v35 =	vmul.u32 $0xC, v61  }
0xeb: {  	v33 =	vshra.s32 v33, $0x10  }
0xec: {  	v33 =	vadd.s32 v35, v33  }
0xed: {  	v33 =	vadd.s32 v24, v33  }
0xee: {  	[tilespmem:v34+s16+$0x0] =	vst.idx.msk $0xffff, v33  }
0xef: {  	v33 =	vld [tilespmem:s12+$0x50];
	_ =	sdelay $0x4  }
0xf0: {  	v62 =	vand.u32 $0xFFFF, v33  }
0xf1: {  	v63 =	vadd.s32 s4, v32;
	v34 =	vmul.u32 $0xC, v62  }
0xf2: {  	v35 =	vand.u32 $0x3FF8, v63;
	v33 =	vshra.s32 v33, $0x10  }
0xf3: {  	v34 =	vadd.s32 v34, v33;
	v33 =	vor.u32 v26, v35;
	_ =	sdelay $0x2  }
0xf4: {  	s13 =	simm.s32 $0xB0;
	v34 =	vadd.s32 v25, v34  }
.LBB2_2:
0xf5: {  	p0 =	sne.s32 s13, $0x1550  }
0xf6: {  	[tilespmem:v33+s16+$0x0] =	vst.idx.msk $0xffff, v34;
	s12 =	sadd.s32 $0xB0, s12;
	s14 =	smov.u32 s13;
	s13 =	sadd.s32 $0xB0, s13  }
0xf7: {  	v33 =	vld [tilespmem:s12+$0xFFFFFFB0];
	_ =	sdelay $0x2  }
0xf8: {  	v34 =	vadd.s32 s14, v9  }
0xf9: {  	v34 =	vand.u32 $0x3FF8, v34  }
0xfa: {  	v34 =	vor.u32 v0, v34;
	v35 =	vand.u32 $0xFFFF, v33  }
0xfb: {  	v35 =	vmul.u32 $0xC, v35  }
0xfc: {  	v33 =	vshra.s32 v33, $0x10  }
0xfd: {  	v33 =	vadd.s32 v35, v33  }
0xfe: {  	v33 =	vadd.s32 v15, v33  }
0xff: {  	[tilespmem:v34+s16+$0x0] =	vst.idx.msk $0xffff, v33  }
0x100: {  	v33 =	vld [tilespmem:s12+$0xFFFFFFC0];
	_ =	sdelay $0x2  }
0x101: {  	v34 =	vadd.s32 s14, v10  }
0x102: {  	v34 =	vand.u32 $0x3FF8, v34  }
0x103: {  	v34 =	vor.u32 v1, v34;
	v35 =	vand.u32 $0xFFFF, v33  }
0x104: {  	v35 =	vmul.u32 $0xC, v35  }
0x105: {  	v33 =	vshra.s32 v33, $0x10  }
0x106: {  	v33 =	vadd.s32 v35, v33  }
0x107: {  	v33 =	vadd.s32 v16, v33  }
0x108: {  	[tilespmem:v34+s16+$0x0] =	vst.idx.msk $0xffff, v33  }
0x109: {  	v33 =	vld [tilespmem:s12+$0xFFFFFFD0];
	_ =	sdelay $0x2  }
0x10a: {  	v34 =	vadd.s32 s14, v11  }
0x10b: {  	v34 =	vand.u32 $0x3FF8, v34  }
0x10c: {  	v34 =	vor.u32 v2, v34;
	v35 =	vand.u32 $0xFFFF, v33  }
0x10d: {  	v35 =	vmul.u32 $0xC, v35  }
0x10e: {  	v33 =	vshra.s32 v33, $0x10  }
0x10f: {  	v33 =	vadd.s32 v35, v33  }
0x110: {  	v33 =	vadd.s32 v17, v33  }
0x111: {  	[tilespmem:v34+s16+$0x0] =	vst.idx.msk $0xffff, v33  }
0x112: {  	v33 =	vld [tilespmem:s12+$0xFFFFFFE0];
	_ =	sdelay $0x2  }
0x113: {  	v34 =	vadd.s32 s14, v12  }
0x114: {  	v34 =	vand.u32 $0x3FF8, v34  }
0x115: {  	v34 =	vor.u32 v3, v34;
	v35 =	vand.u32 $0xFFFF, v33  }
0x116: {  	v35 =	vmul.u32 $0xC, v35  }
0x117: {  	v33 =	vshra.s32 v33, $0x10  }
0x118: {  	v33 =	vadd.s32 v35, v33  }
0x119: {  	v33 =	vadd.s32 v18, v33  }
0x11a: {  	[tilespmem:v34+s16+$0x0] =	vst.idx.msk $0xffff, v33  }
0x11b: {  	v33 =	vld [tilespmem:s12+$0xFFFFFFF0];
	_ =	sdelay $0x2  }
0x11c: {  	v34 =	vadd.s32 s14, v13  }
0x11d: {  	v34 =	vand.u32 $0x3FF8, v34  }
0x11e: {  	v34 =	vor.u32 v4, v34;
	v35 =	vand.u32 $0xFFFF, v33  }
0x11f: {  	v35 =	vmul.u32 $0xC, v35  }
0x120: {  	v33 =	vshra.s32 v33, $0x10  }
0x121: {  	v33 =	vadd.s32 v35, v33  }
0x122: {  	v33 =	vadd.s32 v19, v33  }
0x123: {  	[tilespmem:v34+s16+$0x0] =	vst.idx.msk $0xffff, v33  }
0x124: {  	v33 =	vld [tilespmem:s12+$0x0];
	_ =	sdelay $0x2  }
0x125: {  	v34 =	vadd.s32 s14, v14  }
0x126: {  	v34 =	vand.u32 $0x3FF8, v34  }
0x127: {  	v34 =	vor.u32 v27, v34;
	v35 =	vand.u32 $0xFFFF, v33  }
0x128: {  	v35 =	vmul.u32 $0xC, v35  }
0x129: {  	v33 =	vshra.s32 v33, $0x10  }
0x12a: {  	v33 =	vadd.s32 v35, v33  }
0x12b: {  	v33 =	vadd.s32 v20, v33  }
0x12c: {  	[tilespmem:v34+s16+$0x0] =	vst.idx.msk $0xffff, v33  }
0x12d: {  	v33 =	vld [tilespmem:s12+$0x10];
	_ =	sdelay $0x2  }
0x12e: {  	v34 =	vadd.s32 s14, v28  }
0x12f: {  	v34 =	vand.u32 $0x3FF8, v34  }
0x130: {  	v34 =	vor.u32 v5, v34;
	v35 =	vand.u32 $0xFFFF, v33  }
0x131: {  	v35 =	vmul.u32 $0xC, v35  }
0x132: {  	v33 =	vshra.s32 v33, $0x10  }
0x133: {  	v33 =	vadd.s32 v35, v33  }
0x134: {  	v33 =	vadd.s32 v21, v33  }
0x135: {  	[tilespmem:v34+s16+$0x0] =	vst.idx.msk $0xffff, v33  }
0x136: {  	v33 =	vld [tilespmem:s12+$0x20];
	_ =	sdelay $0x2  }
0x137: {  	v34 =	vadd.s32 s14, v29  }
0x138: {  	v34 =	vand.u32 $0x3FF8, v34  }
0x139: {  	v34 =	vor.u32 v6, v34;
	v35 =	vand.u32 $0xFFFF, v33  }
0x13a: {  	v35 =	vmul.u32 $0xC, v35  }
0x13b: {  	v33 =	vshra.s32 v33, $0x10  }
0x13c: {  	v33 =	vadd.s32 v35, v33  }
0x13d: {  	v33 =	vadd.s32 v22, v33  }
0x13e: {  	[tilespmem:v34+s16+$0x0] =	vst.idx.msk $0xffff, v33  }
0x13f: {  	v33 =	vld [tilespmem:s12+$0x30];
	_ =	sdelay $0x2  }
0x140: {  	v34 =	vadd.s32 s14, v30  }
0x141: {  	v34 =	vand.u32 $0x3FF8, v34  }
0x142: {  	v34 =	vor.u32 v7, v34;
	v35 =	vand.u32 $0xFFFF, v33  }
0x143: {  	v35 =	vmul.u32 $0xC, v35  }
0x144: {  	v33 =	vshra.s32 v33, $0x10  }
0x145: {  	v33 =	vadd.s32 v35, v33  }
0x146: {  	v33 =	vadd.s32 v23, v33  }
0x147: {  	[tilespmem:v34+s16+$0x0] =	vst.idx.msk $0xffff, v33  }
0x148: {  	v33 =	vld [tilespmem:s12+$0x40];
	_ =	sdelay $0x2  }
0x149: {  	v34 =	vadd.s32 s14, v31  }
0x14a: {  	v34 =	vand.u32 $0x3FF8, v34  }
0x14b: {  	v34 =	vor.u32 v8, v34;
	v35 =	vand.u32 $0xFFFF, v33  }
0x14c: {  	v35 =	vmul.u32 $0xC, v35  }
0x14d: {  	v33 =	vshra.s32 v33, $0x10  }
0x14e: {  	v33 =	vadd.s32 v35, v33  }
0x14f: {  	v33 =	vadd.s32 v24, v33  }
0x150: {  	[tilespmem:v34+s16+$0x0] =	vst.idx.msk $0xffff, v33  }
0x151: {  	v34 =	vld [tilespmem:s12+$0x50];
	_ =	sdelay $0x2  }
0x152: {  	v33 =	vadd.s32 s14, v32  }
0x153: {  	v33 =	vand.u32 $0x3FF8, v33  }
.Ltmp2:
0x154: {  	v33 =	vor.u32 v26, v33;
	v35 =	vand.u32 $0xFFFF, v34;
	(pc) =	sbr.rel @p0 .LBB2_2-.Ltmp2, $4  }
0x155: {  	v35 =	vmul.u32 $0xC, v35  }
0x156: {  	v34 =	vshra.s32 v34, $0x10  }
0x157: {  	v34 =	vadd.s32 v35, v34  }
0x158: {  	v34 =	vadd.s32 v25, v34  }
0x159: {  	_ =	sdelay $0x3  }
0x15a: {  	[tilespmem:v33+s16+$0x0] =	vst.idx.msk $0xffff, v34  }
0x15b: {  	[tilespmem:s18], [sflag:$0x1] =	stream.indirect.gather [hbm4b:s1+s17], $0x80, s16, s17, $0xb8;
	[tilespmem:$0x18C00] =	vst v63  }
0x15c: {  	s12 =	simm.s32 $0x1658  }
0x15d: {  	[tilespmem:s20], [sflag:$0x2] =	stream.indirect.gather [hbm4b:s1+s17], $0x80, s12, s17, $0xb8;
	[tilespmem:$0x18C00] =	vst v63  }
0x15e: {  	s13 =	simm.s32 $0x16B0  }
0x15f: {  	[tilespmem:s22], [sflag:$0x3] =	stream.indirect.gather [hbm4b:s1+s17], $0x80, s13, s17, $0xb8;
	[tilespmem:$0x18C00] =	vst v63  }
0x160: {  	s14 =	simm.s32 $0x1708  }
0x161: {  	[tilespmem:s24], [sflag:$0x4] =	stream.indirect.gather [hbm4b:s1+s17], $0x80, s14, s17, $0xb8;
	[tilespmem:$0x18C00] =	vst v63  }
0x162: {  	s13 =	simm.s32 $0x1760  }
0x163: {  	[tilespmem:s26], [sflag:$0x5] =	stream.indirect.gather [hbm4b:s1+s17], $0x80, s13, s17, $0xb8;
	[tilespmem:$0x18C00] =	vst v63  }
0x164: {  	s14 =	simm.s32 $0x17B8  }
0x165: {  	[tilespmem:s29], [sflag:$0x6] =	stream.indirect.gather [hbm4b:s1+s17], $0x80, s14, s17, $0xb8;
	[tilespmem:$0x18C00] =	vst v63  }
0x166: {  	s13 =	simm.s32 $0x1810  }
0x167: {  	[tilespmem:s31], [sflag:$0x7] =	stream.indirect.gather [hbm4b:s1+s17], $0x80, s13, s17, $0xb8;
	[tilespmem:$0x18C00] =	vst v63  }
0x168: {  	s12 =	simm.s32 $0x0;
	s14 =	simm.s32 $0x1868;
	s13 =	rddreg [dreg:$0x2]  }
0x169: {  	[tilespmem:s0], [sflag:$0x8] =	stream.indirect.gather [hbm4b:s1+s17], $0x80, s14, s17, $0xb8;
	[tilespmem:$0x18C00] =	vst v63  }
.LBB2_4:
0x16a: {  	_ =	swait.ge [sflag:s3], $0x2C00  }
0x16b: {  	[sflag:s3] =	ssyncset.done $0x0;
	s14 =	rddreg [dreg:$0xd]  }
0x16c: {  	[sflag:s3] =	ssyncadd.s32 $0xFFFFD400;
	s14 =	sadd.s32 s13, s14  }
0x16d: {  	[hbm4b:s14+s4] =	stream.linear.scatter [tilespmem:s18], [sflag:$0x9], $0x2C00, $0x38;
	[tilespmem:$0x18C00] =	vst v63  }
0x16e: {  	_ =	swait.ge [sflag:s19], $0x2C00  }
0x16f: {  	[sflag:s19] =	ssyncset.done $0x0;
	s14 =	rddreg [dreg:$0xc]  }
0x170: {  	[sflag:s19] =	ssyncadd.s32 $0xFFFFD400;
	s14 =	sadd.s32 s13, s14  }
0x171: {  	[hbm4b:s14+s4] =	stream.linear.scatter [tilespmem:s20], [sflag:$0xA], $0x2C00, $0x38;
	[tilespmem:$0x18C00] =	vst v63  }
0x172: {  	_ =	swait.ge [sflag:s21], $0x2C00  }
0x173: {  	[sflag:s21] =	ssyncset.done $0x0;
	s14 =	rddreg [dreg:$0xb]  }
0x174: {  	[sflag:s21] =	ssyncadd.s32 $0xFFFFD400;
	s14 =	sadd.s32 s13, s14  }
0x175: {  	[hbm4b:s14+s4] =	stream.linear.scatter [tilespmem:s22], [sflag:$0xB], $0x2C00, $0x38;
	[tilespmem:$0x18C00] =	vst v63  }
0x176: {  	_ =	swait.ge [sflag:s23], $0x2C00  }
0x177: {  	[sflag:s23] =	ssyncset.done $0x0;
	s14 =	rddreg [dreg:$0xa]  }
0x178: {  	[sflag:s23] =	ssyncadd.s32 $0xFFFFD400;
	s14 =	sadd.s32 s13, s14  }
0x179: {  	[hbm4b:s14+s4] =	stream.linear.scatter [tilespmem:s24], [sflag:$0xC], $0x2C00, $0x38;
	[tilespmem:$0x18C00] =	vst v63  }
0x17a: {  	_ =	swait.ge [sflag:s25], $0x2C00  }
0x17b: {  	[sflag:s25] =	ssyncset.done $0x0;
	s14 =	rddreg [dreg:$0x9]  }
0x17c: {  	[sflag:s25] =	ssyncadd.s32 $0xFFFFD400;
	s14 =	sadd.s32 s13, s14  }
0x17d: {  	[hbm4b:s14+s4] =	stream.linear.scatter [tilespmem:s26], [sflag:$0xD], $0x2C00, $0x38;
	[tilespmem:$0x18C00] =	vst v63  }
0x17e: {  	_ =	swait.ge [sflag:s28], $0x2C00  }
0x17f: {  	[sflag:s28] =	ssyncset.done $0x0;
	s14 =	rddreg [dreg:$0x8]  }
0x180: {  	[sflag:s28] =	ssyncadd.s32 $0xFFFFD400;
	s14 =	sadd.s32 s13, s14  }
0x181: {  	[hbm4b:s14+s4] =	stream.linear.scatter [tilespmem:s29], [sflag:$0xE], $0x2C00, $0x38;
	[tilespmem:$0x18C00] =	vst v63  }
0x182: {  	_ =	swait.ge [sflag:s30], $0x2C00  }
0x183: {  	[sflag:s30] =	ssyncset.done $0x0;
	s14 =	rddreg [dreg:$0x7]  }
0x184: {  	[sflag:s30] =	ssyncadd.s32 $0xFFFFD400;
	s14 =	sadd.s32 s13, s14  }
0x185: {  	[hbm4b:s14+s4] =	stream.linear.scatter [tilespmem:s31], [sflag:$0xF], $0x2C00, $0x38;
	[tilespmem:$0x18C00] =	vst v63  }
0x186: {  	_ =	swait.ge [sflag:s2], $0x2C00  }
0x187: {  	p0 =	seq.s32 s12, $0x4D00;
	[sflag:s2] =	ssyncset.done $0x0;
	s14 =	rddreg [dreg:$0x6]  }
.Ltmp3:
0x188: {  	[sflag:s2] =	ssyncadd.s32 $0xFFFFD400;
	s14 =	sadd.s32 s13, s14;
	(pc) =	sbr.rel @p0 .LBB2_6-.Ltmp3, $4  }
0x189: {  	[hbm4b:s14+s4] =	stream.linear.scatter [tilespmem:s0], [sflag:$0x10], $0x2C00, $0x38;
	[tilespmem:$0x18C00] =	vst v63  }
0x18a: {  	_ =	swait.ge [sflag:s5], $0x2C00  }
0x18b: {  	[sflag:s5] =	ssyncset.done $0x0  }
0x18c: {  	[sflag:s5] =	ssyncadd.s32 $0xFFFFD400  }
0x18d: {  	s14 =	sshra.s32 s12, $0x2  }
0x18e: {  	s20 =	simm.s32 $0x2C00;
	s18 =	sadd.s32 $0x18C0, s14  }
0x18f: {  	[tilespmem:s20], [sflag:$0x1] =	stream.indirect.gather [hbm4b:s1+s17], $0x80, s18, s17, $0xb8;
	[tilespmem:$0x18C00] =	vst v63  }
0x190: {  	_ =	swait.ge [sflag:s6], $0x2C00  }
0x191: {  	[sflag:s6] =	ssyncset.done $0x0  }
0x192: {  	s20 =	simm.s32 $0x5800;
	s18 =	sadd.s32 $0x1918, s14;
	[sflag:s6] =	ssyncadd.s32 $0xFFFFD400  }
0x193: {  	[tilespmem:s20], [sflag:$0x2] =	stream.indirect.gather [hbm4b:s1+s17], $0x80, s18, s17, $0xb8;
	[tilespmem:$0x18C00] =	vst v63  }
0x194: {  	_ =	swait.ge [sflag:s15], $0x2C00  }
0x195: {  	[sflag:s15] =	ssyncset.done $0x0  }
0x196: {  	s18 =	sadd.s32 $0x1970, s14;
	[sflag:s15] =	ssyncadd.s32 $0xFFFFD400  }
0x197: {  	[tilespmem:s22], [sflag:$0x3] =	stream.indirect.gather [hbm4b:s1+s17], $0x80, s18, s17, $0xb8;
	[tilespmem:$0x18C00] =	vst v63  }
0x198: {  	_ =	swait.ge [sflag:s7], $0x2C00  }
0x199: {  	[sflag:s7] =	ssyncset.done $0x0  }
0x19a: {  	s18 =	sadd.s32 $0x19C8, s14;
	[sflag:s7] =	ssyncadd.s32 $0xFFFFD400  }
0x19b: {  	[tilespmem:s24], [sflag:$0x4] =	stream.indirect.gather [hbm4b:s1+s17], $0x80, s18, s17, $0xb8;
	[tilespmem:$0x18C00] =	vst v63  }
0x19c: {  	_ =	swait.ge [sflag:s8], $0x2C00  }
0x19d: {  	[sflag:s8] =	ssyncset.done $0x0  }
0x19e: {  	s18 =	sadd.s32 $0x1A20, s14;
	[sflag:s8] =	ssyncadd.s32 $0xFFFFD400  }
0x19f: {  	[tilespmem:s26], [sflag:$0x5] =	stream.indirect.gather [hbm4b:s1+s17], $0x80, s18, s17, $0xb8;
	[tilespmem:$0x18C00] =	vst v63  }
0x1a0: {  	_ =	swait.ge [sflag:s9], $0x2C00  }
0x1a1: {  	[sflag:s9] =	ssyncset.done $0x0  }
0x1a2: {  	s18 =	sadd.s32 $0x1A78, s14;
	[sflag:s9] =	ssyncadd.s32 $0xFFFFD400  }
0x1a3: {  	[tilespmem:s29], [sflag:$0x6] =	stream.indirect.gather [hbm4b:s1+s17], $0x80, s18, s17, $0xb8;
	[tilespmem:$0x18C00] =	vst v63  }
0x1a4: {  	_ =	swait.ge [sflag:s10], $0x2C00  }
0x1a5: {  	[sflag:s10] =	ssyncset.done $0x0  }
0x1a6: {  	s18 =	sadd.s32 $0x1AD0, s14;
	[sflag:s10] =	ssyncadd.s32 $0xFFFFD400  }
0x1a7: {  	[tilespmem:s31], [sflag:$0x7] =	stream.indirect.gather [hbm4b:s1+s17], $0x80, s18, s17, $0xb8;
	[tilespmem:$0x18C00] =	vst v63  }
.Ltmp4:
0x1a8: {  	_ = 	snop;
	(pc) =	sbr.rel .LBB2_4-.Ltmp4, $4  }
0x1a9: {  	_ =	swait.ge [sflag:s11], $0x2C00  }
0x1aa: {  	s12 =	sadd.s32 $0xB00, s12;
	s13 =	sadd.s32 $0x2C00, s13;
	[sflag:s11] =	ssyncset.done $0x0  }
0x1ab: {  	s14 =	sadd.s32 $0x1B28, s14;
	s18 =	simm.s32 $0x2C00;
	[sflag:s11] =	ssyncadd.s32 $0xFFFFD400  }
0x1ac: {  	[tilespmem:s0], [sflag:$0x8] =	stream.indirect.gather [hbm4b:s1+s17], $0x80, s14, s17, $0xb8;
	[tilespmem:$0x18C00] =	vst v63  }
.LBB2_7:
0x1ad: {  	_ =	sfence.sel $0x180000  }
0x1ae: {  	[bflag:$0x0] =	sbarrier.arrive $0xFFFF  }
0x1af: {  	_ =	strace $0x90000047  }
0x1b0: {  	s0 =	stileid.u32;
	[bflag:$0x2] =	sbarrier.arrive $0xFFFF  }
0x1b1: {  	p0 =	sne.s32 s0, $0x0;
	s0 =	rddreg [dreg:$0x3]  }
0x1b2: {  	s0 =	sadd.s32 @!p0 $0x100000, s0  }
0x1b3: {  	[sflag:s0] =	ssyncadd.tile.s32 @!p0 $0x1;
	_ =	shalt  }
.Lfunc_end2:
_tile_overlayer_lowered:
.L_overlay_start_2:
0x1b4: {  	(tag) =	ssettag $0x2  }
0x1b5: {  	s0 =	rddreg [dreg:$0x0];
	s2 =	stileid.u32  }
0x1b6: {  	s1 =	rddreg [dreg:$0x1];
	p0 =	sne.s32 s2, $0x0  }
0x1b7: {  	s3 =	rddreg [dreg:$0x2];
	[bflag:$0x3] =	sbarrier.arrive $0xFFFF;
	s2 =	simm.s32 @!p0 $0x1C11  }
0x1b8: {  	[timem:s3], [sflag:s2] =	dma.local @!p0 [hbm:s0], s1  }
0x1b9: {  	s0 =	simm.s32 @!p0 $0x11  }
0x1ba: {  	_ =	swait.ge @!p0 [sflag:s0], s1  }
0x1bb: {  	s1 =	ssub.s32 @!p0 $0x0, s1;
	[sflag:s0] =	ssyncset.done @!p0 $0x0  }
0x1bc: {  	[sflag:s0] =	ssyncadd.s32 @!p0 s1  }
0x1bd: {  	[bflag:$0x3] =	sbarrier.arrive $0xFFFF  }
0x1be: {  	_ =	shalt  }

</sc_bundles>
